<compile_context>
chip_gen: v7x
topology: tpu7x:2x2x1
jax: 0.10.2.dev20260603
libtpu: 0.0.44.dev20260713+nightly
codegen_flags: <defaults>
</compile_context>

<pallas_src>
import functools

import jax
import jax.numpy as jnp
from jax import lax
from jax.experimental import pallas as pl
from jax.experimental.pallas import tpu as pltpu
from jax.experimental.pallas import tpu_sc as plsc

_N = 16384
_D = 16
_K_KDE = 100
_K_RIPS = 15
_SCALE = 0.5

_R = 128
_NITER = 18
_CAP = 128
_RIPS_CAND = 48
_BUF = 160

_SC_WORKERS = 32
_ROWS_PER_W = _N // _SC_WORKERS
_UNROLL = 4
_LANES = 16


def _dist_thresh_body(q_ref, dbt_ref, qsq_ref, dbsq_ref, d_ref, thr_ref):
    qb = q_ref[...]
    dbt = dbt_ref[...]
    mm = lax.dot_general(qb, dbt, (((1,), (0,)), ((), ())),
                         preferred_element_type=jnp.float32)
    qsq = qsq_ref[0, 0, :].reshape(_R, 1)
    dbsq = dbsq_ref[0, 0, :].reshape(1, _N)
    d = (qsq + dbsq) - 2.0 * mm
    d_ref[...] = d

    lo = jnp.min(d, axis=1, keepdims=True)
    hi = jnp.max(d, axis=1, keepdims=True)

    def step(_, carry):
        lo, hi = carry
        mid = 0.5 * (lo + hi)
        cnt = jnp.sum((d <= mid).astype(jnp.float32), axis=1, keepdims=True)
        ge = cnt >= float(_K_KDE)
        hi = jnp.where(ge, mid, hi)
        lo = jnp.where(ge, lo, mid)
        return lo, hi

    lo, hi = lax.fori_loop(0, _NITER, step, (lo, hi))
    thr_ref[...] = jnp.broadcast_to(hi, (_R, _LANES))


def _dist_and_thresholds(x, qsq):
    dbt = x.T
    qsq3 = qsq.reshape(_N // _R, 1, _R)
    dbsq3 = qsq.reshape(1, 1, _N)
    d, thr = pl.pallas_call(
        _dist_thresh_body,
        grid=(_N // _R,),
        in_specs=[
            pl.BlockSpec((_R, _D), lambda i: (i, 0)),
            pl.BlockSpec((_D, _N), lambda i: (0, 0)),
            pl.BlockSpec((1, 1, _R), lambda i: (i, 0, 0)),
            pl.BlockSpec((1, 1, _N), lambda i: (0, 0, 0)),
        ],
        out_specs=[
            pl.BlockSpec((_R, _N), lambda i: (i, 0)),
            pl.BlockSpec((_R, _LANES), lambda i: (i, 0)),
        ],
        out_shape=[
            jax.ShapeDtypeStruct((_N, _N), jnp.float32),
            jax.ShapeDtypeStruct((_N, _LANES), jnp.float32),
        ],
    )(x, dbt, qsq3, dbsq3)
    return d, thr


def _sc_compact_kernel(d_hbm, thr_hbm, dc_hbm, ic_hbm,
                       rbufA, rbufB, thrv, dbuf, ibuf, curref,
                       semA, semB):
    wid = lax.axis_index("s") * 2 + lax.axis_index("c")
    row0 = wid * _ROWS_PER_W

    pltpu.sync_copy(thr_hbm.at[pl.ds(row0 * _LANES, _ROWS_PER_W * _LANES)],
                    thrv)

    def _issue(row, buf, sem):
        r = jnp.minimum(row, _N - 1)
        pltpu.make_async_copy(d_hbm.at[pl.ds(r * _N, _N)], buf, sem).start()

    def _wait(buf, sem):
        pltpu.make_async_copy(d_hbm.at[pl.ds(0, _N)], buf, sem).wait()

    _issue(row0, rbufA, semA)

    def _process(rl, buf):
        row = row0 + rl
        tv = thrv[pl.ds(rl * _LANES, _LANES)]

        for k in range(_BUF // _LANES):
            dbuf[pl.ds(k * _LANES, _LANES)] = jnp.full(
                (_LANES,), jnp.inf, dtype=jnp.float32)
            ibuf[pl.ds(k * _LANES, _LANES)] = jnp.zeros((_LANES,), jnp.int32)
        curref[...] = jnp.zeros((_LANES,), jnp.int32)

        def vec_body(g, c2):
            base = g * (_UNROLL * _LANES)
            xs, ms, cs = [], [], []
            tot = jnp.int32(0)
            for u in range(_UNROLL):
                xv = buf[pl.ds(base + u * _LANES, _LANES)]
                m = xv <= tv
                xs.append(xv)
                ms.append(m)
                c = jnp.sum(m.astype(jnp.int32))
                cs.append(c)
                tot = tot + c

            @pl.when(tot > 0)
            def _():
                cur = curref[...]
                one16 = jnp.full((_LANES,), 1, dtype=jnp.int32)
                for u in range(_UNROLL):
                    pos = (cur + plsc.cumsum(ms[u].astype(jnp.int32))) - one16
                    civ = (jnp.full((_LANES,), base + u * _LANES, jnp.int32)
                           + lax.iota(jnp.int32, _LANES))
                    plsc.store_scatter(dbuf, [pos], xs[u], mask=ms[u])
                    plsc.store_scatter(ibuf, [pos], civ, mask=ms[u])
                    cur = cur + plsc.all_reduce_population_count(ms[u])
                curref[...] = cur

            return c2

        lax.fori_loop(0, _N // (_UNROLL * _LANES), vec_body, jnp.int32(0))

        def _ce(a, b):
            (ka, va), (kb, vb) = a, b
            sel = ka <= kb
            lo = (jnp.where(sel, ka, kb), jnp.where(sel, va, vb))
            hi = (jnp.where(sel, kb, ka), jnp.where(sel, vb, va))
            return lo, hi

        def _vsort(kv):
            sk, sv = plsc.sort_key_val(kv[0], kv[1])
            return (sk, sv)

        def _cleanup(xs):
            if len(xs) == 1:
                return [_vsort(xs[0])]
            half = len(xs) // 2
            los, his = [], []
            for i in range(half):
                lo, hi = _ce(xs[i], xs[i + half])
                los.append(lo)
                his.append(hi)
            return _cleanup(los) + _cleanup(his)

        def _bmerge(A, B):
            los, his = [], []
            for i in range(len(A)):
                kb, vb = B[len(A) - 1 - i]
                lo, hi = _ce(A[i], (lax.rev(kb, (0,)), lax.rev(vb, (0,))))
                los.append(lo)
                his.append(hi)
            return _cleanup(los) + _cleanup(his)

        runs = []
        for k in range(_CAP // _LANES):
            runs.append([_vsort((dbuf[pl.ds(k * _LANES, _LANES)],
                                 ibuf[pl.ds(k * _LANES, _LANES)]))])
        while len(runs) > 1:
            runs = [_bmerge(runs[i], runs[i + 1])
                    for i in range(0, len(runs), 2)]
        for k, (kk, vv) in enumerate(runs[0]):
            dbuf[pl.ds(k * _LANES, _LANES)] = kk
            ibuf[pl.ds(k * _LANES, _LANES)] = vv

        pltpu.sync_copy(dbuf.at[pl.ds(0, _CAP)],
                        dc_hbm.at[pl.ds(row * _CAP, _CAP)])
        pltpu.sync_copy(ibuf.at[pl.ds(0, _CAP)],
                        ic_hbm.at[pl.ds(row * _CAP, _CAP)])

    def pair_body(p, _):
        rl = p * 2
        _wait(rbufA, semA)
        _issue(row0 + rl + 1, rbufB, semB)
        _process(rl, rbufA)
        _wait(rbufB, semB)
        _issue(row0 + rl + 2, rbufA, semA)
        _process(rl + 1, rbufB)
        return _

    lax.fori_loop(0, _ROWS_PER_W // 2, pair_body, jnp.int32(0))
    _wait(rbufA, semA)


def _sc_compact(d_flat, thr_flat):
    mesh = plsc.VectorSubcoreMesh(core_axis_name="c", subcore_axis_name="s")
    f = pl.kernel(
        _sc_compact_kernel,
        mesh=mesh,
        compiler_params=pltpu.CompilerParams(needs_layout_passes=False),
        out_type=[
            jax.ShapeDtypeStruct((_N * _CAP,), jnp.float32),
            jax.ShapeDtypeStruct((_N * _CAP,), jnp.int32),
        ],
        scratch_types=[
            pltpu.VMEM((_N,), jnp.float32),
            pltpu.VMEM((_N,), jnp.float32),
            pltpu.VMEM((_ROWS_PER_W * _LANES,), jnp.float32),
            pltpu.VMEM((_BUF,), jnp.float32),
            pltpu.VMEM((_BUF,), jnp.int32),
            pltpu.VMEM((_LANES,), jnp.int32),
            pltpu.SemaphoreType.DMA,
            pltpu.SemaphoreType.DMA,
        ],
    )
    return f(d_flat, thr_flat)


def _sc_remap_kernel(sidx_hbm, ic_hbm, out_hbm, sbuf, inv, rbuf):
    wid = lax.axis_index("s") * 2 + lax.axis_index("c")

    pltpu.sync_copy(sidx_hbm, sbuf)

    def build(k, c):
        sv = sbuf[pl.ds(k * _LANES, _LANES)]
        posv = (jnp.full((_LANES,), k * _LANES, jnp.int32)
                + lax.iota(jnp.int32, _LANES))
        plsc.store_scatter(inv, [sv], posv)
        return c

    lax.fori_loop(0, _N // _LANES, build, jnp.int32(0))

    npw = _ROWS_PER_W * _RIPS_CAND
    base = wid * npw
    pltpu.sync_copy(ic_hbm.at[pl.ds(base, npw)], rbuf)

    def remap(k, c):
        iv = rbuf[pl.ds(k * _LANES, _LANES)]
        rbuf[pl.ds(k * _LANES, _LANES)] = plsc.load_gather(inv, [iv])
        return c

    lax.fori_loop(0, npw // _LANES, remap, jnp.int32(0))
    pltpu.sync_copy(rbuf, out_hbm.at[pl.ds(base, npw)])


def _sc_remap(sorted_idxs, ic48_flat):
    mesh = plsc.VectorSubcoreMesh(core_axis_name="c", subcore_axis_name="s")
    f = pl.kernel(
        _sc_remap_kernel,
        mesh=mesh,
        compiler_params=pltpu.CompilerParams(needs_layout_passes=False),
        out_type=jax.ShapeDtypeStruct((_N * _RIPS_CAND,), jnp.int32),
        scratch_types=[
            pltpu.VMEM((_N,), jnp.int32),
            pltpu.VMEM((_N,), jnp.int32),
            pltpu.VMEM((_ROWS_PER_W * _RIPS_CAND,), jnp.int32),
        ],
    )
    return f(sorted_idxs, ic48_flat)


def kernel(x):
    x = x.astype(jnp.float32)
    qsq = jnp.sum(x * x, axis=1)

    d, thr = _dist_and_thresholds(x, qsq)

    dc_flat, ic_flat = _sc_compact(d.reshape(-1), thr.reshape(-1))
    dc = dc_flat.reshape(_N, _CAP)
    ic = ic_flat.reshape(_N, _CAP)

    ds_, is_ = dc, ic

    vals = ds_[:, :_K_KDE]
    density = jnp.sum(jnp.exp(-vals / _SCALE), axis=1) / (_K_KDE * _SCALE)
    density = density / jnp.max(density)

    sorted_idxs = jnp.argsort(density)
    density_sorted = density[sorted_idxs]

    dss = ds_[:, :_RIPS_CAND]
    ic48_flat = is_[:, :_RIPS_CAND].reshape(-1)
    pidx = _sc_remap(sorted_idxs, ic48_flat).reshape(_N, _RIPS_CAND)
    pidx_s, ds2 = lax.sort((pidx, dss), num_keys=1, is_stable=True)
    _, ps = lax.sort((ds2, pidx_s), num_keys=1, is_stable=True)
    rips_rows = ps[:, :_K_RIPS]
    rips_idxs = rips_rows[sorted_idxs]

    return density_sorted, rips_idxs

# --- scband reference (transcript-rebuilt; emitter-appended) ---
"""Pipeline reference for scband-tomato-15582141350410 (READ-ONLY COPY).

The authoritative reference and input builder live on the scoring server;
editing this copy changes nothing except your own understanding.
"""

import jax, jax.numpy as jnp
import numpy as np

N = 16384
D = 16
K_KDE = 100
K_RIPS = 15
SCALE = 0.5
CHUNK = 2048


def _knn_search(q, db, k):
    # Brute-force squared-L2 kNN, equivalent to faiss IndexFlatL2.search.
    # Chunked over queries to bound the pairwise-distance working set.
    db_sq = jnp.sum(db * db, axis=1)
    vals_list = []
    idx_list = []
    for s in range(0, q.shape[0], CHUNK):
        qc = q[s:s + CHUNK]
        qc_sq = jnp.sum(qc * qc, axis=1)
        d = qc_sq[:, None] + db_sq[None, :] - 2.0 * (qc @ db.T)
        neg_v, idx = jax.lax.top_k(-d, k)
        vals_list.append(-neg_v)
        idx_list.append(idx)
    return jnp.concatenate(vals_list, axis=0), jnp.concatenate(idx_list, axis=0)


def setup_inputs(seed: int = 0) -> dict:
    key = jax.random.key(seed)
    x = jax.random.normal(key, (N, D), dtype=jnp.float32)
    return {"x": x}


def reference(x):
    # compute_density_map: kNN KDE (self-inclusive, as in faiss search of x against x)
    vals, _ = _knn_search(x, x, K_KDE)
    density = jnp.sum(jnp.exp(-vals / SCALE), axis=1) / (K_KDE * SCALE)
    density = density / jnp.max(density)
    # sort points by ascending density (as in tomato())
    sorted_idxs = jnp.argsort(density)
    density_sorted = density[sorted_idxs]
    pc = x[sorted_idxs]
    # compute_rips: delta-Rips graph via kNN on the density-sorted point cloud
    _, rips_idxs = _knn_search(pc, pc, K_RIPS)
    return density_sorted, rips_idxs

if __name__ == "__main__":
    import jax
    _d = setup_inputs()
    print(jax.jit(kernel)(*tuple(_d.values())))

</pallas_src>

<mosaic_0001>
#map = affine_map<(d0, d1) -> (0)>
module attributes {stable_mosaic.version = 14 : i64} {
  func.func @_sc_compact_kernel(%arg0: i32, %arg1: i32, %arg2: memref<268435456xf32, #tpu.memory_space<hbm>>, %arg3: memref<262144xf32, #tpu.memory_space<hbm>>, %arg4: memref<2097152xf32, #tpu.memory_space<hbm>>, %arg5: memref<2097152xi32, #tpu.memory_space<hbm>>, %arg6: memref<16384xf32, #tpu.memory_space<vmem>>, %arg7: memref<16384xf32, #tpu.memory_space<vmem>>, %arg8: memref<8192xf32, #tpu.memory_space<vmem>>, %arg9: memref<160xf32, #tpu.memory_space<vmem>>, %arg10: memref<160xi32, #tpu.memory_space<vmem>>, %arg11: memref<16xi32, #tpu.memory_space<vmem>>, %arg12: memref<!tpu.dma_semaphore, #tpu.memory_space<semaphore_mem>>, %arg13: memref<!tpu.dma_semaphore, #tpu.memory_space<semaphore_mem>>) attributes {dimension_semantics = [#tpu.dimension_semantics<core_parallel>, #tpu.dimension_semantics<subcore_parallel>], iteration_bounds = array<i64: 2, 16>, scalar_prefetch = 0 : i64, scratch_operands = 8 : i64, tpu.core_type = #tpu.core_type<sc_vector_subcore>, window_params = [{transform_indices = #map}, {transform_indices = #map}, {transform_indices = #map}, {transform_indices = #map}]} {
    %mul3A = arith.constant 2 : i32
    %mul3A_0 = arith.muli %arg1, %mul3A : i32
    %add3A = arith.addi %mul3A_0, %arg0 : i32
    %mul3A_1 = arith.constant 512 : i32
    %mul3A_2 = arith.muli %add3A, %mul3A_1 : i32
    %mul3A_3 = arith.constant 16 : i32
    %mul3A_4 = arith.muli %mul3A_2, %mul3A_3 : i32
    "tpu.region"() ({
      %run_scoped3A = tpu.sem_alloc : memref<!tpu.dma_semaphore, #tpu.memory_space<semaphore_mem>>
      %dma_start3A_17 = tpu.memref_slice %arg3[%mul3A_4] : memref<262144xf32, #tpu.memory_space<hbm>> -> memref<8192xf32, #tpu.memory_space<hbm>>
      %dma_start3A_18 = tpu.memref_slice %arg3[%mul3A_4] : memref<262144xf32, #tpu.memory_space<hbm>> -> memref<8192xf32, #tpu.memory_space<hbm>>
      tpu.enqueue_dma source(%dma_start3A_18 : memref<8192xf32, #tpu.memory_space<hbm>>) target(%arg8 : memref<8192xf32, #tpu.memory_space<vmem>>) target_semaphore(%run_scoped3A : memref<!tpu.dma_semaphore, #tpu.memory_space<semaphore_mem>>)
      %dma_wait3A_19 = tpu.memref_slice %arg3[%mul3A_4] : memref<262144xf32, #tpu.memory_space<hbm>> -> memref<8192xf32, #tpu.memory_space<hbm>>
      %dma_wait3A_20 = tpu.memref_slice %arg3[%mul3A_4] : memref<262144xf32, #tpu.memory_space<hbm>> -> memref<8192xf32, #tpu.memory_space<hbm>>
      tpu.wait_dma2 semaphore(%run_scoped3A : memref<!tpu.dma_semaphore, #tpu.memory_space<semaphore_mem>>) src(%dma_wait3A_20 : memref<8192xf32, #tpu.memory_space<hbm>>) dst(%arg8 : memref<8192xf32, #tpu.memory_space<vmem>>)
      tpu.yield
    }) : () -> ()
    %min3A = arith.constant 16383 : i32
    %min3A_5 = arith.minsi %mul3A_2, %min3A : i32
    %mul3A_6 = arith.constant 16384 : i32
    %mul3A_7 = arith.muli %min3A_5, %mul3A_6 : i32
    %dma_start3A = tpu.memref_slice %arg2[%mul3A_7] : memref<268435456xf32, #tpu.memory_space<hbm>> -> memref<16384xf32, #tpu.memory_space<hbm>>
    %dma_start3A_8 = tpu.memref_slice %arg2[%mul3A_7] : memref<268435456xf32, #tpu.memory_space<hbm>> -> memref<16384xf32, #tpu.memory_space<hbm>>
    tpu.enqueue_dma source(%dma_start3A_8 : memref<16384xf32, #tpu.memory_space<hbm>>) target(%arg6 : memref<16384xf32, #tpu.memory_space<vmem>>) target_semaphore(%arg12 : memref<!tpu.dma_semaphore, #tpu.memory_space<semaphore_mem>>)
    %scan3A = arith.constant 0 : i32
    %scan3A_9 = arith.constant 0 : i32
    %scan3A_10 = arith.constant 256 : i32
    %scan3A_11 = arith.addi %scan3A_9, %scan3A_10 : i32
    %scan3A_12 = arith.constant 1 : i32
    scf.for %scan3A_17 = %scan3A_9 to %scan3A_11 step %scan3A_12  : i32 {
      %mul3A_18 = arith.constant 2 : i32
      %mul3A_19 = arith.muli %scan3A_17, %mul3A_18 : i32
      %dma_wait3A_20 = arith.constant 0 : i32
      %dma_wait3A_21 = tpu.memref_slice %arg2[%dma_wait3A_20] : memref<268435456xf32, #tpu.memory_space<hbm>> -> memref<16384xf32, #tpu.memory_space<hbm>>
      %dma_wait3A_22 = arith.constant 0 : i32
      %dma_wait3A_23 = tpu.memref_slice %arg2[%dma_wait3A_22] : memref<268435456xf32, #tpu.memory_space<hbm>> -> memref<16384xf32, #tpu.memory_space<hbm>>
      tpu.wait_dma2 semaphore(%arg12 : memref<!tpu.dma_semaphore, #tpu.memory_space<semaphore_mem>>) src(%dma_wait3A_23 : memref<16384xf32, #tpu.memory_space<hbm>>) dst(%arg6 : memref<16384xf32, #tpu.memory_space<vmem>>)
      %add3A_24 = arith.addi %mul3A_2, %mul3A_19 : i32
      %add3A_25 = arith.constant 1 : i32
      %add3A_26 = arith.addi %add3A_24, %add3A_25 : i32
      %min3A_27 = arith.constant 16383 : i32
      %min3A_28 = arith.minsi %add3A_26, %min3A_27 : i32
      %mul3A_29 = arith.constant 16384 : i32
      %mul3A_30 = arith.muli %min3A_28, %mul3A_29 : i32
      %dma_start3A_31 = tpu.memref_slice %arg2[%mul3A_30] : memref<268435456xf32, #tpu.memory_space<hbm>> -> memref<16384xf32, #tpu.memory_space<hbm>>
      %dma_start3A_32 = tpu.memref_slice %arg2[%mul3A_30] : memref<268435456xf32, #tpu.memory_space<hbm>> -> memref<16384xf32, #tpu.memory_space<hbm>>
      tpu.enqueue_dma source(%dma_start3A_32 : memref<16384xf32, #tpu.memory_space<hbm>>) target(%arg7 : memref<16384xf32, #tpu.memory_space<vmem>>) target_semaphore(%arg13 : memref<!tpu.dma_semaphore, #tpu.memory_space<semaphore_mem>>)
      %add3A_33 = arith.addi %mul3A_2, %mul3A_19 : i32
      %mul3A_34 = arith.constant 16 : i32
      %mul3A_35 = arith.muli %mul3A_19, %mul3A_34 : i32
      %get3A = arith.index_cast %mul3A_35 : i32 to index
      %get3A_36 = tpu.vector_load %arg8[%get3A] {strides = array<i32>} : memref<8192xf32, #tpu.memory_space<vmem>>, vector<16xf32>,
      %broadcast_in_dim3A = arith.constant 0x7F800000 : f32
      %broadcast_in_dim3A_37 = vector.broadcast %broadcast_in_dim3A : f32 to vector<16xf32>
      %swap3A = arith.constant 0 : index
      %swap3A_38 = tpu.vector_load %arg9[%swap3A] {strides = array<i32>} : memref<160xf32, #tpu.memory_space<vmem>>, vector<16xf32>,
      tpu.vector_store %arg9[%swap3A], %broadcast_in_dim3A_37 {strides = array<i32>} : memref<160xf32, #tpu.memory_space<vmem>>, vector<16xf32>,
      %broadcast_in_dim3A_39 = arith.constant 0 : i32
      %broadcast_in_dim3A_40 = vector.broadcast %broadcast_in_dim3A_39 : i32 to vector<16xi32>
      %swap3A_41 = arith.constant 0 : index
      %swap3A_42 = tpu.vector_load %arg10[%swap3A_41] {strides = array<i32>} : memref<160xi32, #tpu.memory_space<vmem>>, vector<16xi32>,
      tpu.vector_store %arg10[%swap3A_41], %broadcast_in_dim3A_40 {strides = array<i32>} : memref<160xi32, #tpu.memory_space<vmem>>, vector<16xi32>,
      %broadcast_in_dim3A_43 = arith.constant 0x7F800000 : f32
      %broadcast_in_dim3A_44 = vector.broadcast %broadcast_in_dim3A_43 : f32 to vector<16xf32>
      %swap3A_45 = arith.constant 16 : index
      %swap3A_46 = tpu.vector_load %arg9[%swap3A_45] {strides = array<i32>} : memref<160xf32, #tpu.memory_space<vmem>>, vector<16xf32>,
      tpu.vector_store %arg9[%swap3A_45], %broadcast_in_dim3A_44 {strides = array<i32>} : memref<160xf32, #tpu.memory_space<vmem>>, vector<16xf32>,
      %broadcast_in_dim3A_47 = arith.constant 0 : i32
      %broadcast_in_dim3A_48 = vector.broadcast %broadcast_in_dim3A_47 : i32 to vector<16xi32>
      %swap3A_49 = arith.constant 16 : index
      %swap3A_50 = tpu.vector_load %arg10[%swap3A_49] {strides = array<i32>} : memref<160xi32, #tpu.memory_space<vmem>>, vector<16xi32>,
      tpu.vector_store %arg10[%swap3A_49], %broadcast_in_dim3A_48 {strides = array<i32>} : memref<160xi32, #tpu.memory_space<vmem>>, vector<16xi32>,
      %broadcast_in_dim3A_51 = arith.constant 0x7F800000 : f32
      %broadcast_in_dim3A_52 = vector.broadcast %broadcast_in_dim3A_51 : f32 to vector<16xf32>
      %swap3A_53 = arith.constant 32 : index
      %swap3A_54 = tpu.vector_load %arg9[%swap3A_53] {strides = array<i32>} : memref<160xf32, #tpu.memory_space<vmem>>, vector<16xf32>,
      tpu.vector_store %arg9[%swap3A_53], %broadcast_in_dim3A_52 {strides = array<i32>} : memref<160xf32, #tpu.memory_space<vmem>>, vector<16xf32>,
      %broadcast_in_dim3A_55 = arith.constant 0 : i32
      %broadcast_in_dim3A_56 = vector.broadcast %broadcast_in_dim3A_55 : i32 to vector<16xi32>
      %swap3A_57 = arith.constant 32 : index
      %swap3A_58 = tpu.vector_load %arg10[%swap3A_57] {strides = array<i32>} : memref<160xi32, #tpu.memory_space<vmem>>, vector<16xi32>,
      tpu.vector_store %arg10[%swap3A_57], %broadcast_in_dim3A_56 {strides = array<i32>} : memref<160xi32, #tpu.memory_space<vmem>>, vector<16xi32>,
      %broadcast_in_dim3A_59 = arith.constant 0x7F800000 : f32
      %broadcast_in_dim3A_60 = vector.broadcast %broadcast_in_dim3A_59 : f32 to vector<16xf32>
      %swap3A_61 = arith.constant 48 : index
      %swap3A_62 = tpu.vector_load %arg9[%swap3A_61] {strides = array<i32>} : memref<160xf32, #tpu.memory_space<vmem>>, vector<16xf32>,
      tpu.vector_store %arg9[%swap3A_61], %broadcast_in_dim3A_60 {strides = array<i32>} : memref<160xf32, #tpu.memory_space<vmem>>, vector<16xf32>,
      %broadcast_in_dim3A_63 = arith.constant 0 : i32
      %broadcast_in_dim3A_64 = vector.broadcast %broadcast_in_dim3A_63 : i32 to vector<16xi32>
      %swap3A_65 = arith.constant 48 : index
      %swap3A_66 = tpu.vector_load %arg10[%swap3A_65] {strides = array<i32>} : memref<160xi32, #tpu.memory_space<vmem>>, vector<16xi32>,
      tpu.vector_store %arg10[%swap3A_65], %broadcast_in_dim3A_64 {strides = array<i32>} : memref<160xi32, #tpu.memory_space<vmem>>, vector<16xi32>,
      %broadcast_in_dim3A_67 = arith.constant 0x7F800000 : f32
      %broadcast_in_dim3A_68 = vector.broadcast %broadcast_in_dim3A_67 : f32 to vector<16xf32>
      %swap3A_69 = arith.constant 64 : index
      %swap3A_70 = tpu.vector_load %arg9[%swap3A_69] {strides = array<i32>} : memref<160xf32, #tpu.memory_space<vmem>>, vector<16xf32>,
      tpu.vector_store %arg9[%swap3A_69], %broadcast_in_dim3A_68 {strides = array<i32>} : memref<160xf32, #tpu.memory_space<vmem>>, vector<16xf32>,
      %broadcast_in_dim3A_71 = arith.constant 0 : i32
      %broadcast_in_dim3A_72 = vector.broadcast %broadcast_in_dim3A_71 : i32 to vector<16xi32>
      %swap3A_73 = arith.constant 64 : index
      %swap3A_74 = tpu.vector_load %arg10[%swap3A_73] {strides = array<i32>} : memref<160xi32, #tpu.memory_space<vmem>>, vector<16xi32>,
      tpu.vector_store %arg10[%swap3A_73], %broadcast_in_dim3A_72 {strides = array<i32>} : memref<160xi32, #tpu.memory_space<vmem>>, vector<16xi32>,
      %broadcast_in_dim3A_75 = arith.constant 0x7F800000 : f32
      %broadcast_in_dim3A_76 = vector.broadcast %broadcast_in_dim3A_75 : f32 to vector<16xf32>
      %swap3A_77 = arith.constant 80 : index
      %swap3A_78 = tpu.vector_load %arg9[%swap3A_77] {strides = array<i32>} : memref<160xf32, #tpu.memory_space<vmem>>, vector<16xf32>,
      tpu.vector_store %arg9[%swap3A_77], %broadcast_in_dim3A_76 {strides = array<i32>} : memref<160xf32, #tpu.memory_space<vmem>>, vector<16xf32>,
      %broadcast_in_dim3A_79 = arith.constant 0 : i32
      %broadcast_in_dim3A_80 = vector.broadcast %broadcast_in_dim3A_79 : i32 to vector<16xi32>
      %swap3A_81 = arith.constant 80 : index
      %swap3A_82 = tpu.vector_load %arg10[%swap3A_81] {strides = array<i32>} : memref<160xi32, #tpu.memory_space<vmem>>, vector<16xi32>,
      tpu.vector_store %arg10[%swap3A_81], %broadcast_in_dim3A_80 {strides = array<i32>} : memref<160xi32, #tpu.memory_space<vmem>>, vector<16xi32>,
      %broadcast_in_dim3A_83 = arith.constant 0x7F800000 : f32
      %broadcast_in_dim3A_84 = vector.broadcast %broadcast_in_dim3A_83 : f32 to vector<16xf32>
      %swap3A_85 = arith.constant 96 : index
      %swap3A_86 = tpu.vector_load %arg9[%swap3A_85] {strides = array<i32>} : memref<160xf32, #tpu.memory_space<vmem>>, vector<16xf32>,
      tpu.vector_store %arg9[%swap3A_85], %broadcast_in_dim3A_84 {strides = array<i32>} : memref<160xf32, #tpu.memory_space<vmem>>, vector<16xf32>,
      %broadcast_in_dim3A_87 = arith.constant 0 : i32
      %broadcast_in_dim3A_88 = vector.broadcast %broadcast_in_dim3A_87 : i32 to vector<16xi32>
      %swap3A_89 = arith.constant 96 : index
      %swap3A_90 = tpu.vector_load %arg10[%swap3A_89] {strides = array<i32>} : memref<160xi32, #tpu.memory_space<vmem>>, vector<16xi32>,
      tpu.vector_store %arg10[%swap3A_89], %broadcast_in_dim3A_88 {strides = array<i32>} : memref<160xi32, #tpu.memory_space<vmem>>, vector<16xi32>,
      %broadcast_in_dim3A_91 = arith.constant 0x7F800000 : f32
      %broadcast_in_dim3A_92 = vector.broadcast %broadcast_in_dim3A_91 : f32 to vector<16xf32>
      %swap3A_93 = arith.constant 112 : index
      %swap3A_94 = tpu.vector_load %arg9[%swap3A_93] {strides = array<i32>} : memref<160xf32, #tpu.memory_space<vmem>>, vector<16xf32>,
      tpu.vector_store %arg9[%swap3A_93], %broadcast_in_dim3A_92 {strides = array<i32>} : memref<160xf32, #tpu.memory_space<vmem>>, vector<16xf32>,
      %broadcast_in_dim3A_95 = arith.constant 0 : i32
      %broadcast_in_dim3A_96 = vector.broadcast %broadcast_in_dim3A_95 : i32 to vector<16xi32>
      %swap3A_97 = arith.constant 112 : index
      %swap3A_98 = tpu.vector_load %arg10[%swap3A_97] {strides = array<i32>} : memref<160xi32, #tpu.memory_space<vmem>>, vector<16xi32>,
      tpu.vector_store %arg10[%swap3A_97], %broadcast_in_dim3A_96 {strides = array<i32>} : memref<160xi32, #tpu.memory_space<vmem>>, vector<16xi32>,
      %broadcast_in_dim3A_99 = arith.constant 0x7F800000 : f32
      %broadcast_in_dim3A_100 = vector.broadcast %broadcast_in_dim3A_99 : f32 to vector<16xf32>
      %swap3A_101 = arith.constant 128 : index
      %swap3A_102 = tpu.vector_load %arg9[%swap3A_101] {strides = array<i32>} : memref<160xf32, #tpu.memory_space<vmem>>, vector<16xf32>,
      tpu.vector_store %arg9[%swap3A_101], %broadcast_in_dim3A_100 {strides = array<i32>} : memref<160xf32, #tpu.memory_space<vmem>>, vector<16xf32>,
      %broadcast_in_dim3A_103 = arith.constant 0 : i32
      %broadcast_in_dim3A_104 = vector.broadcast %broadcast_in_dim3A_103 : i32 to vector<16xi32>
      %swap3A_105 = arith.constant 128 : index
      %swap3A_106 = tpu.vector_load %arg10[%swap3A_105] {strides = array<i32>} : memref<160xi32, #tpu.memory_space<vmem>>, vector<16xi32>,
      tpu.vector_store %arg10[%swap3A_105], %broadcast_in_dim3A_104 {strides = array<i32>} : memref<160xi32, #tpu.memory_space<vmem>>, vector<16xi32>,
      %broadcast_in_dim3A_107 = arith.constant 0x7F800000 : f32
      %broadcast_in_dim3A_108 = vector.broadcast %broadcast_in_dim3A_107 : f32 to vector<16xf32>
      %swap3A_109 = arith.constant 144 : index
      %swap3A_110 = tpu.vector_load %arg9[%swap3A_109] {strides = array<i32>} : memref<160xf32, #tpu.memory_space<vmem>>, vector<16xf32>,
      tpu.vector_store %arg9[%swap3A_109], %broadcast_in_dim3A_108 {strides = array<i32>} : memref<160xf32, #tpu.memory_space<vmem>>, vector<16xf32>,
      %broadcast_in_dim3A_111 = arith.constant 0 : i32
      %broadcast_in_dim3A_112 = vector.broadcast %broadcast_in_dim3A_111 : i32 to vector<16xi32>
      %swap3A_113 = arith.constant 144 : index
      %swap3A_114 = tpu.vector_load %arg10[%swap3A_113] {strides = array<i32>} : memref<160xi32, #tpu.memory_space<vmem>>, vector<16xi32>,
      tpu.vector_store %arg10[%swap3A_113], %broadcast_in_dim3A_112 {strides = array<i32>} : memref<160xi32, #tpu.memory_space<vmem>>, vector<16xi32>,
      %broadcast_in_dim3A_115 = arith.constant 0 : i32
      %broadcast_in_dim3A_116 = vector.broadcast %broadcast_in_dim3A_115 : i32 to vector<16xi32>
      %swap3A_117 = arith.constant 0 : index
      %swap3A_118 = tpu.vector_load %arg11[%swap3A_117] {strides = array<i32>} : memref<16xi32, #tpu.memory_space<vmem>>, vector<16xi32>,
      tpu.vector_store %arg11[%swap3A_117], %broadcast_in_dim3A_116 {strides = array<i32>} : memref<16xi32, #tpu.memory_space<vmem>>, vector<16xi32>,
      %scan3A_119 = arith.constant 0 : i32
      %scan3A_120 = arith.constant 0 : i32
      %scan3A_121 = arith.constant 256 : i32
      %scan3A_122 = arith.addi %scan3A_120, %scan3A_121 : i32
      %scan3A_123 = arith.constant 1 : i32
      scf.for %scan3A_1103 = %scan3A_120 to %scan3A_122 step %scan3A_123  : i32 {
        %mul3A_1104 = arith.constant 64 : i32
        %mul3A_1105 = arith.muli %scan3A_1103, %mul3A_1104 : i32
        %add3A_1106 = arith.constant 0 : i32
        %add3A_1107 = arith.addi %mul3A_1105, %add3A_1106 : i32
        %get3A_1108 = arith.index_cast %add3A_1107 : i32 to index
        %get3A_1109 = tpu.vector_load %arg6[%get3A_1108] {strides = array<i32>} : memref<16384xf32, #tpu.memory_space<vmem>>, vector<16xf32>,
        %le3A_1110 = arith.cmpf ole, %get3A_1109, %get3A_36 : vector<16xf32>
        %convert_element_type3A = arith.extui %le3A_1110 : vector<16xi1> to vector<16xi32>
        %reduce_sum3A = arith.constant true
        %reduce_sum3A_1111 = vector.broadcast %reduce_sum3A : i1 to vector<16xi1>
        %reduce_sum3A_1112 = tpu.scan <sum>, %convert_element_type3A masked %reduce_sum3A_1111 : vector<16xi32>, vector<16xi1> -> vector<16xi32>
        %reduce_sum3A_1113 = vector.extract %reduce_sum3A_1112[15] : i32 from vector<16xi32>
        %add3A_1114 = arith.constant 0 : i32
        %add3A_1115 = arith.addi %add3A_1114, %reduce_sum3A_1113 : i32
        %add3A_1116 = arith.constant 16 : i32
        %add3A_1117 = arith.addi %mul3A_1105, %add3A_1116 : i32
        %get3A_1118 = arith.index_cast %add3A_1117 : i32 to index
        %get3A_1119 = tpu.vector_load %arg6[%get3A_1118] {strides = array<i32>} : memref<16384xf32, #tpu.memory_space<vmem>>, vector<16xf32>,
        %le3A_1120 = arith.cmpf ole, %get3A_1119, %get3A_36 : vector<16xf32>
        %convert_element_type3A_1121 = arith.extui %le3A_1120 : vector<16xi1> to vector<16xi32>
        %reduce_sum3A_1122 = arith.constant true
        %reduce_sum3A_1123 = vector.broadcast %reduce_sum3A_1122 : i1 to vector<16xi1>
        %reduce_sum3A_1124 = tpu.scan <sum>, %convert_element_type3A_1121 masked %reduce_sum3A_1123 : vector<16xi32>, vector<16xi1> -> vector<16xi32>
        %reduce_sum3A_1125 = vector.extract %reduce_sum3A_1124[15] : i32 from vector<16xi32>
        %add3A_1126 = arith.addi %add3A_1115, %reduce_sum3A_1125 : i32
        %add3A_1127 = arith.constant 32 : i32
        %add3A_1128 = arith.addi %mul3A_1105, %add3A_1127 : i32
        %get3A_1129 = arith.index_cast %add3A_1128 : i32 to index
        %get3A_1130 = tpu.vector_load %arg6[%get3A_1129] {strides = array<i32>} : memref<16384xf32, #tpu.memory_space<vmem>>, vector<16xf32>,
        %le3A_1131 = arith.cmpf ole, %get3A_1130, %get3A_36 : vector<16xf32>
        %convert_element_type3A_1132 = arith.extui %le3A_1131 : vector<16xi1> to vector<16xi32>
        %reduce_sum3A_1133 = arith.constant true
        %reduce_sum3A_1134 = vector.broadcast %reduce_sum3A_1133 : i1 to vector<16xi1>
        %reduce_sum3A_1135 = tpu.scan <sum>, %convert_element_type3A_1132 masked %reduce_sum3A_1134 : vector<16xi32>, vector<16xi1> -> vector<16xi32>
        %reduce_sum3A_1136 = vector.extract %reduce_sum3A_1135[15] : i32 from vector<16xi32>
        %add3A_1137 = arith.addi %add3A_1126, %reduce_sum3A_1136 : i32
        %add3A_1138 = arith.constant 48 : i32
        %add3A_1139 = arith.addi %mul3A_1105, %add3A_1138 : i32
        %get3A_1140 = arith.index_cast %add3A_1139 : i32 to index
        %get3A_1141 = tpu.vector_load %arg6[%get3A_1140] {strides = array<i32>} : memref<16384xf32, #tpu.memory_space<vmem>>, vector<16xf32>,
        %le3A_1142 = arith.cmpf ole, %get3A_1141, %get3A_36 : vector<16xf32>
        %convert_element_type3A_1143 = arith.extui %le3A_1142 : vector<16xi1> to vector<16xi32>
        %reduce_sum3A_1144 = arith.constant true
        %reduce_sum3A_1145 = vector.broadcast %reduce_sum3A_1144 : i1 to vector<16xi1>
        %reduce_sum3A_1146 = tpu.scan <sum>, %convert_element_type3A_1143 masked %reduce_sum3A_1145 : vector<16xi32>, vector<16xi1> -> vector<16xi32>
        %reduce_sum3A_1147 = vector.extract %reduce_sum3A_1146[15] : i32 from vector<16xi32>
        %add3A_1148 = arith.addi %add3A_1137, %reduce_sum3A_1147 : i32
        %gt3A = arith.constant 0 : i32
        %gt3A_1149 = arith.cmpi sgt, %add3A_1148, %gt3A : i32
        %convert_element_type3A_1150 = arith.extui %gt3A_1149 : i1 to i32
        %cond3A = arith.constant 0 : i32
        %cond3A_1151 = arith.cmpi ne, %convert_element_type3A_1150, %cond3A : i32
        scf.if %cond3A_1151 {
          %get3A_1152 = arith.constant 0 : index
          %get3A_1153 = tpu.vector_load %arg11[%get3A_1152] {strides = array<i32>} : memref<16xi32, #tpu.memory_space<vmem>>, vector<16xi32>,
          %broadcast_in_dim3A_1154 = arith.constant 1 : i32
          %broadcast_in_dim3A_1155 = vector.broadcast %broadcast_in_dim3A_1154 : i32 to vector<16xi32>
          %convert_element_type3A_1156 = arith.extui %le3A_1110 : vector<16xi1> to vector<16xi32>
          %broadcast_in_dim3A_1157 = arith.constant true
          %broadcast_in_dim3A_1158 = vector.broadcast %broadcast_in_dim3A_1157 : i1 to vector<16xi1>
          %masked_cumsum3A = tpu.scan <sum>, %convert_element_type3A_1156 masked %broadcast_in_dim3A_1158 : vector<16xi32>, vector<16xi1> -> vector<16xi32>
          %add3A_1159 = arith.addi %get3A_1153, %masked_cumsum3A : vector<16xi32>
          %sub3A = arith.subi %add3A_1159, %broadcast_in_dim3A_1155 : vector<16xi32>
          %add3A_1160 = arith.constant 0 : i32
          %add3A_1161 = arith.addi %mul3A_1105, %add3A_1160 : i32
          %broadcast_in_dim3A_1162 = vector.broadcast %add3A_1161 : i32 to vector<16xi32>
          %iota3A = tpu.iota {dimensions = array<i32: 0>} : vector<16xi32>
          %add3A_1163 = arith.addi %broadcast_in_dim3A_1162, %iota3A : vector<16xi32>
          tpu.vector_store_idx %arg9[%sub3A], %get3A_1109 masked %le3A_1110 : memref<160xf32, #tpu.memory_space<vmem>>[vector<16xi32>], vector<16xf32>, vector<16xi1>
          tpu.vector_store_idx %arg10[%sub3A], %add3A_1163 masked %le3A_1110 : memref<160xi32, #tpu.memory_space<vmem>>[vector<16xi32>], vector<16xi32>, vector<16xi1>
          %all_reduce_population_count3A = tpu.all_reduce %le3A_1110 {dim = 0 : i64, kind = #tpu.reduction_kind<sum>} : vector<16xi1> -> vector<16xi32>
          %add3A_1164 = arith.addi %get3A_1153, %all_reduce_population_count3A : vector<16xi32>
          %convert_element_type3A_1165 = arith.extui %le3A_1120 : vector<16xi1> to vector<16xi32>
          %broadcast_in_dim3A_1166 = arith.constant true
          %broadcast_in_dim3A_1167 = vector.broadcast %broadcast_in_dim3A_1166 : i1 to vector<16xi1>
          %masked_cumsum3A_1168 = tpu.scan <sum>, %convert_element_type3A_1165 masked %broadcast_in_dim3A_1167 : vector<16xi32>, vector<16xi1> -> vector<16xi32>
          %add3A_1169 = arith.addi %add3A_1164, %masked_cumsum3A_1168 : vector<16xi32>
          %sub3A_1170 = arith.subi %add3A_1169, %broadcast_in_dim3A_1155 : vector<16xi32>
          %add3A_1171 = arith.constant 16 : i32
          %add3A_1172 = arith.addi %mul3A_1105, %add3A_1171 : i32
          %broadcast_in_dim3A_1173 = vector.broadcast %add3A_1172 : i32 to vector<16xi32>
          %iota3A_1174 = tpu.iota {dimensions = array<i32: 0>} : vector<16xi32>
          %add3A_1175 = arith.addi %broadcast_in_dim3A_1173, %iota3A_1174 : vector<16xi32>
          tpu.vector_store_idx %arg9[%sub3A_1170], %get3A_1119 masked %le3A_1120 : memref<160xf32, #tpu.memory_space<vmem>>[vector<16xi32>], vector<16xf32>, vector<16xi1>
          tpu.vector_store_idx %arg10[%sub3A_1170], %add3A_1175 masked %le3A_1120 : memref<160xi32, #tpu.memory_space<vmem>>[vector<16xi32>], vector<16xi32>, vector<16xi1>
          %all_reduce_population_count3A_1176 = tpu.all_reduce %le3A_1120 {dim = 0 : i64, kind = #tpu.reduction_kind<sum>} : vector<16xi1> -> vector<16xi32>
          %add3A_1177 = arith.addi %add3A_1164, %all_reduce_population_count3A_1176 : vector<16xi32>
          %convert_element_type3A_1178 = arith.extui %le3A_1131 : vector<16xi1> to vector<16xi32>
          %broadcast_in_dim3A_1179 = arith.constant true
          %broadcast_in_dim3A_1180 = vector.broadcast %broadcast_in_dim3A_1179 : i1 to vector<16xi1>
          %masked_cumsum3A_1181 = tpu.scan <sum>, %convert_element_type3A_1178 masked %broadcast_in_dim3A_1180 : vector<16xi32>, vector<16xi1> -> vector<16xi32>
          %add3A_1182 = arith.addi %add3A_1177, %masked_cumsum3A_1181 : vector<16xi32>
          %sub3A_1183 = arith.subi %add3A_1182, %broadcast_in_dim3A_1155 : vector<16xi32>
          %add3A_1184 = arith.constant 32 : i32
          %add3A_1185 = arith.addi %mul3A_1105, %add3A_1184 : i32
          %broadcast_in_dim3A_1186 = vector.broadcast %add3A_1185 : i32 to vector<16xi32>
          %iota3A_1187 = tpu.iota {dimensions = array<i32: 0>} : vector<16xi32>
          %add3A_1188 = arith.addi %broadcast_in_dim3A_1186, %iota3A_1187 : vector<16xi32>
          tpu.vector_store_idx %arg9[%sub3A_1183], %get3A_1130 masked %le3A_1131 : memref<160xf32, #tpu.memory_space<vmem>>[vector<16xi32>], vector<16xf32>, vector<16xi1>
          tpu.vector_store_idx %arg10[%sub3A_1183], %add3A_1188 masked %le3A_1131 : memref<160xi32, #tpu.memory_space<vmem>>[vector<16xi32>], vector<16xi32>, vector<16xi1>
          %all_reduce_population_count3A_1189 = tpu.all_reduce %le3A_1131 {dim = 0 : i64, kind = #tpu.reduction_kind<sum>} : vector<16xi1> -> vector<16xi32>
          %add3A_1190 = arith.addi %add3A_1177, %all_reduce_population_count3A_1189 : vector<16xi32>
          %convert_element_type3A_1191 = arith.extui %le3A_1142 : vector<16xi1> to vector<16xi32>
          %broadcast_in_dim3A_1192 = arith.constant true
          %broadcast_in_dim3A_1193 = vector.broadcast %broadcast_in_dim3A_1192 : i1 to vector<16xi1>
          %masked_cumsum3A_1194 = tpu.scan <sum>, %convert_element_type3A_1191 masked %broadcast_in_dim3A_1193 : vector<16xi32>, vector<16xi1> -> vector<16xi32>
          %add3A_1195 = arith.addi %add3A_1190, %masked_cumsum3A_1194 : vector<16xi32>
          %sub3A_1196 = arith.subi %add3A_1195, %broadcast_in_dim3A_1155 : vector<16xi32>
          %add3A_1197 = arith.constant 48 : i32
          %add3A_1198 = arith.addi %mul3A_1105, %add3A_1197 : i32
          %broadcast_in_dim3A_1199 = vector.broadcast %add3A_1198 : i32 to vector<16xi32>
          %iota3A_1200 = tpu.iota {dimensions = array<i32: 0>} : vector<16xi32>
          %add3A_1201 = arith.addi %broadcast_in_dim3A_1199, %iota3A_1200 : vector<16xi32>
          tpu.vector_store_idx %arg9[%sub3A_1196], %get3A_1141 masked %le3A_1142 : memref<160xf32, #tpu.memory_space<vmem>>[vector<16xi32>], vector<16xf32>, vector<16xi1>
          tpu.vector_store_idx %arg10[%sub3A_1196], %add3A_1201 masked %le3A_1142 : memref<160xi32, #tpu.memory_space<vmem>>[vector<16xi32>], vector<16xi32>, vector<16xi1>
          %all_reduce_population_count3A_1202 = tpu.all_reduce %le3A_1142 {dim = 0 : i64, kind = #tpu.reduction_kind<sum>} : vector<16xi1> -> vector<16xi32>
          %add3A_1203 = arith.addi %add3A_1190, %all_reduce_population_count3A_1202 : vector<16xi32>
          %swap3A_1204 = arith.constant 0 : index
          %swap3A_1205 = tpu.vector_load %arg11[%swap3A_1204] {strides = array<i32>} : memref<16xi32, #tpu.memory_space<vmem>>, vector<16xi32>,
          tpu.vector_store %arg11[%swap3A_1204], %add3A_1203 {strides = array<i32>} : memref<16xi32, #tpu.memory_space<vmem>>, vector<16xi32>,
        } else {
        }
      }
      %scan3A_124 = arith.constant 256 : i32
      %get3A_125 = arith.constant 0 : index
      %get3A_126 = tpu.vector_load %arg9[%get3A_125] {strides = array<i32>} : memref<160xf32, #tpu.memory_space<vmem>>, vector<16xf32>,
      %get3A_127 = arith.constant 0 : index
      %get3A_128 = tpu.vector_load %arg10[%get3A_127] {strides = array<i32>} : memref<160xi32, #tpu.memory_space<vmem>>, vector<16xi32>,
      %masked_sort3A = arith.constant dense<true> : vector<16xi1>
      %masked_sort3A_129, %masked_sort3A_130, %masked_sort3A_131 = tpu.sort %get3A_126, %get3A_128 masked %masked_sort3A : (vector<16xf32>, vector<16xi32>, vector<16xi1>) -> (vector<16xi1>, vector<16xf32>, vector<16xi32>)
      %get3A_132 = arith.constant 16 : index
      %get3A_133 = tpu.vector_load %arg9[%get3A_132] {strides = array<i32>} : memref<160xf32, #tpu.memory_space<vmem>>, vector<16xf32>,
      %get3A_134 = arith.constant 16 : index
      %get3A_135 = tpu.vector_load %arg10[%get3A_134] {strides = array<i32>} : memref<160xi32, #tpu.memory_space<vmem>>, vector<16xi32>,
      %masked_sort3A_136 = arith.constant dense<true> : vector<16xi1>
      %masked_sort3A_137, %masked_sort3A_138, %masked_sort3A_139 = tpu.sort %get3A_133, %get3A_135 masked %masked_sort3A_136 : (vector<16xf32>, vector<16xi32>, vector<16xi1>) -> (vector<16xi1>, vector<16xf32>, vector<16xi32>)
      %get3A_140 = arith.constant 32 : index
      %get3A_141 = tpu.vector_load %arg9[%get3A_140] {strides = array<i32>} : memref<160xf32, #tpu.memory_space<vmem>>, vector<16xf32>,
      %get3A_142 = arith.constant 32 : index
      %get3A_143 = tpu.vector_load %arg10[%get3A_142] {strides = array<i32>} : memref<160xi32, #tpu.memory_space<vmem>>, vector<16xi32>,
      %masked_sort3A_144 = arith.constant dense<true> : vector<16xi1>
      %masked_sort3A_145, %masked_sort3A_146, %masked_sort3A_147 = tpu.sort %get3A_141, %get3A_143 masked %masked_sort3A_144 : (vector<16xf32>, vector<16xi32>, vector<16xi1>) -> (vector<16xi1>, vector<16xf32>, vector<16xi32>)
      %get3A_148 = arith.constant 48 : index
      %get3A_149 = tpu.vector_load %arg9[%get3A_148] {strides = array<i32>} : memref<160xf32, #tpu.memory_space<vmem>>, vector<16xf32>,
      %get3A_150 = arith.constant 48 : index
      %get3A_151 = tpu.vector_load %arg10[%get3A_150] {strides = array<i32>} : memref<160xi32, #tpu.memory_space<vmem>>, vector<16xi32>,
      %masked_sort3A_152 = arith.constant dense<true> : vector<16xi1>
      %masked_sort3A_153, %masked_sort3A_154, %masked_sort3A_155 = tpu.sort %get3A_149, %get3A_151 masked %masked_sort3A_152 : (vector<16xf32>, vector<16xi32>, vector<16xi1>) -> (vector<16xi1>, vector<16xf32>, vector<16xi32>)
      %get3A_156 = arith.constant 64 : index
      %get3A_157 = tpu.vector_load %arg9[%get3A_156] {strides = array<i32>} : memref<160xf32, #tpu.memory_space<vmem>>, vector<16xf32>,
      %get3A_158 = arith.constant 64 : index
      %get3A_159 = tpu.vector_load %arg10[%get3A_158] {strides = array<i32>} : memref<160xi32, #tpu.memory_space<vmem>>, vector<16xi32>,
      %masked_sort3A_160 = arith.constant dense<true> : vector<16xi1>
      %masked_sort3A_161, %masked_sort3A_162, %masked_sort3A_163 = tpu.sort %get3A_157, %get3A_159 masked %masked_sort3A_160 : (vector<16xf32>, vector<16xi32>, vector<16xi1>) -> (vector<16xi1>, vector<16xf32>, vector<16xi32>)
      %get3A_164 = arith.constant 80 : index
      %get3A_165 = tpu.vector_load %arg9[%get3A_164] {strides = array<i32>} : memref<160xf32, #tpu.memory_space<vmem>>, vector<16xf32>,
      %get3A_166 = arith.constant 80 : index
      %get3A_167 = tpu.vector_load %arg10[%get3A_166] {strides = array<i32>} : memref<160xi32, #tpu.memory_space<vmem>>, vector<16xi32>,
      %masked_sort3A_168 = arith.constant dense<true> : vector<16xi1>
      %masked_sort3A_169, %masked_sort3A_170, %masked_sort3A_171 = tpu.sort %get3A_165, %get3A_167 masked %masked_sort3A_168 : (vector<16xf32>, vector<16xi32>, vector<16xi1>) -> (vector<16xi1>, vector<16xf32>, vector<16xi32>)
      %get3A_172 = arith.constant 96 : index
      %get3A_173 = tpu.vector_load %arg9[%get3A_172] {strides = array<i32>} : memref<160xf32, #tpu.memory_space<vmem>>, vector<16xf32>,
      %get3A_174 = arith.constant 96 : index
      %get3A_175 = tpu.vector_load %arg10[%get3A_174] {strides = array<i32>} : memref<160xi32, #tpu.memory_space<vmem>>, vector<16xi32>,
      %masked_sort3A_176 = arith.constant dense<true> : vector<16xi1>
      %masked_sort3A_177, %masked_sort3A_178, %masked_sort3A_179 = tpu.sort %get3A_173, %get3A_175 masked %masked_sort3A_176 : (vector<16xf32>, vector<16xi32>, vector<16xi1>) -> (vector<16xi1>, vector<16xf32>, vector<16xi32>)
      %get3A_180 = arith.constant 112 : index
      %get3A_181 = tpu.vector_load %arg9[%get3A_180] {strides = array<i32>} : memref<160xf32, #tpu.memory_space<vmem>>, vector<16xf32>,
      %get3A_182 = arith.constant 112 : index
      %get3A_183 = tpu.vector_load %arg10[%get3A_182] {strides = array<i32>} : memref<160xi32, #tpu.memory_space<vmem>>, vector<16xi32>,
      %masked_sort3A_184 = arith.constant dense<true> : vector<16xi1>
      %masked_sort3A_185, %masked_sort3A_186, %masked_sort3A_187 = tpu.sort %get3A_181, %get3A_183 masked %masked_sort3A_184 : (vector<16xf32>, vector<16xi32>, vector<16xi1>) -> (vector<16xi1>, vector<16xf32>, vector<16xi32>)
      %rev3A = arith.constant 15 : i32
      %rev3A_188 = vector.broadcast %rev3A : i32 to vector<16xi32>
      %rev3A_189 = tpu.iota {dimensions = array<i32: 0>} : vector<16xi32>
      %rev3A_190 = arith.subi %rev3A_188, %rev3A_189 : vector<16xi32>
      %rev3A_191 = tpu.dynamic_gather %masked_sort3A_138[%rev3A_190] in [0] : vector<16xf32>, vector<16xi32> -> vector<16xf32>
      %rev3A_192 = arith.constant 15 : i32
      %rev3A_193 = vector.broadcast %rev3A_192 : i32 to vector<16xi32>
      %rev3A_194 = tpu.iota {dimensions = array<i32: 0>} : vector<16xi32>
      %rev3A_195 = arith.subi %rev3A_193, %rev3A_194 : vector<16xi32>
      %rev3A_196 = tpu.dynamic_gather %masked_sort3A_139[%rev3A_195] in [0] : vector<16xi32>, vector<16xi32> -> vector<16xi32>
      %le3A = arith.cmpf ole, %masked_sort3A_130, %rev3A_191 : vector<16xf32>
      %select_n3A = arith.select %le3A, %masked_sort3A_130, %rev3A_191 : vector<16xi1>, vector<16xf32>
      %select_n3A_197 = arith.select %le3A, %masked_sort3A_131, %rev3A_196 : vector<16xi1>, vector<16xi32>
      %select_n3A_198 = arith.select %le3A, %rev3A_191, %masked_sort3A_130 : vector<16xi1>, vector<16xf32>
      %select_n3A_199 = arith.select %le3A, %rev3A_196, %masked_sort3A_131 : vector<16xi1>, vector<16xi32>
      %masked_sort3A_200 = arith.constant dense<true> : vector<16xi1>
      %masked_sort3A_201, %masked_sort3A_202, %masked_sort3A_203 = tpu.sort %select_n3A, %select_n3A_197 masked %masked_sort3A_200 : (vector<16xf32>, vector<16xi32>, vector<16xi1>) -> (vector<16xi1>, vector<16xf32>, vector<16xi32>)
      %masked_sort3A_204 = arith.constant dense<true> : vector<16xi1>
      %masked_sort3A_205, %masked_sort3A_206, %masked_sort3A_207 = tpu.sort %select_n3A_198, %select_n3A_199 masked %masked_sort3A_204 : (vector<16xf32>, vector<16xi32>, vector<16xi1>) -> (vector<16xi1>, vector<16xf32>, vector<16xi32>)
      %rev3A_208 = arith.constant 15 : i32
      %rev3A_209 = vector.broadcast %rev3A_208 : i32 to vector<16xi32>
      %rev3A_210 = tpu.iota {dimensions = array<i32: 0>} : vector<16xi32>
      %rev3A_211 = arith.subi %rev3A_209, %rev3A_210 : vector<16xi32>
      %rev3A_212 = tpu.dynamic_gather %masked_sort3A_154[%rev3A_211] in [0] : vector<16xf32>, vector<16xi32> -> vector<16xf32>
      %rev3A_213 = arith.constant 15 : i32
      %rev3A_214 = vector.broadcast %rev3A_213 : i32 to vector<16xi32>
      %rev3A_215 = tpu.iota {dimensions = array<i32: 0>} : vector<16xi32>
      %rev3A_216 = arith.subi %rev3A_214, %rev3A_215 : vector<16xi32>
      %rev3A_217 = tpu.dynamic_gather %masked_sort3A_155[%rev3A_216] in [0] : vector<16xi32>, vector<16xi32> -> vector<16xi32>
      %le3A_218 = arith.cmpf ole, %masked_sort3A_146, %rev3A_212 : vector<16xf32>
      %select_n3A_219 = arith.select %le3A_218, %masked_sort3A_146, %rev3A_212 : vector<16xi1>, vector<16xf32>
      %select_n3A_220 = arith.select %le3A_218, %masked_sort3A_147, %rev3A_217 : vector<16xi1>, vector<16xi32>
      %select_n3A_221 = arith.select %le3A_218, %rev3A_212, %masked_sort3A_146 : vector<16xi1>, vector<16xf32>
      %select_n3A_222 = arith.select %le3A_218, %rev3A_217, %masked_sort3A_147 : vector<16xi1>, vector<16xi32>
      %masked_sort3A_223 = arith.constant dense<true> : vector<16xi1>
      %masked_sort3A_224, %masked_sort3A_225, %masked_sort3A_226 = tpu.sort %select_n3A_219, %select_n3A_220 masked %masked_sort3A_223 : (vector<16xf32>, vector<16xi32>, vector<16xi1>) -> (vector<16xi1>, vector<16xf32>, vector<16xi32>)
      %masked_sort3A_227 = arith.constant dense<true> : vector<16xi1>
      %masked_sort3A_228, %masked_sort3A_229, %masked_sort3A_230 = tpu.sort %select_n3A_221, %select_n3A_222 masked %masked_sort3A_227 : (vector<16xf32>, vector<16xi32>, vector<16xi1>) -> (vector<16xi1>, vector<16xf32>, vector<16xi32>)
      %rev3A_231 = arith.constant 15 : i32
      %rev3A_232 = vector.broadcast %rev3A_231 : i32 to vector<16xi32>
      %rev3A_233 = tpu.iota {dimensions = array<i32: 0>} : vector<16xi32>
      %rev3A_234 = arith.subi %rev3A_232, %rev3A_233 : vector<16xi32>
      %rev3A_235 = tpu.dynamic_gather %masked_sort3A_170[%rev3A_234] in [0] : vector<16xf32>, vector<16xi32> -> vector<16xf32>
      %rev3A_236 = arith.constant 15 : i32
      %rev3A_237 = vector.broadcast %rev3A_236 : i32 to vector<16xi32>
      %rev3A_238 = tpu.iota {dimensions = array<i32: 0>} : vector<16xi32>
      %rev3A_239 = arith.subi %rev3A_237, %rev3A_238 : vector<16xi32>
      %rev3A_240 = tpu.dynamic_gather %masked_sort3A_171[%rev3A_239] in [0] : vector<16xi32>, vector<16xi32> -> vector<16xi32>
      %le3A_241 = arith.cmpf ole, %masked_sort3A_162, %rev3A_235 : vector<16xf32>
      %select_n3A_242 = arith.select %le3A_241, %masked_sort3A_162, %rev3A_235 : vector<16xi1>, vector<16xf32>
      %select_n3A_243 = arith.select %le3A_241, %masked_sort3A_163, %rev3A_240 : vector<16xi1>, vector<16xi32>
      %select_n3A_244 = arith.select %le3A_241, %rev3A_235, %masked_sort3A_162 : vector<16xi1>, vector<16xf32>
      %select_n3A_245 = arith.select %le3A_241, %rev3A_240, %masked_sort3A_163 : vector<16xi1>, vector<16xi32>
      %masked_sort3A_246 = arith.constant dense<true> : vector<16xi1>
      %masked_sort3A_247, %masked_sort3A_248, %masked_sort3A_249 = tpu.sort %select_n3A_242, %select_n3A_243 masked %masked_sort3A_246 : (vector<16xf32>, vector<16xi32>, vector<16xi1>) -> (vector<16xi1>, vector<16xf32>, vector<16xi32>)
      %masked_sort3A_250 = arith.constant dense<true> : vector<16xi1>
      %masked_sort3A_251, %masked_sort3A_252, %masked_sort3A_253 = tpu.sort %select_n3A_244, %select_n3A_245 masked %masked_sort3A_250 : (vector<16xf32>, vector<16xi32>, vector<16xi1>) -> (vector<16xi1>, vector<16xf32>, vector<16xi32>)
      %rev3A_254 = arith.constant 15 : i32
      %rev3A_255 = vector.broadcast %rev3A_254 : i32 to vector<16xi32>
      %rev3A_256 = tpu.iota {dimensions = array<i32: 0>} : vector<16xi32>
      %rev3A_257 = arith.subi %rev3A_255, %rev3A_256 : vector<16xi32>
      %rev3A_258 = tpu.dynamic_gather %masked_sort3A_186[%rev3A_257] in [0] : vector<16xf32>, vector<16xi32> -> vector<16xf32>
      %rev3A_259 = arith.constant 15 : i32
      %rev3A_260 = vector.broadcast %rev3A_259 : i32 to vector<16xi32>
      %rev3A_261 = tpu.iota {dimensions = array<i32: 0>} : vector<16xi32>
      %rev3A_262 = arith.subi %rev3A_260, %rev3A_261 : vector<16xi32>
      %rev3A_263 = tpu.dynamic_gather %masked_sort3A_187[%rev3A_262] in [0] : vector<16xi32>, vector<16xi32> -> vector<16xi32>
      %le3A_264 = arith.cmpf ole, %masked_sort3A_178, %rev3A_258 : vector<16xf32>
      %select_n3A_265 = arith.select %le3A_264, %masked_sort3A_178, %rev3A_258 : vector<16xi1>, vector<16xf32>
      %select_n3A_266 = arith.select %le3A_264, %masked_sort3A_179, %rev3A_263 : vector<16xi1>, vector<16xi32>
      %select_n3A_267 = arith.select %le3A_264, %rev3A_258, %masked_sort3A_178 : vector<16xi1>, vector<16xf32>
      %select_n3A_268 = arith.select %le3A_264, %rev3A_263, %masked_sort3A_179 : vector<16xi1>, vector<16xi32>
      %masked_sort3A_269 = arith.constant dense<true> : vector<16xi1>
      %masked_sort3A_270, %masked_sort3A_271, %masked_sort3A_272 = tpu.sort %select_n3A_265, %select_n3A_266 masked %masked_sort3A_269 : (vector<16xf32>, vector<16xi32>, vector<16xi1>) -> (vector<16xi1>, vector<16xf32>, vector<16xi32>)
      %masked_sort3A_273 = arith.constant dense<true> : vector<16xi1>
      %masked_sort3A_274, %masked_sort3A_275, %masked_sort3A_276 = tpu.sort %select_n3A_267, %select_n3A_268 masked %masked_sort3A_273 : (vector<16xf32>, vector<16xi32>, vector<16xi1>) -> (vector<16xi1>, vector<16xf32>, vector<16xi32>)
      %rev3A_277 = arith.constant 15 : i32
      %rev3A_278 = vector.broadcast %rev3A_277 : i32 to vector<16xi32>
      %rev3A_279 = tpu.iota {dimensions = array<i32: 0>} : vector<16xi32>
      %rev3A_280 = arith.subi %rev3A_278, %rev3A_279 : vector<16xi32>
      %rev3A_281 = tpu.dynamic_gather %masked_sort3A_229[%rev3A_280] in [0] : vector<16xf32>, vector<16xi32> -> vector<16xf32>
      %rev3A_282 = arith.constant 15 : i32
      %rev3A_283 = vector.broadcast %rev3A_282 : i32 to vector<16xi32>
      %rev3A_284 = tpu.iota {dimensions = array<i32: 0>} : vector<16xi32>
      %rev3A_285 = arith.subi %rev3A_283, %rev3A_284 : vector<16xi32>
      %rev3A_286 = tpu.dynamic_gather %masked_sort3A_230[%rev3A_285] in [0] : vector<16xi32>, vector<16xi32> -> vector<16xi32>
      %le3A_287 = arith.cmpf ole, %masked_sort3A_202, %rev3A_281 : vector<16xf32>
      %select_n3A_288 = arith.select %le3A_287, %masked_sort3A_202, %rev3A_281 : vector<16xi1>, vector<16xf32>
      %select_n3A_289 = arith.select %le3A_287, %masked_sort3A_203, %rev3A_286 : vector<16xi1>, vector<16xi32>
      %select_n3A_290 = arith.select %le3A_287, %rev3A_281, %masked_sort3A_202 : vector<16xi1>, vector<16xf32>
      %select_n3A_291 = arith.select %le3A_287, %rev3A_286, %masked_sort3A_203 : vector<16xi1>, vector<16xi32>
      %rev3A_292 = arith.constant 15 : i32
      %rev3A_293 = vector.broadcast %rev3A_292 : i32 to vector<16xi32>
      %rev3A_294 = tpu.iota {dimensions = array<i32: 0>} : vector<16xi32>
      %rev3A_295 = arith.subi %rev3A_293, %rev3A_294 : vector<16xi32>
      %rev3A_296 = tpu.dynamic_gather %masked_sort3A_225[%rev3A_295] in [0] : vector<16xf32>, vector<16xi32> -> vector<16xf32>
      %rev3A_297 = arith.constant 15 : i32
      %rev3A_298 = vector.broadcast %rev3A_297 : i32 to vector<16xi32>
      %rev3A_299 = tpu.iota {dimensions = array<i32: 0>} : vector<16xi32>
      %rev3A_300 = arith.subi %rev3A_298, %rev3A_299 : vector<16xi32>
      %rev3A_301 = tpu.dynamic_gather %masked_sort3A_226[%rev3A_300] in [0] : vector<16xi32>, vector<16xi32> -> vector<16xi32>
      %le3A_302 = arith.cmpf ole, %masked_sort3A_206, %rev3A_296 : vector<16xf32>
      %select_n3A_303 = arith.select %le3A_302, %masked_sort3A_206, %rev3A_296 : vector<16xi1>, vector<16xf32>
      %select_n3A_304 = arith.select %le3A_302, %masked_sort3A_207, %rev3A_301 : vector<16xi1>, vector<16xi32>
      %select_n3A_305 = arith.select %le3A_302, %rev3A_296, %masked_sort3A_206 : vector<16xi1>, vector<16xf32>
      %select_n3A_306 = arith.select %le3A_302, %rev3A_301, %masked_sort3A_207 : vector<16xi1>, vector<16xi32>
      %le3A_307 = arith.cmpf ole, %select_n3A_288, %select_n3A_303 : vector<16xf32>
      %select_n3A_308 = arith.select %le3A_307, %select_n3A_288, %select_n3A_303 : vector<16xi1>, vector<16xf32>
      %select_n3A_309 = arith.select %le3A_307, %select_n3A_289, %select_n3A_304 : vector<16xi1>, vector<16xi32>
      %select_n3A_310 = arith.select %le3A_307, %select_n3A_303, %select_n3A_288 : vector<16xi1>, vector<16xf32>
      %select_n3A_311 = arith.select %le3A_307, %select_n3A_304, %select_n3A_289 : vector<16xi1>, vector<16xi32>
      %masked_sort3A_312 = arith.constant dense<true> : vector<16xi1>
      %masked_sort3A_313, %masked_sort3A_314, %masked_sort3A_315 = tpu.sort %select_n3A_308, %select_n3A_309 masked %masked_sort3A_312 : (vector<16xf32>, vector<16xi32>, vector<16xi1>) -> (vector<16xi1>, vector<16xf32>, vector<16xi32>)
      %masked_sort3A_316 = arith.constant dense<true> : vector<16xi1>
      %masked_sort3A_317, %masked_sort3A_318, %masked_sort3A_319 = tpu.sort %select_n3A_310, %select_n3A_311 masked %masked_sort3A_316 : (vector<16xf32>, vector<16xi32>, vector<16xi1>) -> (vector<16xi1>, vector<16xf32>, vector<16xi32>)
      %le3A_320 = arith.cmpf ole, %select_n3A_290, %select_n3A_305 : vector<16xf32>
      %select_n3A_321 = arith.select %le3A_320, %select_n3A_290, %select_n3A_305 : vector<16xi1>, vector<16xf32>
      %select_n3A_322 = arith.select %le3A_320, %select_n3A_291, %select_n3A_306 : vector<16xi1>, vector<16xi32>
      %select_n3A_323 = arith.select %le3A_320, %select_n3A_305, %select_n3A_290 : vector<16xi1>, vector<16xf32>
      %select_n3A_324 = arith.select %le3A_320, %select_n3A_306, %select_n3A_291 : vector<16xi1>, vector<16xi32>
      %masked_sort3A_325 = arith.constant dense<true> : vector<16xi1>
      %masked_sort3A_326, %masked_sort3A_327, %masked_sort3A_328 = tpu.sort %select_n3A_321, %select_n3A_322 masked %masked_sort3A_325 : (vector<16xf32>, vector<16xi32>, vector<16xi1>) -> (vector<16xi1>, vector<16xf32>, vector<16xi32>)
      %masked_sort3A_329 = arith.constant dense<true> : vector<16xi1>
      %masked_sort3A_330, %masked_sort3A_331, %masked_sort3A_332 = tpu.sort %select_n3A_323, %select_n3A_324 masked %masked_sort3A_329 : (vector<16xf32>, vector<16xi32>, vector<16xi1>) -> (vector<16xi1>, vector<16xf32>, vector<16xi32>)
      %rev3A_333 = arith.constant 15 : i32
      %rev3A_334 = vector.broadcast %rev3A_333 : i32 to vector<16xi32>
      %rev3A_335 = tpu.iota {dimensions = array<i32: 0>} : vector<16xi32>
      %rev3A_336 = arith.subi %rev3A_334, %rev3A_335 : vector<16xi32>
      %rev3A_337 = tpu.dynamic_gather %masked_sort3A_275[%rev3A_336] in [0] : vector<16xf32>, vector<16xi32> -> vector<16xf32>
      %rev3A_338 = arith.constant 15 : i32
      %rev3A_339 = vector.broadcast %rev3A_338 : i32 to vector<16xi32>
      %rev3A_340 = tpu.iota {dimensions = array<i32: 0>} : vector<16xi32>
      %rev3A_341 = arith.subi %rev3A_339, %rev3A_340 : vector<16xi32>
      %rev3A_342 = tpu.dynamic_gather %masked_sort3A_276[%rev3A_341] in [0] : vector<16xi32>, vector<16xi32> -> vector<16xi32>
      %le3A_343 = arith.cmpf ole, %masked_sort3A_248, %rev3A_337 : vector<16xf32>
      %select_n3A_344 = arith.select %le3A_343, %masked_sort3A_248, %rev3A_337 : vector<16xi1>, vector<16xf32>
      %select_n3A_345 = arith.select %le3A_343, %masked_sort3A_249, %rev3A_342 : vector<16xi1>, vector<16xi32>
      %select_n3A_346 = arith.select %le3A_343, %rev3A_337, %masked_sort3A_248 : vector<16xi1>, vector<16xf32>
      %select_n3A_347 = arith.select %le3A_343, %rev3A_342, %masked_sort3A_249 : vector<16xi1>, vector<16xi32>
      %rev3A_348 = arith.constant 15 : i32
      %rev3A_349 = vector.broadcast %rev3A_348 : i32 to vector<16xi32>
      %rev3A_350 = tpu.iota {dimensions = array<i32: 0>} : vector<16xi32>
      %rev3A_351 = arith.subi %rev3A_349, %rev3A_350 : vector<16xi32>
      %rev3A_352 = tpu.dynamic_gather %masked_sort3A_271[%rev3A_351] in [0] : vector<16xf32>, vector<16xi32> -> vector<16xf32>
      %rev3A_353 = arith.constant 15 : i32
      %rev3A_354 = vector.broadcast %rev3A_353 : i32 to vector<16xi32>
      %rev3A_355 = tpu.iota {dimensions = array<i32: 0>} : vector<16xi32>
      %rev3A_356 = arith.subi %rev3A_354, %rev3A_355 : vector<16xi32>
      %rev3A_357 = tpu.dynamic_gather %masked_sort3A_272[%rev3A_356] in [0] : vector<16xi32>, vector<16xi32> -> vector<16xi32>
      %le3A_358 = arith.cmpf ole, %masked_sort3A_252, %rev3A_352 : vector<16xf32>
      %select_n3A_359 = arith.select %le3A_358, %masked_sort3A_252, %rev3A_352 : vector<16xi1>, vector<16xf32>
      %select_n3A_360 = arith.select %le3A_358, %masked_sort3A_253, %rev3A_357 : vector<16xi1>, vector<16xi32>
      %select_n3A_361 = arith.select %le3A_358, %rev3A_352, %masked_sort3A_252 : vector<16xi1>, vector<16xf32>
      %select_n3A_362 = arith.select %le3A_358, %rev3A_357, %masked_sort3A_253 : vector<16xi1>, vector<16xi32>
      %le3A_363 = arith.cmpf ole, %select_n3A_344, %select_n3A_359 : vector<16xf32>
      %select_n3A_364 = arith.select %le3A_363, %select_n3A_344, %select_n3A_359 : vector<16xi1>, vector<16xf32>
      %select_n3A_365 = arith.select %le3A_363, %select_n3A_345, %select_n3A_360 : vector<16xi1>, vector<16xi32>
      %select_n3A_366 = arith.select %le3A_363, %select_n3A_359, %select_n3A_344 : vector<16xi1>, vector<16xf32>
      %select_n3A_367 = arith.select %le3A_363, %select_n3A_360, %select_n3A_345 : vector<16xi1>, vector<16xi32>
      %masked_sort3A_368 = arith.constant dense<true> : vector<16xi1>
      %masked_sort3A_369, %masked_sort3A_370, %masked_sort3A_371 = tpu.sort %select_n3A_364, %select_n3A_365 masked %masked_sort3A_368 : (vector<16xf32>, vector<16xi32>, vector<16xi1>) -> (vector<16xi1>, vector<16xf32>, vector<16xi32>)
      %masked_sort3A_372 = arith.constant dense<true> : vector<16xi1>
      %masked_sort3A_373, %masked_sort3A_374, %masked_sort3A_375 = tpu.sort %select_n3A_366, %select_n3A_367 masked %masked_sort3A_372 : (vector<16xf32>, vector<16xi32>, vector<16xi1>) -> (vector<16xi1>, vector<16xf32>, vector<16xi32>)
      %le3A_376 = arith.cmpf ole, %select_n3A_346, %select_n3A_361 : vector<16xf32>
      %select_n3A_377 = arith.select %le3A_376, %select_n3A_346, %select_n3A_361 : vector<16xi1>, vector<16xf32>
      %select_n3A_378 = arith.select %le3A_376, %select_n3A_347, %select_n3A_362 : vector<16xi1>, vector<16xi32>
      %select_n3A_379 = arith.select %le3A_376, %select_n3A_361, %select_n3A_346 : vector<16xi1>, vector<16xf32>
      %select_n3A_380 = arith.select %le3A_376, %select_n3A_362, %select_n3A_347 : vector<16xi1>, vector<16xi32>
      %masked_sort3A_381 = arith.constant dense<true> : vector<16xi1>
      %masked_sort3A_382, %masked_sort3A_383, %masked_sort3A_384 = tpu.sort %select_n3A_377, %select_n3A_378 masked %masked_sort3A_381 : (vector<16xf32>, vector<16xi32>, vector<16xi1>) -> (vector<16xi1>, vector<16xf32>, vector<16xi32>)
      %masked_sort3A_385 = arith.constant dense<true> : vector<16xi1>
      %masked_sort3A_386, %masked_sort3A_387, %masked_sort3A_388 = tpu.sort %select_n3A_379, %select_n3A_380 masked %masked_sort3A_385 : (vector<16xf32>, vector<16xi32>, vector<16xi1>) -> (vector<16xi1>, vector<16xf32>, vector<16xi32>)
      %rev3A_389 = arith.constant 15 : i32
      %rev3A_390 = vector.broadcast %rev3A_389 : i32 to vector<16xi32>
      %rev3A_391 = tpu.iota {dimensions = array<i32: 0>} : vector<16xi32>
      %rev3A_392 = arith.subi %rev3A_390, %rev3A_391 : vector<16xi32>
      %rev3A_393 = tpu.dynamic_gather %masked_sort3A_387[%rev3A_392] in [0] : vector<16xf32>, vector<16xi32> -> vector<16xf32>
      %rev3A_394 = arith.constant 15 : i32
      %rev3A_395 = vector.broadcast %rev3A_394 : i32 to vector<16xi32>
      %rev3A_396 = tpu.iota {dimensions = array<i32: 0>} : vector<16xi32>
      %rev3A_397 = arith.subi %rev3A_395, %rev3A_396 : vector<16xi32>
      %rev3A_398 = tpu.dynamic_gather %masked_sort3A_388[%rev3A_397] in [0] : vector<16xi32>, vector<16xi32> -> vector<16xi32>
      %le3A_399 = arith.cmpf ole, %masked_sort3A_314, %rev3A_393 : vector<16xf32>
      %select_n3A_400 = arith.select %le3A_399, %masked_sort3A_314, %rev3A_393 : vector<16xi1>, vector<16xf32>
      %select_n3A_401 = arith.select %le3A_399, %masked_sort3A_315, %rev3A_398 : vector<16xi1>, vector<16xi32>
      %select_n3A_402 = arith.select %le3A_399, %rev3A_393, %masked_sort3A_314 : vector<16xi1>, vector<16xf32>
      %select_n3A_403 = arith.select %le3A_399, %rev3A_398, %masked_sort3A_315 : vector<16xi1>, vector<16xi32>
      %rev3A_404 = arith.constant 15 : i32
      %rev3A_405 = vector.broadcast %rev3A_404 : i32 to vector<16xi32>
      %rev3A_406 = tpu.iota {dimensions = array<i32: 0>} : vector<16xi32>
      %rev3A_407 = arith.subi %rev3A_405, %rev3A_406 : vector<16xi32>
      %rev3A_408 = tpu.dynamic_gather %masked_sort3A_383[%rev3A_407] in [0] : vector<16xf32>, vector<16xi32> -> vector<16xf32>
      %rev3A_409 = arith.constant 15 : i32
      %rev3A_410 = vector.broadcast %rev3A_409 : i32 to vector<16xi32>
      %rev3A_411 = tpu.iota {dimensions = array<i32: 0>} : vector<16xi32>
      %rev3A_412 = arith.subi %rev3A_410, %rev3A_411 : vector<16xi32>
      %rev3A_413 = tpu.dynamic_gather %masked_sort3A_384[%rev3A_412] in [0] : vector<16xi32>, vector<16xi32> -> vector<16xi32>
      %le3A_414 = arith.cmpf ole, %masked_sort3A_318, %rev3A_408 : vector<16xf32>
      %select_n3A_415 = arith.select %le3A_414, %masked_sort3A_318, %rev3A_408 : vector<16xi1>, vector<16xf32>
      %select_n3A_416 = arith.select %le3A_414, %masked_sort3A_319, %rev3A_413 : vector<16xi1>, vector<16xi32>
      %select_n3A_417 = arith.select %le3A_414, %rev3A_408, %masked_sort3A_318 : vector<16xi1>, vector<16xf32>
      %select_n3A_418 = arith.select %le3A_414, %rev3A_413, %masked_sort3A_319 : vector<16xi1>, vector<16xi32>
      %rev3A_419 = arith.constant 15 : i32
      %rev3A_420 = vector.broadcast %rev3A_419 : i32 to vector<16xi32>
      %rev3A_421 = tpu.iota {dimensions = array<i32: 0>} : vector<16xi32>
      %rev3A_422 = arith.subi %rev3A_420, %rev3A_421 : vector<16xi32>
      %rev3A_423 = tpu.dynamic_gather %masked_sort3A_374[%rev3A_422] in [0] : vector<16xf32>, vector<16xi32> -> vector<16xf32>
      %rev3A_424 = arith.constant 15 : i32
      %rev3A_425 = vector.broadcast %rev3A_424 : i32 to vector<16xi32>
      %rev3A_426 = tpu.iota {dimensions = array<i32: 0>} : vector<16xi32>
      %rev3A_427 = arith.subi %rev3A_425, %rev3A_426 : vector<16xi32>
      %rev3A_428 = tpu.dynamic_gather %masked_sort3A_375[%rev3A_427] in [0] : vector<16xi32>, vector<16xi32> -> vector<16xi32>
      %le3A_429 = arith.cmpf ole, %masked_sort3A_327, %rev3A_423 : vector<16xf32>
      %select_n3A_430 = arith.select %le3A_429, %masked_sort3A_327, %rev3A_423 : vector<16xi1>, vector<16xf32>
      %select_n3A_431 = arith.select %le3A_429, %masked_sort3A_328, %rev3A_428 : vector<16xi1>, vector<16xi32>
      %select_n3A_432 = arith.select %le3A_429, %rev3A_423, %masked_sort3A_327 : vector<16xi1>, vector<16xf32>
      %select_n3A_433 = arith.select %le3A_429, %rev3A_428, %masked_sort3A_328 : vector<16xi1>, vector<16xi32>
      %rev3A_434 = arith.constant 15 : i32
      %rev3A_435 = vector.broadcast %rev3A_434 : i32 to vector<16xi32>
      %rev3A_436 = tpu.iota {dimensions = array<i32: 0>} : vector<16xi32>
      %rev3A_437 = arith.subi %rev3A_435, %rev3A_436 : vector<16xi32>
      %rev3A_438 = tpu.dynamic_gather %masked_sort3A_370[%rev3A_437] in [0] : vector<16xf32>, vector<16xi32> -> vector<16xf32>
      %rev3A_439 = arith.constant 15 : i32
      %rev3A_440 = vector.broadcast %rev3A_439 : i32 to vector<16xi32>
      %rev3A_441 = tpu.iota {dimensions = array<i32: 0>} : vector<16xi32>
      %rev3A_442 = arith.subi %rev3A_440, %rev3A_441 : vector<16xi32>
      %rev3A_443 = tpu.dynamic_gather %masked_sort3A_371[%rev3A_442] in [0] : vector<16xi32>, vector<16xi32> -> vector<16xi32>
      %le3A_444 = arith.cmpf ole, %masked_sort3A_331, %rev3A_438 : vector<16xf32>
      %select_n3A_445 = arith.select %le3A_444, %masked_sort3A_331, %rev3A_438 : vector<16xi1>, vector<16xf32>
      %select_n3A_446 = arith.select %le3A_444, %masked_sort3A_332, %rev3A_443 : vector<16xi1>, vector<16xi32>
      %select_n3A_447 = arith.select %le3A_444, %rev3A_438, %masked_sort3A_331 : vector<16xi1>, vector<16xf32>
      %select_n3A_448 = arith.select %le3A_444, %rev3A_443, %masked_sort3A_332 : vector<16xi1>, vector<16xi32>
      %le3A_449 = arith.cmpf ole, %select_n3A_400, %select_n3A_430 : vector<16xf32>
      %select_n3A_450 = arith.select %le3A_449, %select_n3A_400, %select_n3A_430 : vector<16xi1>, vector<16xf32>
      %select_n3A_451 = arith.select %le3A_449, %select_n3A_401, %select_n3A_431 : vector<16xi1>, vector<16xi32>
      %select_n3A_452 = arith.select %le3A_449, %select_n3A_430, %select_n3A_400 : vector<16xi1>, vector<16xf32>
      %select_n3A_453 = arith.select %le3A_449, %select_n3A_431, %select_n3A_401 : vector<16xi1>, vector<16xi32>
      %le3A_454 = arith.cmpf ole, %select_n3A_415, %select_n3A_445 : vector<16xf32>
      %select_n3A_455 = arith.select %le3A_454, %select_n3A_415, %select_n3A_445 : vector<16xi1>, vector<16xf32>
      %select_n3A_456 = arith.select %le3A_454, %select_n3A_416, %select_n3A_446 : vector<16xi1>, vector<16xi32>
      %select_n3A_457 = arith.select %le3A_454, %select_n3A_445, %select_n3A_415 : vector<16xi1>, vector<16xf32>
      %select_n3A_458 = arith.select %le3A_454, %select_n3A_446, %select_n3A_416 : vector<16xi1>, vector<16xi32>
      %le3A_459 = arith.cmpf ole, %select_n3A_450, %select_n3A_455 : vector<16xf32>
      %select_n3A_460 = arith.select %le3A_459, %select_n3A_450, %select_n3A_455 : vector<16xi1>, vector<16xf32>
      %select_n3A_461 = arith.select %le3A_459, %select_n3A_451, %select_n3A_456 : vector<16xi1>, vector<16xi32>
      %select_n3A_462 = arith.select %le3A_459, %select_n3A_455, %select_n3A_450 : vector<16xi1>, vector<16xf32>
      %select_n3A_463 = arith.select %le3A_459, %select_n3A_456, %select_n3A_451 : vector<16xi1>, vector<16xi32>
      %masked_sort3A_464 = arith.constant dense<true> : vector<16xi1>
      %masked_sort3A_465, %masked_sort3A_466, %masked_sort3A_467 = tpu.sort %select_n3A_460, %select_n3A_461 masked %masked_sort3A_464 : (vector<16xf32>, vector<16xi32>, vector<16xi1>) -> (vector<16xi1>, vector<16xf32>, vector<16xi32>)
      %masked_sort3A_468 = arith.constant dense<true> : vector<16xi1>
      %masked_sort3A_469, %masked_sort3A_470, %masked_sort3A_471 = tpu.sort %select_n3A_462, %select_n3A_463 masked %masked_sort3A_468 : (vector<16xf32>, vector<16xi32>, vector<16xi1>) -> (vector<16xi1>, vector<16xf32>, vector<16xi32>)
      %le3A_472 = arith.cmpf ole, %select_n3A_452, %select_n3A_457 : vector<16xf32>
      %select_n3A_473 = arith.select %le3A_472, %select_n3A_452, %select_n3A_457 : vector<16xi1>, vector<16xf32>
      %select_n3A_474 = arith.select %le3A_472, %select_n3A_453, %select_n3A_458 : vector<16xi1>, vector<16xi32>
      %select_n3A_475 = arith.select %le3A_472, %select_n3A_457, %select_n3A_452 : vector<16xi1>, vector<16xf32>
      %select_n3A_476 = arith.select %le3A_472, %select_n3A_458, %select_n3A_453 : vector<16xi1>, vector<16xi32>
      %masked_sort3A_477 = arith.constant dense<true> : vector<16xi1>
      %masked_sort3A_478, %masked_sort3A_479, %masked_sort3A_480 = tpu.sort %select_n3A_473, %select_n3A_474 masked %masked_sort3A_477 : (vector<16xf32>, vector<16xi32>, vector<16xi1>) -> (vector<16xi1>, vector<16xf32>, vector<16xi32>)
      %masked_sort3A_481 = arith.constant dense<true> : vector<16xi1>
      %masked_sort3A_482, %masked_sort3A_483, %masked_sort3A_484 = tpu.sort %select_n3A_475, %select_n3A_476 masked %masked_sort3A_481 : (vector<16xf32>, vector<16xi32>, vector<16xi1>) -> (vector<16xi1>, vector<16xf32>, vector<16xi32>)
      %le3A_485 = arith.cmpf ole, %select_n3A_402, %select_n3A_432 : vector<16xf32>
      %select_n3A_486 = arith.select %le3A_485, %select_n3A_402, %select_n3A_432 : vector<16xi1>, vector<16xf32>
      %select_n3A_487 = arith.select %le3A_485, %select_n3A_403, %select_n3A_433 : vector<16xi1>, vector<16xi32>
      %select_n3A_488 = arith.select %le3A_485, %select_n3A_432, %select_n3A_402 : vector<16xi1>, vector<16xf32>
      %select_n3A_489 = arith.select %le3A_485, %select_n3A_433, %select_n3A_403 : vector<16xi1>, vector<16xi32>
      %le3A_490 = arith.cmpf ole, %select_n3A_417, %select_n3A_447 : vector<16xf32>
      %select_n3A_491 = arith.select %le3A_490, %select_n3A_417, %select_n3A_447 : vector<16xi1>, vector<16xf32>
      %select_n3A_492 = arith.select %le3A_490, %select_n3A_418, %select_n3A_448 : vector<16xi1>, vector<16xi32>
      %select_n3A_493 = arith.select %le3A_490, %select_n3A_447, %select_n3A_417 : vector<16xi1>, vector<16xf32>
      %select_n3A_494 = arith.select %le3A_490, %select_n3A_448, %select_n3A_418 : vector<16xi1>, vector<16xi32>
      %le3A_495 = arith.cmpf ole, %select_n3A_486, %select_n3A_491 : vector<16xf32>
      %select_n3A_496 = arith.select %le3A_495, %select_n3A_486, %select_n3A_491 : vector<16xi1>, vector<16xf32>
      %select_n3A_497 = arith.select %le3A_495, %select_n3A_487, %select_n3A_492 : vector<16xi1>, vector<16xi32>
      %select_n3A_498 = arith.select %le3A_495, %select_n3A_491, %select_n3A_486 : vector<16xi1>, vector<16xf32>
      %select_n3A_499 = arith.select %le3A_495, %select_n3A_492, %select_n3A_487 : vector<16xi1>, vector<16xi32>
      %masked_sort3A_500 = arith.constant dense<true> : vector<16xi1>
      %masked_sort3A_501, %masked_sort3A_502, %masked_sort3A_503 = tpu.sort %select_n3A_496, %select_n3A_497 masked %masked_sort3A_500 : (vector<16xf32>, vector<16xi32>, vector<16xi1>) -> (vector<16xi1>, vector<16xf32>, vector<16xi32>)
      %masked_sort3A_504 = arith.constant dense<true> : vector<16xi1>
      %masked_sort3A_505, %masked_sort3A_506, %masked_sort3A_507 = tpu.sort %select_n3A_498, %select_n3A_499 masked %masked_sort3A_504 : (vector<16xf32>, vector<16xi32>, vector<16xi1>) -> (vector<16xi1>, vector<16xf32>, vector<16xi32>)
      %le3A_508 = arith.cmpf ole, %select_n3A_488, %select_n3A_493 : vector<16xf32>
      %select_n3A_509 = arith.select %le3A_508, %select_n3A_488, %select_n3A_493 : vector<16xi1>, vector<16xf32>
      %select_n3A_510 = arith.select %le3A_508, %select_n3A_489, %select_n3A_494 : vector<16xi1>, vector<16xi32>
      %select_n3A_511 = arith.select %le3A_508, %select_n3A_493, %select_n3A_488 : vector<16xi1>, vector<16xf32>
      %select_n3A_512 = arith.select %le3A_508, %select_n3A_494, %select_n3A_489 : vector<16xi1>, vector<16xi32>
      %masked_sort3A_513 = arith.constant dense<true> : vector<16xi1>
      %masked_sort3A_514, %masked_sort3A_515, %masked_sort3A_516 = tpu.sort %select_n3A_509, %select_n3A_510 masked %masked_sort3A_513 : (vector<16xf32>, vector<16xi32>, vector<16xi1>) -> (vector<16xi1>, vector<16xf32>, vector<16xi32>)
      %masked_sort3A_517 = arith.constant dense<true> : vector<16xi1>
      %masked_sort3A_518, %masked_sort3A_519, %masked_sort3A_520 = tpu.sort %select_n3A_511, %select_n3A_512 masked %masked_sort3A_517 : (vector<16xf32>, vector<16xi32>, vector<16xi1>) -> (vector<16xi1>, vector<16xf32>, vector<16xi32>)
      %swap3A_521 = arith.constant 0 : index
      %swap3A_522 = tpu.vector_load %arg9[%swap3A_521] {strides = array<i32>} : memref<160xf32, #tpu.memory_space<vmem>>, vector<16xf32>,
      tpu.vector_store %arg9[%swap3A_521], %masked_sort3A_466 {strides = array<i32>} : memref<160xf32, #tpu.memory_space<vmem>>, vector<16xf32>,
      %swap3A_523 = arith.constant 0 : index
      %swap3A_524 = tpu.vector_load %arg10[%swap3A_523] {strides = array<i32>} : memref<160xi32, #tpu.memory_space<vmem>>, vector<16xi32>,
      tpu.vector_store %arg10[%swap3A_523], %masked_sort3A_467 {strides = array<i32>} : memref<160xi32, #tpu.memory_space<vmem>>, vector<16xi32>,
      %swap3A_525 = arith.constant 16 : index
      %swap3A_526 = tpu.vector_load %arg9[%swap3A_525] {strides = array<i32>} : memref<160xf32, #tpu.memory_space<vmem>>, vector<16xf32>,
      tpu.vector_store %arg9[%swap3A_525], %masked_sort3A_470 {strides = array<i32>} : memref<160xf32, #tpu.memory_space<vmem>>, vector<16xf32>,
      %swap3A_527 = arith.constant 16 : index
      %swap3A_528 = tpu.vector_load %arg10[%swap3A_527] {strides = array<i32>} : memref<160xi32, #tpu.memory_space<vmem>>, vector<16xi32>,
      tpu.vector_store %arg10[%swap3A_527], %masked_sort3A_471 {strides = array<i32>} : memref<160xi32, #tpu.memory_space<vmem>>, vector<16xi32>,
      %swap3A_529 = arith.constant 32 : index
      %swap3A_530 = tpu.vector_load %arg9[%swap3A_529] {strides = array<i32>} : memref<160xf32, #tpu.memory_space<vmem>>, vector<16xf32>,
      tpu.vector_store %arg9[%swap3A_529], %masked_sort3A_479 {strides = array<i32>} : memref<160xf32, #tpu.memory_space<vmem>>, vector<16xf32>,
      %swap3A_531 = arith.constant 32 : index
      %swap3A_532 = tpu.vector_load %arg10[%swap3A_531] {strides = array<i32>} : memref<160xi32, #tpu.memory_space<vmem>>, vector<16xi32>,
      tpu.vector_store %arg10[%swap3A_531], %masked_sort3A_480 {strides = array<i32>} : memref<160xi32, #tpu.memory_space<vmem>>, vector<16xi32>,
      %swap3A_533 = arith.constant 48 : index
      %swap3A_534 = tpu.vector_load %arg9[%swap3A_533] {strides = array<i32>} : memref<160xf32, #tpu.memory_space<vmem>>, vector<16xf32>,
      tpu.vector_store %arg9[%swap3A_533], %masked_sort3A_483 {strides = array<i32>} : memref<160xf32, #tpu.memory_space<vmem>>, vector<16xf32>,
      %swap3A_535 = arith.constant 48 : index
      %swap3A_536 = tpu.vector_load %arg10[%swap3A_535] {strides = array<i32>} : memref<160xi32, #tpu.memory_space<vmem>>, vector<16xi32>,
      tpu.vector_store %arg10[%swap3A_535], %masked_sort3A_484 {strides = array<i32>} : memref<160xi32, #tpu.memory_space<vmem>>, vector<16xi32>,
      %swap3A_537 = arith.constant 64 : index
      %swap3A_538 = tpu.vector_load %arg9[%swap3A_537] {strides = array<i32>} : memref<160xf32, #tpu.memory_space<vmem>>, vector<16xf32>,
      tpu.vector_store %arg9[%swap3A_537], %masked_sort3A_502 {strides = array<i32>} : memref<160xf32, #tpu.memory_space<vmem>>, vector<16xf32>,
      %swap3A_539 = arith.constant 64 : index
      %swap3A_540 = tpu.vector_load %arg10[%swap3A_539] {strides = array<i32>} : memref<160xi32, #tpu.memory_space<vmem>>, vector<16xi32>,
      tpu.vector_store %arg10[%swap3A_539], %masked_sort3A_503 {strides = array<i32>} : memref<160xi32, #tpu.memory_space<vmem>>, vector<16xi32>,
      %swap3A_541 = arith.constant 80 : index
      %swap3A_542 = tpu.vector_load %arg9[%swap3A_541] {strides = array<i32>} : memref<160xf32, #tpu.memory_space<vmem>>, vector<16xf32>,
      tpu.vector_store %arg9[%swap3A_541], %masked_sort3A_506 {strides = array<i32>} : memref<160xf32, #tpu.memory_space<vmem>>, vector<16xf32>,
      %swap3A_543 = arith.constant 80 : index
      %swap3A_544 = tpu.vector_load %arg10[%swap3A_543] {strides = array<i32>} : memref<160xi32, #tpu.memory_space<vmem>>, vector<16xi32>,
      tpu.vector_store %arg10[%swap3A_543], %masked_sort3A_507 {strides = array<i32>} : memref<160xi32, #tpu.memory_space<vmem>>, vector<16xi32>,
      %swap3A_545 = arith.constant 96 : index
      %swap3A_546 = tpu.vector_load %arg9[%swap3A_545] {strides = array<i32>} : memref<160xf32, #tpu.memory_space<vmem>>, vector<16xf32>,
      tpu.vector_store %arg9[%swap3A_545], %masked_sort3A_515 {strides = array<i32>} : memref<160xf32, #tpu.memory_space<vmem>>, vector<16xf32>,
      %swap3A_547 = arith.constant 96 : index
      %swap3A_548 = tpu.vector_load %arg10[%swap3A_547] {strides = array<i32>} : memref<160xi32, #tpu.memory_space<vmem>>, vector<16xi32>,
      tpu.vector_store %arg10[%swap3A_547], %masked_sort3A_516 {strides = array<i32>} : memref<160xi32, #tpu.memory_space<vmem>>, vector<16xi32>,
      %swap3A_549 = arith.constant 112 : index
      %swap3A_550 = tpu.vector_load %arg9[%swap3A_549] {strides = array<i32>} : memref<160xf32, #tpu.memory_space<vmem>>, vector<16xf32>,
      tpu.vector_store %arg9[%swap3A_549], %masked_sort3A_519 {strides = array<i32>} : memref<160xf32, #tpu.memory_space<vmem>>, vector<16xf32>,
      %swap3A_551 = arith.constant 112 : index
      %swap3A_552 = tpu.vector_load %arg10[%swap3A_551] {strides = array<i32>} : memref<160xi32, #tpu.memory_space<vmem>>, vector<16xi32>,
      tpu.vector_store %arg10[%swap3A_551], %masked_sort3A_520 {strides = array<i32>} : memref<160xi32, #tpu.memory_space<vmem>>, vector<16xi32>,
      %mul3A_553 = arith.constant 128 : i32
      %mul3A_554 = arith.muli %add3A_33, %mul3A_553 : i32
      "tpu.region"() ({
        %run_scoped3A = tpu.sem_alloc : memref<!tpu.dma_semaphore, #tpu.memory_space<semaphore_mem>>
        %dma_start3A_1103 = arith.constant 0 : i32
        %dma_start3A_1104 = tpu.memref_slice %arg9[%dma_start3A_1103] : memref<160xf32, #tpu.memory_space<vmem>> -> memref<128xf32, #tpu.memory_space<vmem>>
        %dma_start3A_1105 = tpu.memref_slice %arg4[%mul3A_554] : memref<2097152xf32, #tpu.memory_space<hbm>> -> memref<128xf32, #tpu.memory_space<hbm>>
        %dma_start3A_1106 = tpu.memref_slice %arg4[%mul3A_554] : memref<2097152xf32, #tpu.memory_space<hbm>> -> memref<128xf32, #tpu.memory_space<hbm>>
        %dma_start3A_1107 = arith.constant 0 : i32
        %dma_start3A_1108 = tpu.memref_slice %arg9[%dma_start3A_1107] : memref<160xf32, #tpu.memory_space<vmem>> -> memref<128xf32, #tpu.memory_space<vmem>>
        tpu.enqueue_dma source(%dma_start3A_1108 : memref<128xf32, #tpu.memory_space<vmem>>) target(%dma_start3A_1106 : memref<128xf32, #tpu.memory_space<hbm>>) target_semaphore(%run_scoped3A : memref<!tpu.dma_semaphore, #tpu.memory_space<semaphore_mem>>)
        %dma_wait3A_1109 = arith.constant 0 : i32
        %dma_wait3A_1110 = tpu.memref_slice %arg9[%dma_wait3A_1109] : memref<160xf32, #tpu.memory_space<vmem>> -> memref<128xf32, #tpu.memory_space<vmem>>
        %dma_wait3A_1111 = tpu.memref_slice %arg4[%mul3A_554] : memref<2097152xf32, #tpu.memory_space<hbm>> -> memref<128xf32, #tpu.memory_space<hbm>>
        %dma_wait3A_1112 = tpu.memref_slice %arg4[%mul3A_554] : memref<2097152xf32, #tpu.memory_space<hbm>> -> memref<128xf32, #tpu.memory_space<hbm>>
        %dma_wait3A_1113 = arith.constant 0 : i32
        %dma_wait3A_1114 = tpu.memref_slice %arg9[%dma_wait3A_1113] : memref<160xf32, #tpu.memory_space<vmem>> -> memref<128xf32, #tpu.memory_space<vmem>>
        tpu.wait_dma2 semaphore(%run_scoped3A : memref<!tpu.dma_semaphore, #tpu.memory_space<semaphore_mem>>) src(%dma_wait3A_1114 : memref<128xf32, #tpu.memory_space<vmem>>) dst(%dma_wait3A_1112 : memref<128xf32, #tpu.memory_space<hbm>>)
        tpu.yield
      }) : () -> ()
      %mul3A_555 = arith.constant 128 : i32
      %mul3A_556 = arith.muli %add3A_33, %mul3A_555 : i32
      "tpu.region"() ({
        %run_scoped3A = tpu.sem_alloc : memref<!tpu.dma_semaphore, #tpu.memory_space<semaphore_mem>>
        %dma_start3A_1103 = arith.constant 0 : i32
        %dma_start3A_1104 = tpu.memref_slice %arg10[%dma_start3A_1103] : memref<160xi32, #tpu.memory_space<vmem>> -> memref<128xi32, #tpu.memory_space<vmem>>
        %dma_start3A_1105 = tpu.memref_slice %arg5[%mul3A_556] : memref<2097152xi32, #tpu.memory_space<hbm>> -> memref<128xi32, #tpu.memory_space<hbm>>
        %dma_start3A_1106 = tpu.memref_slice %arg5[%mul3A_556] : memref<2097152xi32, #tpu.memory_space<hbm>> -> memref<128xi32, #tpu.memory_space<hbm>>
        %dma_start3A_1107 = arith.constant 0 : i32
        %dma_start3A_1108 = tpu.memref_slice %arg10[%dma_start3A_1107] : memref<160xi32, #tpu.memory_space<vmem>> -> memref<128xi32, #tpu.memory_space<vmem>>
        tpu.enqueue_dma source(%dma_start3A_1108 : memref<128xi32, #tpu.memory_space<vmem>>) target(%dma_start3A_1106 : memref<128xi32, #tpu.memory_space<hbm>>) target_semaphore(%run_scoped3A : memref<!tpu.dma_semaphore, #tpu.memory_space<semaphore_mem>>)
        %dma_wait3A_1109 = arith.constant 0 : i32
        %dma_wait3A_1110 = tpu.memref_slice %arg10[%dma_wait3A_1109] : memref<160xi32, #tpu.memory_space<vmem>> -> memref<128xi32, #tpu.memory_space<vmem>>
        %dma_wait3A_1111 = tpu.memref_slice %arg5[%mul3A_556] : memref<2097152xi32, #tpu.memory_space<hbm>> -> memref<128xi32, #tpu.memory_space<hbm>>
        %dma_wait3A_1112 = tpu.memref_slice %arg5[%mul3A_556] : memref<2097152xi32, #tpu.memory_space<hbm>> -> memref<128xi32, #tpu.memory_space<hbm>>
        %dma_wait3A_1113 = arith.constant 0 : i32
        %dma_wait3A_1114 = tpu.memref_slice %arg10[%dma_wait3A_1113] : memref<160xi32, #tpu.memory_space<vmem>> -> memref<128xi32, #tpu.memory_space<vmem>>
        tpu.wait_dma2 semaphore(%run_scoped3A : memref<!tpu.dma_semaphore, #tpu.memory_space<semaphore_mem>>) src(%dma_wait3A_1114 : memref<128xi32, #tpu.memory_space<vmem>>) dst(%dma_wait3A_1112 : memref<128xi32, #tpu.memory_space<hbm>>)
        tpu.yield
      }) : () -> ()
      %dma_wait3A_557 = arith.constant 0 : i32
      %dma_wait3A_558 = tpu.memref_slice %arg2[%dma_wait3A_557] : memref<268435456xf32, #tpu.memory_space<hbm>> -> memref<16384xf32, #tpu.memory_space<hbm>>
      %dma_wait3A_559 = arith.constant 0 : i32
      %dma_wait3A_560 = tpu.memref_slice %arg2[%dma_wait3A_559] : memref<268435456xf32, #tpu.memory_space<hbm>> -> memref<16384xf32, #tpu.memory_space<hbm>>
      tpu.wait_dma2 semaphore(%arg13 : memref<!tpu.dma_semaphore, #tpu.memory_space<semaphore_mem>>) src(%dma_wait3A_560 : memref<16384xf32, #tpu.memory_space<hbm>>) dst(%arg7 : memref<16384xf32, #tpu.memory_space<vmem>>)
      %add3A_561 = arith.addi %mul3A_2, %mul3A_19 : i32
      %add3A_562 = arith.constant 2 : i32
      %add3A_563 = arith.addi %add3A_561, %add3A_562 : i32
      %min3A_564 = arith.constant 16383 : i32
      %min3A_565 = arith.minsi %add3A_563, %min3A_564 : i32
      %mul3A_566 = arith.constant 16384 : i32
      %mul3A_567 = arith.muli %min3A_565, %mul3A_566 : i32
      %dma_start3A_568 = tpu.memref_slice %arg2[%mul3A_567] : memref<268435456xf32, #tpu.memory_space<hbm>> -> memref<16384xf32, #tpu.memory_space<hbm>>
      %dma_start3A_569 = tpu.memref_slice %arg2[%mul3A_567] : memref<268435456xf32, #tpu.memory_space<hbm>> -> memref<16384xf32, #tpu.memory_space<hbm>>
      tpu.enqueue_dma source(%dma_start3A_569 : memref<16384xf32, #tpu.memory_space<hbm>>) target(%arg6 : memref<16384xf32, #tpu.memory_space<vmem>>) target_semaphore(%arg12 : memref<!tpu.dma_semaphore, #tpu.memory_space<semaphore_mem>>)
      %add3A_570 = arith.constant 1 : i32
      %add3A_571 = arith.addi %mul3A_19, %add3A_570 : i32
      %add3A_572 = arith.addi %mul3A_2, %add3A_571 : i32
      %mul3A_573 = arith.constant 16 : i32
      %mul3A_574 = arith.muli %add3A_571, %mul3A_573 : i32
      %get3A_575 = arith.index_cast %mul3A_574 : i32 to index
      %get3A_576 = tpu.vector_load %arg8[%get3A_575] {strides = array<i32>} : memref<8192xf32, #tpu.memory_space<vmem>>, vector<16xf32>,
      %broadcast_in_dim3A_577 = arith.constant 0x7F800000 : f32
      %broadcast_in_dim3A_578 = vector.broadcast %broadcast_in_dim3A_577 : f32 to vector<16xf32>
      %swap3A_579 = arith.constant 0 : index
      %swap3A_580 = tpu.vector_load %arg9[%swap3A_579] {strides = array<i32>} : memref<160xf32, #tpu.memory_space<vmem>>, vector<16xf32>,
      tpu.vector_store %arg9[%swap3A_579], %broadcast_in_dim3A_578 {strides = array<i32>} : memref<160xf32, #tpu.memory_space<vmem>>, vector<16xf32>,
      %broadcast_in_dim3A_581 = arith.constant 0 : i32
      %broadcast_in_dim3A_582 = vector.broadcast %broadcast_in_dim3A_581 : i32 to vector<16xi32>
      %swap3A_583 = arith.constant 0 : index
      %swap3A_584 = tpu.vector_load %arg10[%swap3A_583] {strides = array<i32>} : memref<160xi32, #tpu.memory_space<vmem>>, vector<16xi32>,
      tpu.vector_store %arg10[%swap3A_583], %broadcast_in_dim3A_582 {strides = array<i32>} : memref<160xi32, #tpu.memory_space<vmem>>, vector<16xi32>,
      %broadcast_in_dim3A_585 = arith.constant 0x7F800000 : f32
      %broadcast_in_dim3A_586 = vector.broadcast %broadcast_in_dim3A_585 : f32 to vector<16xf32>
      %swap3A_587 = arith.constant 16 : index
      %swap3A_588 = tpu.vector_load %arg9[%swap3A_587] {strides = array<i32>} : memref<160xf32, #tpu.memory_space<vmem>>, vector<16xf32>,
      tpu.vector_store %arg9[%swap3A_587], %broadcast_in_dim3A_586 {strides = array<i32>} : memref<160xf32, #tpu.memory_space<vmem>>, vector<16xf32>,
      %broadcast_in_dim3A_589 = arith.constant 0 : i32
      %broadcast_in_dim3A_590 = vector.broadcast %broadcast_in_dim3A_589 : i32 to vector<16xi32>
      %swap3A_591 = arith.constant 16 : index
      %swap3A_592 = tpu.vector_load %arg10[%swap3A_591] {strides = array<i32>} : memref<160xi32, #tpu.memory_space<vmem>>, vector<16xi32>,
      tpu.vector_store %arg10[%swap3A_591], %broadcast_in_dim3A_590 {strides = array<i32>} : memref<160xi32, #tpu.memory_space<vmem>>, vector<16xi32>,
      %broadcast_in_dim3A_593 = arith.constant 0x7F800000 : f32
      %broadcast_in_dim3A_594 = vector.broadcast %broadcast_in_dim3A_593 : f32 to vector<16xf32>
      %swap3A_595 = arith.constant 32 : index
      %swap3A_596 = tpu.vector_load %arg9[%swap3A_595] {strides = array<i32>} : memref<160xf32, #tpu.memory_space<vmem>>, vector<16xf32>,
      tpu.vector_store %arg9[%swap3A_595], %broadcast_in_dim3A_594 {strides = array<i32>} : memref<160xf32, #tpu.memory_space<vmem>>, vector<16xf32>,
      %broadcast_in_dim3A_597 = arith.constant 0 : i32
      %broadcast_in_dim3A_598 = vector.broadcast %broadcast_in_dim3A_597 : i32 to vector<16xi32>
      %swap3A_599 = arith.constant 32 : index
      %swap3A_600 = tpu.vector_load %arg10[%swap3A_599] {strides = array<i32>} : memref<160xi32, #tpu.memory_space<vmem>>, vector<16xi32>,
      tpu.vector_store %arg10[%swap3A_599], %broadcast_in_dim3A_598 {strides = array<i32>} : memref<160xi32, #tpu.memory_space<vmem>>, vector<16xi32>,
      %broadcast_in_dim3A_601 = arith.constant 0x7F800000 : f32
      %broadcast_in_dim3A_602 = vector.broadcast %broadcast_in_dim3A_601 : f32 to vector<16xf32>
      %swap3A_603 = arith.constant 48 : index
      %swap3A_604 = tpu.vector_load %arg9[%swap3A_603] {strides = array<i32>} : memref<160xf32, #tpu.memory_space<vmem>>, vector<16xf32>,
      tpu.vector_store %arg9[%swap3A_603], %broadcast_in_dim3A_602 {strides = array<i32>} : memref<160xf32, #tpu.memory_space<vmem>>, vector<16xf32>,
      %broadcast_in_dim3A_605 = arith.constant 0 : i32
      %broadcast_in_dim3A_606 = vector.broadcast %broadcast_in_dim3A_605 : i32 to vector<16xi32>
      %swap3A_607 = arith.constant 48 : index
      %swap3A_608 = tpu.vector_load %arg10[%swap3A_607] {strides = array<i32>} : memref<160xi32, #tpu.memory_space<vmem>>, vector<16xi32>,
      tpu.vector_store %arg10[%swap3A_607], %broadcast_in_dim3A_606 {strides = array<i32>} : memref<160xi32, #tpu.memory_space<vmem>>, vector<16xi32>,
      %broadcast_in_dim3A_609 = arith.constant 0x7F800000 : f32
      %broadcast_in_dim3A_610 = vector.broadcast %broadcast_in_dim3A_609 : f32 to vector<16xf32>
      %swap3A_611 = arith.constant 64 : index
      %swap3A_612 = tpu.vector_load %arg9[%swap3A_611] {strides = array<i32>} : memref<160xf32, #tpu.memory_space<vmem>>, vector<16xf32>,
      tpu.vector_store %arg9[%swap3A_611], %broadcast_in_dim3A_610 {strides = array<i32>} : memref<160xf32, #tpu.memory_space<vmem>>, vector<16xf32>,
      %broadcast_in_dim3A_613 = arith.constant 0 : i32
      %broadcast_in_dim3A_614 = vector.broadcast %broadcast_in_dim3A_613 : i32 to vector<16xi32>
      %swap3A_615 = arith.constant 64 : index
      %swap3A_616 = tpu.vector_load %arg10[%swap3A_615] {strides = array<i32>} : memref<160xi32, #tpu.memory_space<vmem>>, vector<16xi32>,
      tpu.vector_store %arg10[%swap3A_615], %broadcast_in_dim3A_614 {strides = array<i32>} : memref<160xi32, #tpu.memory_space<vmem>>, vector<16xi32>,
      %broadcast_in_dim3A_617 = arith.constant 0x7F800000 : f32
      %broadcast_in_dim3A_618 = vector.broadcast %broadcast_in_dim3A_617 : f32 to vector<16xf32>
      %swap3A_619 = arith.constant 80 : index
      %swap3A_620 = tpu.vector_load %arg9[%swap3A_619] {strides = array<i32>} : memref<160xf32, #tpu.memory_space<vmem>>, vector<16xf32>,
      tpu.vector_store %arg9[%swap3A_619], %broadcast_in_dim3A_618 {strides = array<i32>} : memref<160xf32, #tpu.memory_space<vmem>>, vector<16xf32>,
      %broadcast_in_dim3A_621 = arith.constant 0 : i32
      %broadcast_in_dim3A_622 = vector.broadcast %broadcast_in_dim3A_621 : i32 to vector<16xi32>
      %swap3A_623 = arith.constant 80 : index
      %swap3A_624 = tpu.vector_load %arg10[%swap3A_623] {strides = array<i32>} : memref<160xi32, #tpu.memory_space<vmem>>, vector<16xi32>,
      tpu.vector_store %arg10[%swap3A_623], %broadcast_in_dim3A_622 {strides = array<i32>} : memref<160xi32, #tpu.memory_space<vmem>>, vector<16xi32>,
      %broadcast_in_dim3A_625 = arith.constant 0x7F800000 : f32
      %broadcast_in_dim3A_626 = vector.broadcast %broadcast_in_dim3A_625 : f32 to vector<16xf32>
      %swap3A_627 = arith.constant 96 : index
      %swap3A_628 = tpu.vector_load %arg9[%swap3A_627] {strides = array<i32>} : memref<160xf32, #tpu.memory_space<vmem>>, vector<16xf32>,
      tpu.vector_store %arg9[%swap3A_627], %broadcast_in_dim3A_626 {strides = array<i32>} : memref<160xf32, #tpu.memory_space<vmem>>, vector<16xf32>,
      %broadcast_in_dim3A_629 = arith.constant 0 : i32
      %broadcast_in_dim3A_630 = vector.broadcast %broadcast_in_dim3A_629 : i32 to vector<16xi32>
      %swap3A_631 = arith.constant 96 : index
      %swap3A_632 = tpu.vector_load %arg10[%swap3A_631] {strides = array<i32>} : memref<160xi32, #tpu.memory_space<vmem>>, vector<16xi32>,
      tpu.vector_store %arg10[%swap3A_631], %broadcast_in_dim3A_630 {strides = array<i32>} : memref<160xi32, #tpu.memory_space<vmem>>, vector<16xi32>,
      %broadcast_in_dim3A_633 = arith.constant 0x7F800000 : f32
      %broadcast_in_dim3A_634 = vector.broadcast %broadcast_in_dim3A_633 : f32 to vector<16xf32>
      %swap3A_635 = arith.constant 112 : index
      %swap3A_636 = tpu.vector_load %arg9[%swap3A_635] {strides = array<i32>} : memref<160xf32, #tpu.memory_space<vmem>>, vector<16xf32>,
      tpu.vector_store %arg9[%swap3A_635], %broadcast_in_dim3A_634 {strides = array<i32>} : memref<160xf32, #tpu.memory_space<vmem>>, vector<16xf32>,
      %broadcast_in_dim3A_637 = arith.constant 0 : i32
      %broadcast_in_dim3A_638 = vector.broadcast %broadcast_in_dim3A_637 : i32 to vector<16xi32>
      %swap3A_639 = arith.constant 112 : index
      %swap3A_640 = tpu.vector_load %arg10[%swap3A_639] {strides = array<i32>} : memref<160xi32, #tpu.memory_space<vmem>>, vector<16xi32>,
      tpu.vector_store %arg10[%swap3A_639], %broadcast_in_dim3A_638 {strides = array<i32>} : memref<160xi32, #tpu.memory_space<vmem>>, vector<16xi32>,
      %broadcast_in_dim3A_641 = arith.constant 0x7F800000 : f32
      %broadcast_in_dim3A_642 = vector.broadcast %broadcast_in_dim3A_641 : f32 to vector<16xf32>
      %swap3A_643 = arith.constant 128 : index
      %swap3A_644 = tpu.vector_load %arg9[%swap3A_643] {strides = array<i32>} : memref<160xf32, #tpu.memory_space<vmem>>, vector<16xf32>,
      tpu.vector_store %arg9[%swap3A_643], %broadcast_in_dim3A_642 {strides = array<i32>} : memref<160xf32, #tpu.memory_space<vmem>>, vector<16xf32>,
      %broadcast_in_dim3A_645 = arith.constant 0 : i32
      %broadcast_in_dim3A_646 = vector.broadcast %broadcast_in_dim3A_645 : i32 to vector<16xi32>
      %swap3A_647 = arith.constant 128 : index
      %swap3A_648 = tpu.vector_load %arg10[%swap3A_647] {strides = array<i32>} : memref<160xi32, #tpu.memory_space<vmem>>, vector<16xi32>,
      tpu.vector_store %arg10[%swap3A_647], %broadcast_in_dim3A_646 {strides = array<i32>} : memref<160xi32, #tpu.memory_space<vmem>>, vector<16xi32>,
      %broadcast_in_dim3A_649 = arith.constant 0x7F800000 : f32
      %broadcast_in_dim3A_650 = vector.broadcast %broadcast_in_dim3A_649 : f32 to vector<16xf32>
      %swap3A_651 = arith.constant 144 : index
      %swap3A_652 = tpu.vector_load %arg9[%swap3A_651] {strides = array<i32>} : memref<160xf32, #tpu.memory_space<vmem>>, vector<16xf32>,
      tpu.vector_store %arg9[%swap3A_651], %broadcast_in_dim3A_650 {strides = array<i32>} : memref<160xf32, #tpu.memory_space<vmem>>, vector<16xf32>,
      %broadcast_in_dim3A_653 = arith.constant 0 : i32
      %broadcast_in_dim3A_654 = vector.broadcast %broadcast_in_dim3A_653 : i32 to vector<16xi32>
      %swap3A_655 = arith.constant 144 : index
      %swap3A_656 = tpu.vector_load %arg10[%swap3A_655] {strides = array<i32>} : memref<160xi32, #tpu.memory_space<vmem>>, vector<16xi32>,
      tpu.vector_store %arg10[%swap3A_655], %broadcast_in_dim3A_654 {strides = array<i32>} : memref<160xi32, #tpu.memory_space<vmem>>, vector<16xi32>,
      %broadcast_in_dim3A_657 = arith.constant 0 : i32
      %broadcast_in_dim3A_658 = vector.broadcast %broadcast_in_dim3A_657 : i32 to vector<16xi32>
      %swap3A_659 = arith.constant 0 : index
      %swap3A_660 = tpu.vector_load %arg11[%swap3A_659] {strides = array<i32>} : memref<16xi32, #tpu.memory_space<vmem>>, vector<16xi32>,
      tpu.vector_store %arg11[%swap3A_659], %broadcast_in_dim3A_658 {strides = array<i32>} : memref<16xi32, #tpu.memory_space<vmem>>, vector<16xi32>,
      %scan3A_661 = arith.constant 0 : i32
      %scan3A_662 = arith.constant 0 : i32
      %scan3A_663 = arith.constant 256 : i32
      %scan3A_664 = arith.addi %scan3A_662, %scan3A_663 : i32
      %scan3A_665 = arith.constant 1 : i32
      scf.for %scan3A_1103 = %scan3A_662 to %scan3A_664 step %scan3A_665  : i32 {
        %mul3A_1104 = arith.constant 64 : i32
        %mul3A_1105 = arith.muli %scan3A_1103, %mul3A_1104 : i32
        %add3A_1106 = arith.constant 0 : i32
        %add3A_1107 = arith.addi %mul3A_1105, %add3A_1106 : i32
        %get3A_1108 = arith.index_cast %add3A_1107 : i32 to index
        %get3A_1109 = tpu.vector_load %arg7[%get3A_1108] {strides = array<i32>} : memref<16384xf32, #tpu.memory_space<vmem>>, vector<16xf32>,
        %le3A_1110 = arith.cmpf ole, %get3A_1109, %get3A_576 : vector<16xf32>
        %convert_element_type3A = arith.extui %le3A_1110 : vector<16xi1> to vector<16xi32>
        %reduce_sum3A = arith.constant true
        %reduce_sum3A_1111 = vector.broadcast %reduce_sum3A : i1 to vector<16xi1>
        %reduce_sum3A_1112 = tpu.scan <sum>, %convert_element_type3A masked %reduce_sum3A_1111 : vector<16xi32>, vector<16xi1> -> vector<16xi32>
        %reduce_sum3A_1113 = vector.extract %reduce_sum3A_1112[15] : i32 from vector<16xi32>
        %add3A_1114 = arith.constant 0 : i32
        %add3A_1115 = arith.addi %add3A_1114, %reduce_sum3A_1113 : i32
        %add3A_1116 = arith.constant 16 : i32
        %add3A_1117 = arith.addi %mul3A_1105, %add3A_1116 : i32
        %get3A_1118 = arith.index_cast %add3A_1117 : i32 to index
        %get3A_1119 = tpu.vector_load %arg7[%get3A_1118] {strides = array<i32>} : memref<16384xf32, #tpu.memory_space<vmem>>, vector<16xf32>,
        %le3A_1120 = arith.cmpf ole, %get3A_1119, %get3A_576 : vector<16xf32>
        %convert_element_type3A_1121 = arith.extui %le3A_1120 : vector<16xi1> to vector<16xi32>
        %reduce_sum3A_1122 = arith.constant true
        %reduce_sum3A_1123 = vector.broadcast %reduce_sum3A_1122 : i1 to vector<16xi1>
        %reduce_sum3A_1124 = tpu.scan <sum>, %convert_element_type3A_1121 masked %reduce_sum3A_1123 : vector<16xi32>, vector<16xi1> -> vector<16xi32>
        %reduce_sum3A_1125 = vector.extract %reduce_sum3A_1124[15] : i32 from vector<16xi32>
        %add3A_1126 = arith.addi %add3A_1115, %reduce_sum3A_1125 : i32
        %add3A_1127 = arith.constant 32 : i32
        %add3A_1128 = arith.addi %mul3A_1105, %add3A_1127 : i32
        %get3A_1129 = arith.index_cast %add3A_1128 : i32 to index
        %get3A_1130 = tpu.vector_load %arg7[%get3A_1129] {strides = array<i32>} : memref<16384xf32, #tpu.memory_space<vmem>>, vector<16xf32>,
        %le3A_1131 = arith.cmpf ole, %get3A_1130, %get3A_576 : vector<16xf32>
        %convert_element_type3A_1132 = arith.extui %le3A_1131 : vector<16xi1> to vector<16xi32>
        %reduce_sum3A_1133 = arith.constant true
        %reduce_sum3A_1134 = vector.broadcast %reduce_sum3A_1133 : i1 to vector<16xi1>
        %reduce_sum3A_1135 = tpu.scan <sum>, %convert_element_type3A_1132 masked %reduce_sum3A_1134 : vector<16xi32>, vector<16xi1> -> vector<16xi32>
        %reduce_sum3A_1136 = vector.extract %reduce_sum3A_1135[15] : i32 from vector<16xi32>
        %add3A_1137 = arith.addi %add3A_1126, %reduce_sum3A_1136 : i32
        %add3A_1138 = arith.constant 48 : i32
        %add3A_1139 = arith.addi %mul3A_1105, %add3A_1138 : i32
        %get3A_1140 = arith.index_cast %add3A_1139 : i32 to index
        %get3A_1141 = tpu.vector_load %arg7[%get3A_1140] {strides = array<i32>} : memref<16384xf32, #tpu.memory_space<vmem>>, vector<16xf32>,
        %le3A_1142 = arith.cmpf ole, %get3A_1141, %get3A_576 : vector<16xf32>
        %convert_element_type3A_1143 = arith.extui %le3A_1142 : vector<16xi1> to vector<16xi32>
        %reduce_sum3A_1144 = arith.constant true
        %reduce_sum3A_1145 = vector.broadcast %reduce_sum3A_1144 : i1 to vector<16xi1>
        %reduce_sum3A_1146 = tpu.scan <sum>, %convert_element_type3A_1143 masked %reduce_sum3A_1145 : vector<16xi32>, vector<16xi1> -> vector<16xi32>
        %reduce_sum3A_1147 = vector.extract %reduce_sum3A_1146[15] : i32 from vector<16xi32>
        %add3A_1148 = arith.addi %add3A_1137, %reduce_sum3A_1147 : i32
        %gt3A = arith.constant 0 : i32
        %gt3A_1149 = arith.cmpi sgt, %add3A_1148, %gt3A : i32
        %convert_element_type3A_1150 = arith.extui %gt3A_1149 : i1 to i32
        %cond3A = arith.constant 0 : i32
        %cond3A_1151 = arith.cmpi ne, %convert_element_type3A_1150, %cond3A : i32
        scf.if %cond3A_1151 {
          %get3A_1152 = arith.constant 0 : index
          %get3A_1153 = tpu.vector_load %arg11[%get3A_1152] {strides = array<i32>} : memref<16xi32, #tpu.memory_space<vmem>>, vector<16xi32>,
          %broadcast_in_dim3A_1154 = arith.constant 1 : i32
          %broadcast_in_dim3A_1155 = vector.broadcast %broadcast_in_dim3A_1154 : i32 to vector<16xi32>
          %convert_element_type3A_1156 = arith.extui %le3A_1110 : vector<16xi1> to vector<16xi32>
          %broadcast_in_dim3A_1157 = arith.constant true
          %broadcast_in_dim3A_1158 = vector.broadcast %broadcast_in_dim3A_1157 : i1 to vector<16xi1>
          %masked_cumsum3A = tpu.scan <sum>, %convert_element_type3A_1156 masked %broadcast_in_dim3A_1158 : vector<16xi32>, vector<16xi1> -> vector<16xi32>
          %add3A_1159 = arith.addi %get3A_1153, %masked_cumsum3A : vector<16xi32>
          %sub3A = arith.subi %add3A_1159, %broadcast_in_dim3A_1155 : vector<16xi32>
          %add3A_1160 = arith.constant 0 : i32
          %add3A_1161 = arith.addi %mul3A_1105, %add3A_1160 : i32
          %broadcast_in_dim3A_1162 = vector.broadcast %add3A_1161 : i32 to vector<16xi32>
          %iota3A = tpu.iota {dimensions = array<i32: 0>} : vector<16xi32>
          %add3A_1163 = arith.addi %broadcast_in_dim3A_1162, %iota3A : vector<16xi32>
          tpu.vector_store_idx %arg9[%sub3A], %get3A_1109 masked %le3A_1110 : memref<160xf32, #tpu.memory_space<vmem>>[vector<16xi32>], vector<16xf32>, vector<16xi1>
          tpu.vector_store_idx %arg10[%sub3A], %add3A_1163 masked %le3A_1110 : memref<160xi32, #tpu.memory_space<vmem>>[vector<16xi32>], vector<16xi32>, vector<16xi1>
          %all_reduce_population_count3A = tpu.all_reduce %le3A_1110 {dim = 0 : i64, kind = #tpu.reduction_kind<sum>} : vector<16xi1> -> vector<16xi32>
          %add3A_1164 = arith.addi %get3A_1153, %all_reduce_population_count3A : vector<16xi32>
          %convert_element_type3A_1165 = arith.extui %le3A_1120 : vector<16xi1> to vector<16xi32>
          %broadcast_in_dim3A_1166 = arith.constant true
          %broadcast_in_dim3A_1167 = vector.broadcast %broadcast_in_dim3A_1166 : i1 to vector<16xi1>
          %masked_cumsum3A_1168 = tpu.scan <sum>, %convert_element_type3A_1165 masked %broadcast_in_dim3A_1167 : vector<16xi32>, vector<16xi1> -> vector<16xi32>
          %add3A_1169 = arith.addi %add3A_1164, %masked_cumsum3A_1168 : vector<16xi32>
          %sub3A_1170 = arith.subi %add3A_1169, %broadcast_in_dim3A_1155 : vector<16xi32>
          %add3A_1171 = arith.constant 16 : i32
          %add3A_1172 = arith.addi %mul3A_1105, %add3A_1171 : i32
          %broadcast_in_dim3A_1173 = vector.broadcast %add3A_1172 : i32 to vector<16xi32>
          %iota3A_1174 = tpu.iota {dimensions = array<i32: 0>} : vector<16xi32>
          %add3A_1175 = arith.addi %broadcast_in_dim3A_1173, %iota3A_1174 : vector<16xi32>
          tpu.vector_store_idx %arg9[%sub3A_1170], %get3A_1119 masked %le3A_1120 : memref<160xf32, #tpu.memory_space<vmem>>[vector<16xi32>], vector<16xf32>, vector<16xi1>
          tpu.vector_store_idx %arg10[%sub3A_1170], %add3A_1175 masked %le3A_1120 : memref<160xi32, #tpu.memory_space<vmem>>[vector<16xi32>], vector<16xi32>, vector<16xi1>
          %all_reduce_population_count3A_1176 = tpu.all_reduce %le3A_1120 {dim = 0 : i64, kind = #tpu.reduction_kind<sum>} : vector<16xi1> -> vector<16xi32>
          %add3A_1177 = arith.addi %add3A_1164, %all_reduce_population_count3A_1176 : vector<16xi32>
          %convert_element_type3A_1178 = arith.extui %le3A_1131 : vector<16xi1> to vector<16xi32>
          %broadcast_in_dim3A_1179 = arith.constant true
          %broadcast_in_dim3A_1180 = vector.broadcast %broadcast_in_dim3A_1179 : i1 to vector<16xi1>
          %masked_cumsum3A_1181 = tpu.scan <sum>, %convert_element_type3A_1178 masked %broadcast_in_dim3A_1180 : vector<16xi32>, vector<16xi1> -> vector<16xi32>
          %add3A_1182 = arith.addi %add3A_1177, %masked_cumsum3A_1181 : vector<16xi32>
          %sub3A_1183 = arith.subi %add3A_1182, %broadcast_in_dim3A_1155 : vector<16xi32>
          %add3A_1184 = arith.constant 32 : i32
          %add3A_1185 = arith.addi %mul3A_1105, %add3A_1184 : i32
          %broadcast_in_dim3A_1186 = vector.broadcast %add3A_1185 : i32 to vector<16xi32>
          %iota3A_1187 = tpu.iota {dimensions = array<i32: 0>} : vector<16xi32>
          %add3A_1188 = arith.addi %broadcast_in_dim3A_1186, %iota3A_1187 : vector<16xi32>
          tpu.vector_store_idx %arg9[%sub3A_1183], %get3A_1130 masked %le3A_1131 : memref<160xf32, #tpu.memory_space<vmem>>[vector<16xi32>], vector<16xf32>, vector<16xi1>
          tpu.vector_store_idx %arg10[%sub3A_1183], %add3A_1188 masked %le3A_1131 : memref<160xi32, #tpu.memory_space<vmem>>[vector<16xi32>], vector<16xi32>, vector<16xi1>
          %all_reduce_population_count3A_1189 = tpu.all_reduce %le3A_1131 {dim = 0 : i64, kind = #tpu.reduction_kind<sum>} : vector<16xi1> -> vector<16xi32>
          %add3A_1190 = arith.addi %add3A_1177, %all_reduce_population_count3A_1189 : vector<16xi32>
          %convert_element_type3A_1191 = arith.extui %le3A_1142 : vector<16xi1> to vector<16xi32>
          %broadcast_in_dim3A_1192 = arith.constant true
          %broadcast_in_dim3A_1193 = vector.broadcast %broadcast_in_dim3A_1192 : i1 to vector<16xi1>
          %masked_cumsum3A_1194 = tpu.scan <sum>, %convert_element_type3A_1191 masked %broadcast_in_dim3A_1193 : vector<16xi32>, vector<16xi1> -> vector<16xi32>
          %add3A_1195 = arith.addi %add3A_1190, %masked_cumsum3A_1194 : vector<16xi32>
          %sub3A_1196 = arith.subi %add3A_1195, %broadcast_in_dim3A_1155 : vector<16xi32>
          %add3A_1197 = arith.constant 48 : i32
          %add3A_1198 = arith.addi %mul3A_1105, %add3A_1197 : i32
          %broadcast_in_dim3A_1199 = vector.broadcast %add3A_1198 : i32 to vector<16xi32>
          %iota3A_1200 = tpu.iota {dimensions = array<i32: 0>} : vector<16xi32>
          %add3A_1201 = arith.addi %broadcast_in_dim3A_1199, %iota3A_1200 : vector<16xi32>
          tpu.vector_store_idx %arg9[%sub3A_1196], %get3A_1141 masked %le3A_1142 : memref<160xf32, #tpu.memory_space<vmem>>[vector<16xi32>], vector<16xf32>, vector<16xi1>
          tpu.vector_store_idx %arg10[%sub3A_1196], %add3A_1201 masked %le3A_1142 : memref<160xi32, #tpu.memory_space<vmem>>[vector<16xi32>], vector<16xi32>, vector<16xi1>
          %all_reduce_population_count3A_1202 = tpu.all_reduce %le3A_1142 {dim = 0 : i64, kind = #tpu.reduction_kind<sum>} : vector<16xi1> -> vector<16xi32>
          %add3A_1203 = arith.addi %add3A_1190, %all_reduce_population_count3A_1202 : vector<16xi32>
          %swap3A_1204 = arith.constant 0 : index
          %swap3A_1205 = tpu.vector_load %arg11[%swap3A_1204] {strides = array<i32>} : memref<16xi32, #tpu.memory_space<vmem>>, vector<16xi32>,
          tpu.vector_store %arg11[%swap3A_1204], %add3A_1203 {strides = array<i32>} : memref<16xi32, #tpu.memory_space<vmem>>, vector<16xi32>,
        } else {
        }
      }
      %scan3A_666 = arith.constant 256 : i32
      %get3A_667 = arith.constant 0 : index
      %get3A_668 = tpu.vector_load %arg9[%get3A_667] {strides = array<i32>} : memref<160xf32, #tpu.memory_space<vmem>>, vector<16xf32>,
      %get3A_669 = arith.constant 0 : index
      %get3A_670 = tpu.vector_load %arg10[%get3A_669] {strides = array<i32>} : memref<160xi32, #tpu.memory_space<vmem>>, vector<16xi32>,
      %masked_sort3A_671 = arith.constant dense<true> : vector<16xi1>
      %masked_sort3A_672, %masked_sort3A_673, %masked_sort3A_674 = tpu.sort %get3A_668, %get3A_670 masked %masked_sort3A_671 : (vector<16xf32>, vector<16xi32>, vector<16xi1>) -> (vector<16xi1>, vector<16xf32>, vector<16xi32>)
      %get3A_675 = arith.constant 16 : index
      %get3A_676 = tpu.vector_load %arg9[%get3A_675] {strides = array<i32>} : memref<160xf32, #tpu.memory_space<vmem>>, vector<16xf32>,
      %get3A_677 = arith.constant 16 : index
      %get3A_678 = tpu.vector_load %arg10[%get3A_677] {strides = array<i32>} : memref<160xi32, #tpu.memory_space<vmem>>, vector<16xi32>,
      %masked_sort3A_679 = arith.constant dense<true> : vector<16xi1>
      %masked_sort3A_680, %masked_sort3A_681, %masked_sort3A_682 = tpu.sort %get3A_676, %get3A_678 masked %masked_sort3A_679 : (vector<16xf32>, vector<16xi32>, vector<16xi1>) -> (vector<16xi1>, vector<16xf32>, vector<16xi32>)
      %get3A_683 = arith.constant 32 : index
      %get3A_684 = tpu.vector_load %arg9[%get3A_683] {strides = array<i32>} : memref<160xf32, #tpu.memory_space<vmem>>, vector<16xf32>,
      %get3A_685 = arith.constant 32 : index
      %get3A_686 = tpu.vector_load %arg10[%get3A_685] {strides = array<i32>} : memref<160xi32, #tpu.memory_space<vmem>>, vector<16xi32>,
      %masked_sort3A_687 = arith.constant dense<true> : vector<16xi1>
      %masked_sort3A_688, %masked_sort3A_689, %masked_sort3A_690 = tpu.sort %get3A_684, %get3A_686 masked %masked_sort3A_687 : (vector<16xf32>, vector<16xi32>, vector<16xi1>) -> (vector<16xi1>, vector<16xf32>, vector<16xi32>)
      %get3A_691 = arith.constant 48 : index
      %get3A_692 = tpu.vector_load %arg9[%get3A_691] {strides = array<i32>} : memref<160xf32, #tpu.memory_space<vmem>>, vector<16xf32>,
      %get3A_693 = arith.constant 48 : index
      %get3A_694 = tpu.vector_load %arg10[%get3A_693] {strides = array<i32>} : memref<160xi32, #tpu.memory_space<vmem>>, vector<16xi32>,
      %masked_sort3A_695 = arith.constant dense<true> : vector<16xi1>
      %masked_sort3A_696, %masked_sort3A_697, %masked_sort3A_698 = tpu.sort %get3A_692, %get3A_694 masked %masked_sort3A_695 : (vector<16xf32>, vector<16xi32>, vector<16xi1>) -> (vector<16xi1>, vector<16xf32>, vector<16xi32>)
      %get3A_699 = arith.constant 64 : index
      %get3A_700 = tpu.vector_load %arg9[%get3A_699] {strides = array<i32>} : memref<160xf32, #tpu.memory_space<vmem>>, vector<16xf32>,
      %get3A_701 = arith.constant 64 : index
      %get3A_702 = tpu.vector_load %arg10[%get3A_701] {strides = array<i32>} : memref<160xi32, #tpu.memory_space<vmem>>, vector<16xi32>,
      %masked_sort3A_703 = arith.constant dense<true> : vector<16xi1>
      %masked_sort3A_704, %masked_sort3A_705, %masked_sort3A_706 = tpu.sort %get3A_700, %get3A_702 masked %masked_sort3A_703 : (vector<16xf32>, vector<16xi32>, vector<16xi1>) -> (vector<16xi1>, vector<16xf32>, vector<16xi32>)
      %get3A_707 = arith.constant 80 : index
      %get3A_708 = tpu.vector_load %arg9[%get3A_707] {strides = array<i32>} : memref<160xf32, #tpu.memory_space<vmem>>, vector<16xf32>,
      %get3A_709 = arith.constant 80 : index
      %get3A_710 = tpu.vector_load %arg10[%get3A_709] {strides = array<i32>} : memref<160xi32, #tpu.memory_space<vmem>>, vector<16xi32>,
      %masked_sort3A_711 = arith.constant dense<true> : vector<16xi1>
      %masked_sort3A_712, %masked_sort3A_713, %masked_sort3A_714 = tpu.sort %get3A_708, %get3A_710 masked %masked_sort3A_711 : (vector<16xf32>, vector<16xi32>, vector<16xi1>) -> (vector<16xi1>, vector<16xf32>, vector<16xi32>)
      %get3A_715 = arith.constant 96 : index
      %get3A_716 = tpu.vector_load %arg9[%get3A_715] {strides = array<i32>} : memref<160xf32, #tpu.memory_space<vmem>>, vector<16xf32>,
      %get3A_717 = arith.constant 96 : index
      %get3A_718 = tpu.vector_load %arg10[%get3A_717] {strides = array<i32>} : memref<160xi32, #tpu.memory_space<vmem>>, vector<16xi32>,
      %masked_sort3A_719 = arith.constant dense<true> : vector<16xi1>
      %masked_sort3A_720, %masked_sort3A_721, %masked_sort3A_722 = tpu.sort %get3A_716, %get3A_718 masked %masked_sort3A_719 : (vector<16xf32>, vector<16xi32>, vector<16xi1>) -> (vector<16xi1>, vector<16xf32>, vector<16xi32>)
      %get3A_723 = arith.constant 112 : index
      %get3A_724 = tpu.vector_load %arg9[%get3A_723] {strides = array<i32>} : memref<160xf32, #tpu.memory_space<vmem>>, vector<16xf32>,
      %get3A_725 = arith.constant 112 : index
      %get3A_726 = tpu.vector_load %arg10[%get3A_725] {strides = array<i32>} : memref<160xi32, #tpu.memory_space<vmem>>, vector<16xi32>,
      %masked_sort3A_727 = arith.constant dense<true> : vector<16xi1>
      %masked_sort3A_728, %masked_sort3A_729, %masked_sort3A_730 = tpu.sort %get3A_724, %get3A_726 masked %masked_sort3A_727 : (vector<16xf32>, vector<16xi32>, vector<16xi1>) -> (vector<16xi1>, vector<16xf32>, vector<16xi32>)
      %rev3A_731 = arith.constant 15 : i32
      %rev3A_732 = vector.broadcast %rev3A_731 : i32 to vector<16xi32>
      %rev3A_733 = tpu.iota {dimensions = array<i32: 0>} : vector<16xi32>
      %rev3A_734 = arith.subi %rev3A_732, %rev3A_733 : vector<16xi32>
      %rev3A_735 = tpu.dynamic_gather %masked_sort3A_681[%rev3A_734] in [0] : vector<16xf32>, vector<16xi32> -> vector<16xf32>
      %rev3A_736 = arith.constant 15 : i32
      %rev3A_737 = vector.broadcast %rev3A_736 : i32 to vector<16xi32>
      %rev3A_738 = tpu.iota {dimensions = array<i32: 0>} : vector<16xi32>
      %rev3A_739 = arith.subi %rev3A_737, %rev3A_738 : vector<16xi32>
      %rev3A_740 = tpu.dynamic_gather %masked_sort3A_682[%rev3A_739] in [0] : vector<16xi32>, vector<16xi32> -> vector<16xi32>
      %le3A_741 = arith.cmpf ole, %masked_sort3A_673, %rev3A_735 : vector<16xf32>
      %select_n3A_742 = arith.select %le3A_741, %masked_sort3A_673, %rev3A_735 : vector<16xi1>, vector<16xf32>
      %select_n3A_743 = arith.select %le3A_741, %masked_sort3A_674, %rev3A_740 : vector<16xi1>, vector<16xi32>
      %select_n3A_744 = arith.select %le3A_741, %rev3A_735, %masked_sort3A_673 : vector<16xi1>, vector<16xf32>
      %select_n3A_745 = arith.select %le3A_741, %rev3A_740, %masked_sort3A_674 : vector<16xi1>, vector<16xi32>
      %masked_sort3A_746 = arith.constant dense<true> : vector<16xi1>
      %masked_sort3A_747, %masked_sort3A_748, %masked_sort3A_749 = tpu.sort %select_n3A_742, %select_n3A_743 masked %masked_sort3A_746 : (vector<16xf32>, vector<16xi32>, vector<16xi1>) -> (vector<16xi1>, vector<16xf32>, vector<16xi32>)
      %masked_sort3A_750 = arith.constant dense<true> : vector<16xi1>
      %masked_sort3A_751, %masked_sort3A_752, %masked_sort3A_753 = tpu.sort %select_n3A_744, %select_n3A_745 masked %masked_sort3A_750 : (vector<16xf32>, vector<16xi32>, vector<16xi1>) -> (vector<16xi1>, vector<16xf32>, vector<16xi32>)
      %rev3A_754 = arith.constant 15 : i32
      %rev3A_755 = vector.broadcast %rev3A_754 : i32 to vector<16xi32>
      %rev3A_756 = tpu.iota {dimensions = array<i32: 0>} : vector<16xi32>
      %rev3A_757 = arith.subi %rev3A_755, %rev3A_756 : vector<16xi32>
      %rev3A_758 = tpu.dynamic_gather %masked_sort3A_697[%rev3A_757] in [0] : vector<16xf32>, vector<16xi32> -> vector<16xf32>
      %rev3A_759 = arith.constant 15 : i32
      %rev3A_760 = vector.broadcast %rev3A_759 : i32 to vector<16xi32>
      %rev3A_761 = tpu.iota {dimensions = array<i32: 0>} : vector<16xi32>
      %rev3A_762 = arith.subi %rev3A_760, %rev3A_761 : vector<16xi32>
      %rev3A_763 = tpu.dynamic_gather %masked_sort3A_698[%rev3A_762] in [0] : vector<16xi32>, vector<16xi32> -> vector<16xi32>
      %le3A_764 = arith.cmpf ole, %masked_sort3A_689, %rev3A_758 : vector<16xf32>
      %select_n3A_765 = arith.select %le3A_764, %masked_sort3A_689, %rev3A_758 : vector<16xi1>, vector<16xf32>
      %select_n3A_766 = arith.select %le3A_764, %masked_sort3A_690, %rev3A_763 : vector<16xi1>, vector<16xi32>
      %select_n3A_767 = arith.select %le3A_764, %rev3A_758, %masked_sort3A_689 : vector<16xi1>, vector<16xf32>
      %select_n3A_768 = arith.select %le3A_764, %rev3A_763, %masked_sort3A_690 : vector<16xi1>, vector<16xi32>
      %masked_sort3A_769 = arith.constant dense<true> : vector<16xi1>
      %masked_sort3A_770, %masked_sort3A_771, %masked_sort3A_772 = tpu.sort %select_n3A_765, %select_n3A_766 masked %masked_sort3A_769 : (vector<16xf32>, vector<16xi32>, vector<16xi1>) -> (vector<16xi1>, vector<16xf32>, vector<16xi32>)
      %masked_sort3A_773 = arith.constant dense<true> : vector<16xi1>
      %masked_sort3A_774, %masked_sort3A_775, %masked_sort3A_776 = tpu.sort %select_n3A_767, %select_n3A_768 masked %masked_sort3A_773 : (vector<16xf32>, vector<16xi32>, vector<16xi1>) -> (vector<16xi1>, vector<16xf32>, vector<16xi32>)
      %rev3A_777 = arith.constant 15 : i32
      %rev3A_778 = vector.broadcast %rev3A_777 : i32 to vector<16xi32>
      %rev3A_779 = tpu.iota {dimensions = array<i32: 0>} : vector<16xi32>
      %rev3A_780 = arith.subi %rev3A_778, %rev3A_779 : vector<16xi32>
      %rev3A_781 = tpu.dynamic_gather %masked_sort3A_713[%rev3A_780] in [0] : vector<16xf32>, vector<16xi32> -> vector<16xf32>
      %rev3A_782 = arith.constant 15 : i32
      %rev3A_783 = vector.broadcast %rev3A_782 : i32 to vector<16xi32>
      %rev3A_784 = tpu.iota {dimensions = array<i32: 0>} : vector<16xi32>
      %rev3A_785 = arith.subi %rev3A_783, %rev3A_784 : vector<16xi32>
      %rev3A_786 = tpu.dynamic_gather %masked_sort3A_714[%rev3A_785] in [0] : vector<16xi32>, vector<16xi32> -> vector<16xi32>
      %le3A_787 = arith.cmpf ole, %masked_sort3A_705, %rev3A_781 : vector<16xf32>
      %select_n3A_788 = arith.select %le3A_787, %masked_sort3A_705, %rev3A_781 : vector<16xi1>, vector<16xf32>
      %select_n3A_789 = arith.select %le3A_787, %masked_sort3A_706, %rev3A_786 : vector<16xi1>, vector<16xi32>
      %select_n3A_790 = arith.select %le3A_787, %rev3A_781, %masked_sort3A_705 : vector<16xi1>, vector<16xf32>
      %select_n3A_791 = arith.select %le3A_787, %rev3A_786, %masked_sort3A_706 : vector<16xi1>, vector<16xi32>
      %masked_sort3A_792 = arith.constant dense<true> : vector<16xi1>
      %masked_sort3A_793, %masked_sort3A_794, %masked_sort3A_795 = tpu.sort %select_n3A_788, %select_n3A_789 masked %masked_sort3A_792 : (vector<16xf32>, vector<16xi32>, vector<16xi1>) -> (vector<16xi1>, vector<16xf32>, vector<16xi32>)
      %masked_sort3A_796 = arith.constant dense<true> : vector<16xi1>
      %masked_sort3A_797, %masked_sort3A_798, %masked_sort3A_799 = tpu.sort %select_n3A_790, %select_n3A_791 masked %masked_sort3A_796 : (vector<16xf32>, vector<16xi32>, vector<16xi1>) -> (vector<16xi1>, vector<16xf32>, vector<16xi32>)
      %rev3A_800 = arith.constant 15 : i32
      %rev3A_801 = vector.broadcast %rev3A_800 : i32 to vector<16xi32>
      %rev3A_802 = tpu.iota {dimensions = array<i32: 0>} : vector<16xi32>
      %rev3A_803 = arith.subi %rev3A_801, %rev3A_802 : vector<16xi32>
      %rev3A_804 = tpu.dynamic_gather %masked_sort3A_729[%rev3A_803] in [0] : vector<16xf32>, vector<16xi32> -> vector<16xf32>
      %rev3A_805 = arith.constant 15 : i32
      %rev3A_806 = vector.broadcast %rev3A_805 : i32 to vector<16xi32>
      %rev3A_807 = tpu.iota {dimensions = array<i32: 0>} : vector<16xi32>
      %rev3A_808 = arith.subi %rev3A_806, %rev3A_807 : vector<16xi32>
      %rev3A_809 = tpu.dynamic_gather %masked_sort3A_730[%rev3A_808] in [0] : vector<16xi32>, vector<16xi32> -> vector<16xi32>
      %le3A_810 = arith.cmpf ole, %masked_sort3A_721, %rev3A_804 : vector<16xf32>
      %select_n3A_811 = arith.select %le3A_810, %masked_sort3A_721, %rev3A_804 : vector<16xi1>, vector<16xf32>
      %select_n3A_812 = arith.select %le3A_810, %masked_sort3A_722, %rev3A_809 : vector<16xi1>, vector<16xi32>
      %select_n3A_813 = arith.select %le3A_810, %rev3A_804, %masked_sort3A_721 : vector<16xi1>, vector<16xf32>
      %select_n3A_814 = arith.select %le3A_810, %rev3A_809, %masked_sort3A_722 : vector<16xi1>, vector<16xi32>
      %masked_sort3A_815 = arith.constant dense<true> : vector<16xi1>
      %masked_sort3A_816, %masked_sort3A_817, %masked_sort3A_818 = tpu.sort %select_n3A_811, %select_n3A_812 masked %masked_sort3A_815 : (vector<16xf32>, vector<16xi32>, vector<16xi1>) -> (vector<16xi1>, vector<16xf32>, vector<16xi32>)
      %masked_sort3A_819 = arith.constant dense<true> : vector<16xi1>
      %masked_sort3A_820, %masked_sort3A_821, %masked_sort3A_822 = tpu.sort %select_n3A_813, %select_n3A_814 masked %masked_sort3A_819 : (vector<16xf32>, vector<16xi32>, vector<16xi1>) -> (vector<16xi1>, vector<16xf32>, vector<16xi32>)
      %rev3A_823 = arith.constant 15 : i32
      %rev3A_824 = vector.broadcast %rev3A_823 : i32 to vector<16xi32>
      %rev3A_825 = tpu.iota {dimensions = array<i32: 0>} : vector<16xi32>
      %rev3A_826 = arith.subi %rev3A_824, %rev3A_825 : vector<16xi32>
      %rev3A_827 = tpu.dynamic_gather %masked_sort3A_775[%rev3A_826] in [0] : vector<16xf32>, vector<16xi32> -> vector<16xf32>
      %rev3A_828 = arith.constant 15 : i32
      %rev3A_829 = vector.broadcast %rev3A_828 : i32 to vector<16xi32>
      %rev3A_830 = tpu.iota {dimensions = array<i32: 0>} : vector<16xi32>
      %rev3A_831 = arith.subi %rev3A_829, %rev3A_830 : vector<16xi32>
      %rev3A_832 = tpu.dynamic_gather %masked_sort3A_776[%rev3A_831] in [0] : vector<16xi32>, vector<16xi32> -> vector<16xi32>
      %le3A_833 = arith.cmpf ole, %masked_sort3A_748, %rev3A_827 : vector<16xf32>
      %select_n3A_834 = arith.select %le3A_833, %masked_sort3A_748, %rev3A_827 : vector<16xi1>, vector<16xf32>
      %select_n3A_835 = arith.select %le3A_833, %masked_sort3A_749, %rev3A_832 : vector<16xi1>, vector<16xi32>
      %select_n3A_836 = arith.select %le3A_833, %rev3A_827, %masked_sort3A_748 : vector<16xi1>, vector<16xf32>
      %select_n3A_837 = arith.select %le3A_833, %rev3A_832, %masked_sort3A_749 : vector<16xi1>, vector<16xi32>
      %rev3A_838 = arith.constant 15 : i32
      %rev3A_839 = vector.broadcast %rev3A_838 : i32 to vector<16xi32>
      %rev3A_840 = tpu.iota {dimensions = array<i32: 0>} : vector<16xi32>
      %rev3A_841 = arith.subi %rev3A_839, %rev3A_840 : vector<16xi32>
      %rev3A_842 = tpu.dynamic_gather %masked_sort3A_771[%rev3A_841] in [0] : vector<16xf32>, vector<16xi32> -> vector<16xf32>
      %rev3A_843 = arith.constant 15 : i32
      %rev3A_844 = vector.broadcast %rev3A_843 : i32 to vector<16xi32>
      %rev3A_845 = tpu.iota {dimensions = array<i32: 0>} : vector<16xi32>
      %rev3A_846 = arith.subi %rev3A_844, %rev3A_845 : vector<16xi32>
      %rev3A_847 = tpu.dynamic_gather %masked_sort3A_772[%rev3A_846] in [0] : vector<16xi32>, vector<16xi32> -> vector<16xi32>
      %le3A_848 = arith.cmpf ole, %masked_sort3A_752, %rev3A_842 : vector<16xf32>
      %select_n3A_849 = arith.select %le3A_848, %masked_sort3A_752, %rev3A_842 : vector<16xi1>, vector<16xf32>
      %select_n3A_850 = arith.select %le3A_848, %masked_sort3A_753, %rev3A_847 : vector<16xi1>, vector<16xi32>
      %select_n3A_851 = arith.select %le3A_848, %rev3A_842, %masked_sort3A_752 : vector<16xi1>, vector<16xf32>
      %select_n3A_852 = arith.select %le3A_848, %rev3A_847, %masked_sort3A_753 : vector<16xi1>, vector<16xi32>
      %le3A_853 = arith.cmpf ole, %select_n3A_834, %select_n3A_849 : vector<16xf32>
      %select_n3A_854 = arith.select %le3A_853, %select_n3A_834, %select_n3A_849 : vector<16xi1>, vector<16xf32>
      %select_n3A_855 = arith.select %le3A_853, %select_n3A_835, %select_n3A_850 : vector<16xi1>, vector<16xi32>
      %select_n3A_856 = arith.select %le3A_853, %select_n3A_849, %select_n3A_834 : vector<16xi1>, vector<16xf32>
      %select_n3A_857 = arith.select %le3A_853, %select_n3A_850, %select_n3A_835 : vector<16xi1>, vector<16xi32>
      %masked_sort3A_858 = arith.constant dense<true> : vector<16xi1>
      %masked_sort3A_859, %masked_sort3A_860, %masked_sort3A_861 = tpu.sort %select_n3A_854, %select_n3A_855 masked %masked_sort3A_858 : (vector<16xf32>, vector<16xi32>, vector<16xi1>) -> (vector<16xi1>, vector<16xf32>, vector<16xi32>)
      %masked_sort3A_862 = arith.constant dense<true> : vector<16xi1>
      %masked_sort3A_863, %masked_sort3A_864, %masked_sort3A_865 = tpu.sort %select_n3A_856, %select_n3A_857 masked %masked_sort3A_862 : (vector<16xf32>, vector<16xi32>, vector<16xi1>) -> (vector<16xi1>, vector<16xf32>, vector<16xi32>)
      %le3A_866 = arith.cmpf ole, %select_n3A_836, %select_n3A_851 : vector<16xf32>
      %select_n3A_867 = arith.select %le3A_866, %select_n3A_836, %select_n3A_851 : vector<16xi1>, vector<16xf32>
      %select_n3A_868 = arith.select %le3A_866, %select_n3A_837, %select_n3A_852 : vector<16xi1>, vector<16xi32>
      %select_n3A_869 = arith.select %le3A_866, %select_n3A_851, %select_n3A_836 : vector<16xi1>, vector<16xf32>
      %select_n3A_870 = arith.select %le3A_866, %select_n3A_852, %select_n3A_837 : vector<16xi1>, vector<16xi32>
      %masked_sort3A_871 = arith.constant dense<true> : vector<16xi1>
      %masked_sort3A_872, %masked_sort3A_873, %masked_sort3A_874 = tpu.sort %select_n3A_867, %select_n3A_868 masked %masked_sort3A_871 : (vector<16xf32>, vector<16xi32>, vector<16xi1>) -> (vector<16xi1>, vector<16xf32>, vector<16xi32>)
      %masked_sort3A_875 = arith.constant dense<true> : vector<16xi1>
      %masked_sort3A_876, %masked_sort3A_877, %masked_sort3A_878 = tpu.sort %select_n3A_869, %select_n3A_870 masked %masked_sort3A_875 : (vector<16xf32>, vector<16xi32>, vector<16xi1>) -> (vector<16xi1>, vector<16xf32>, vector<16xi32>)
      %rev3A_879 = arith.constant 15 : i32
      %rev3A_880 = vector.broadcast %rev3A_879 : i32 to vector<16xi32>
      %rev3A_881 = tpu.iota {dimensions = array<i32: 0>} : vector<16xi32>
      %rev3A_882 = arith.subi %rev3A_880, %rev3A_881 : vector<16xi32>
      %rev3A_883 = tpu.dynamic_gather %masked_sort3A_821[%rev3A_882] in [0] : vector<16xf32>, vector<16xi32> -> vector<16xf32>
      %rev3A_884 = arith.constant 15 : i32
      %rev3A_885 = vector.broadcast %rev3A_884 : i32 to vector<16xi32>
      %rev3A_886 = tpu.iota {dimensions = array<i32: 0>} : vector<16xi32>
      %rev3A_887 = arith.subi %rev3A_885, %rev3A_886 : vector<16xi32>
      %rev3A_888 = tpu.dynamic_gather %masked_sort3A_822[%rev3A_887] in [0] : vector<16xi32>, vector<16xi32> -> vector<16xi32>
      %le3A_889 = arith.cmpf ole, %masked_sort3A_794, %rev3A_883 : vector<16xf32>
      %select_n3A_890 = arith.select %le3A_889, %masked_sort3A_794, %rev3A_883 : vector<16xi1>, vector<16xf32>
      %select_n3A_891 = arith.select %le3A_889, %masked_sort3A_795, %rev3A_888 : vector<16xi1>, vector<16xi32>
      %select_n3A_892 = arith.select %le3A_889, %rev3A_883, %masked_sort3A_794 : vector<16xi1>, vector<16xf32>
      %select_n3A_893 = arith.select %le3A_889, %rev3A_888, %masked_sort3A_795 : vector<16xi1>, vector<16xi32>
      %rev3A_894 = arith.constant 15 : i32
      %rev3A_895 = vector.broadcast %rev3A_894 : i32 to vector<16xi32>
      %rev3A_896 = tpu.iota {dimensions = array<i32: 0>} : vector<16xi32>
      %rev3A_897 = arith.subi %rev3A_895, %rev3A_896 : vector<16xi32>
      %rev3A_898 = tpu.dynamic_gather %masked_sort3A_817[%rev3A_897] in [0] : vector<16xf32>, vector<16xi32> -> vector<16xf32>
      %rev3A_899 = arith.constant 15 : i32
      %rev3A_900 = vector.broadcast %rev3A_899 : i32 to vector<16xi32>
      %rev3A_901 = tpu.iota {dimensions = array<i32: 0>} : vector<16xi32>
      %rev3A_902 = arith.subi %rev3A_900, %rev3A_901 : vector<16xi32>
      %rev3A_903 = tpu.dynamic_gather %masked_sort3A_818[%rev3A_902] in [0] : vector<16xi32>, vector<16xi32> -> vector<16xi32>
      %le3A_904 = arith.cmpf ole, %masked_sort3A_798, %rev3A_898 : vector<16xf32>
      %select_n3A_905 = arith.select %le3A_904, %masked_sort3A_798, %rev3A_898 : vector<16xi1>, vector<16xf32>
      %select_n3A_906 = arith.select %le3A_904, %masked_sort3A_799, %rev3A_903 : vector<16xi1>, vector<16xi32>
      %select_n3A_907 = arith.select %le3A_904, %rev3A_898, %masked_sort3A_798 : vector<16xi1>, vector<16xf32>
      %select_n3A_908 = arith.select %le3A_904, %rev3A_903, %masked_sort3A_799 : vector<16xi1>, vector<16xi32>
      %le3A_909 = arith.cmpf ole, %select_n3A_890, %select_n3A_905 : vector<16xf32>
      %select_n3A_910 = arith.select %le3A_909, %select_n3A_890, %select_n3A_905 : vector<16xi1>, vector<16xf32>
      %select_n3A_911 = arith.select %le3A_909, %select_n3A_891, %select_n3A_906 : vector<16xi1>, vector<16xi32>
      %select_n3A_912 = arith.select %le3A_909, %select_n3A_905, %select_n3A_890 : vector<16xi1>, vector<16xf32>
      %select_n3A_913 = arith.select %le3A_909, %select_n3A_906, %select_n3A_891 : vector<16xi1>, vector<16xi32>
      %masked_sort3A_914 = arith.constant dense<true> : vector<16xi1>
      %masked_sort3A_915, %masked_sort3A_916, %masked_sort3A_917 = tpu.sort %select_n3A_910, %select_n3A_911 masked %masked_sort3A_914 : (vector<16xf32>, vector<16xi32>, vector<16xi1>) -> (vector<16xi1>, vector<16xf32>, vector<16xi32>)
      %masked_sort3A_918 = arith.constant dense<true> : vector<16xi1>
      %masked_sort3A_919, %masked_sort3A_920, %masked_sort3A_921 = tpu.sort %select_n3A_912, %select_n3A_913 masked %masked_sort3A_918 : (vector<16xf32>, vector<16xi32>, vector<16xi1>) -> (vector<16xi1>, vector<16xf32>, vector<16xi32>)
      %le3A_922 = arith.cmpf ole, %select_n3A_892, %select_n3A_907 : vector<16xf32>
      %select_n3A_923 = arith.select %le3A_922, %select_n3A_892, %select_n3A_907 : vector<16xi1>, vector<16xf32>
      %select_n3A_924 = arith.select %le3A_922, %select_n3A_893, %select_n3A_908 : vector<16xi1>, vector<16xi32>
      %select_n3A_925 = arith.select %le3A_922, %select_n3A_907, %select_n3A_892 : vector<16xi1>, vector<16xf32>
      %select_n3A_926 = arith.select %le3A_922, %select_n3A_908, %select_n3A_893 : vector<16xi1>, vector<16xi32>
      %masked_sort3A_927 = arith.constant dense<true> : vector<16xi1>
      %masked_sort3A_928, %masked_sort3A_929, %masked_sort3A_930 = tpu.sort %select_n3A_923, %select_n3A_924 masked %masked_sort3A_927 : (vector<16xf32>, vector<16xi32>, vector<16xi1>) -> (vector<16xi1>, vector<16xf32>, vector<16xi32>)
      %masked_sort3A_931 = arith.constant dense<true> : vector<16xi1>
      %masked_sort3A_932, %masked_sort3A_933, %masked_sort3A_934 = tpu.sort %select_n3A_925, %select_n3A_926 masked %masked_sort3A_931 : (vector<16xf32>, vector<16xi32>, vector<16xi1>) -> (vector<16xi1>, vector<16xf32>, vector<16xi32>)
      %rev3A_935 = arith.constant 15 : i32
      %rev3A_936 = vector.broadcast %rev3A_935 : i32 to vector<16xi32>
      %rev3A_937 = tpu.iota {dimensions = array<i32: 0>} : vector<16xi32>
      %rev3A_938 = arith.subi %rev3A_936, %rev3A_937 : vector<16xi32>
      %rev3A_939 = tpu.dynamic_gather %masked_sort3A_933[%rev3A_938] in [0] : vector<16xf32>, vector<16xi32> -> vector<16xf32>
      %rev3A_940 = arith.constant 15 : i32
      %rev3A_941 = vector.broadcast %rev3A_940 : i32 to vector<16xi32>
      %rev3A_942 = tpu.iota {dimensions = array<i32: 0>} : vector<16xi32>
      %rev3A_943 = arith.subi %rev3A_941, %rev3A_942 : vector<16xi32>
      %rev3A_944 = tpu.dynamic_gather %masked_sort3A_934[%rev3A_943] in [0] : vector<16xi32>, vector<16xi32> -> vector<16xi32>
      %le3A_945 = arith.cmpf ole, %masked_sort3A_860, %rev3A_939 : vector<16xf32>
      %select_n3A_946 = arith.select %le3A_945, %masked_sort3A_860, %rev3A_939 : vector<16xi1>, vector<16xf32>
      %select_n3A_947 = arith.select %le3A_945, %masked_sort3A_861, %rev3A_944 : vector<16xi1>, vector<16xi32>
      %select_n3A_948 = arith.select %le3A_945, %rev3A_939, %masked_sort3A_860 : vector<16xi1>, vector<16xf32>
      %select_n3A_949 = arith.select %le3A_945, %rev3A_944, %masked_sort3A_861 : vector<16xi1>, vector<16xi32>
      %rev3A_950 = arith.constant 15 : i32
      %rev3A_951 = vector.broadcast %rev3A_950 : i32 to vector<16xi32>
      %rev3A_952 = tpu.iota {dimensions = array<i32: 0>} : vector<16xi32>
      %rev3A_953 = arith.subi %rev3A_951, %rev3A_952 : vector<16xi32>
      %rev3A_954 = tpu.dynamic_gather %masked_sort3A_929[%rev3A_953] in [0] : vector<16xf32>, vector<16xi32> -> vector<16xf32>
      %rev3A_955 = arith.constant 15 : i32
      %rev3A_956 = vector.broadcast %rev3A_955 : i32 to vector<16xi32>
      %rev3A_957 = tpu.iota {dimensions = array<i32: 0>} : vector<16xi32>
      %rev3A_958 = arith.subi %rev3A_956, %rev3A_957 : vector<16xi32>
      %rev3A_959 = tpu.dynamic_gather %masked_sort3A_930[%rev3A_958] in [0] : vector<16xi32>, vector<16xi32> -> vector<16xi32>
      %le3A_960 = arith.cmpf ole, %masked_sort3A_864, %rev3A_954 : vector<16xf32>
      %select_n3A_961 = arith.select %le3A_960, %masked_sort3A_864, %rev3A_954 : vector<16xi1>, vector<16xf32>
      %select_n3A_962 = arith.select %le3A_960, %masked_sort3A_865, %rev3A_959 : vector<16xi1>, vector<16xi32>
      %select_n3A_963 = arith.select %le3A_960, %rev3A_954, %masked_sort3A_864 : vector<16xi1>, vector<16xf32>
      %select_n3A_964 = arith.select %le3A_960, %rev3A_959, %masked_sort3A_865 : vector<16xi1>, vector<16xi32>
      %rev3A_965 = arith.constant 15 : i32
      %rev3A_966 = vector.broadcast %rev3A_965 : i32 to vector<16xi32>
      %rev3A_967 = tpu.iota {dimensions = array<i32: 0>} : vector<16xi32>
      %rev3A_968 = arith.subi %rev3A_966, %rev3A_967 : vector<16xi32>
      %rev3A_969 = tpu.dynamic_gather %masked_sort3A_920[%rev3A_968] in [0] : vector<16xf32>, vector<16xi32> -> vector<16xf32>
      %rev3A_970 = arith.constant 15 : i32
      %rev3A_971 = vector.broadcast %rev3A_970 : i32 to vector<16xi32>
      %rev3A_972 = tpu.iota {dimensions = array<i32: 0>} : vector<16xi32>
      %rev3A_973 = arith.subi %rev3A_971, %rev3A_972 : vector<16xi32>
      %rev3A_974 = tpu.dynamic_gather %masked_sort3A_921[%rev3A_973] in [0] : vector<16xi32>, vector<16xi32> -> vector<16xi32>
      %le3A_975 = arith.cmpf ole, %masked_sort3A_873, %rev3A_969 : vector<16xf32>
      %select_n3A_976 = arith.select %le3A_975, %masked_sort3A_873, %rev3A_969 : vector<16xi1>, vector<16xf32>
      %select_n3A_977 = arith.select %le3A_975, %masked_sort3A_874, %rev3A_974 : vector<16xi1>, vector<16xi32>
      %select_n3A_978 = arith.select %le3A_975, %rev3A_969, %masked_sort3A_873 : vector<16xi1>, vector<16xf32>
      %select_n3A_979 = arith.select %le3A_975, %rev3A_974, %masked_sort3A_874 : vector<16xi1>, vector<16xi32>
      %rev3A_980 = arith.constant 15 : i32
      %rev3A_981 = vector.broadcast %rev3A_980 : i32 to vector<16xi32>
      %rev3A_982 = tpu.iota {dimensions = array<i32: 0>} : vector<16xi32>
      %rev3A_983 = arith.subi %rev3A_981, %rev3A_982 : vector<16xi32>
      %rev3A_984 = tpu.dynamic_gather %masked_sort3A_916[%rev3A_983] in [0] : vector<16xf32>, vector<16xi32> -> vector<16xf32>
      %rev3A_985 = arith.constant 15 : i32
      %rev3A_986 = vector.broadcast %rev3A_985 : i32 to vector<16xi32>
      %rev3A_987 = tpu.iota {dimensions = array<i32: 0>} : vector<16xi32>
      %rev3A_988 = arith.subi %rev3A_986, %rev3A_987 : vector<16xi32>
      %rev3A_989 = tpu.dynamic_gather %masked_sort3A_917[%rev3A_988] in [0] : vector<16xi32>, vector<16xi32> -> vector<16xi32>
      %le3A_990 = arith.cmpf ole, %masked_sort3A_877, %rev3A_984 : vector<16xf32>
      %select_n3A_991 = arith.select %le3A_990, %masked_sort3A_877, %rev3A_984 : vector<16xi1>, vector<16xf32>
      %select_n3A_992 = arith.select %le3A_990, %masked_sort3A_878, %rev3A_989 : vector<16xi1>, vector<16xi32>
      %select_n3A_993 = arith.select %le3A_990, %rev3A_984, %masked_sort3A_877 : vector<16xi1>, vector<16xf32>
      %select_n3A_994 = arith.select %le3A_990, %rev3A_989, %masked_sort3A_878 : vector<16xi1>, vector<16xi32>
      %le3A_995 = arith.cmpf ole, %select_n3A_946, %select_n3A_976 : vector<16xf32>
      %select_n3A_996 = arith.select %le3A_995, %select_n3A_946, %select_n3A_976 : vector<16xi1>, vector<16xf32>
      %select_n3A_997 = arith.select %le3A_995, %select_n3A_947, %select_n3A_977 : vector<16xi1>, vector<16xi32>
      %select_n3A_998 = arith.select %le3A_995, %select_n3A_976, %select_n3A_946 : vector<16xi1>, vector<16xf32>
      %select_n3A_999 = arith.select %le3A_995, %select_n3A_977, %select_n3A_947 : vector<16xi1>, vector<16xi32>
      %le3A_1000 = arith.cmpf ole, %select_n3A_961, %select_n3A_991 : vector<16xf32>
      %select_n3A_1001 = arith.select %le3A_1000, %select_n3A_961, %select_n3A_991 : vector<16xi1>, vector<16xf32>
      %select_n3A_1002 = arith.select %le3A_1000, %select_n3A_962, %select_n3A_992 : vector<16xi1>, vector<16xi32>
      %select_n3A_1003 = arith.select %le3A_1000, %select_n3A_991, %select_n3A_961 : vector<16xi1>, vector<16xf32>
      %select_n3A_1004 = arith.select %le3A_1000, %select_n3A_992, %select_n3A_962 : vector<16xi1>, vector<16xi32>
      %le3A_1005 = arith.cmpf ole, %select_n3A_996, %select_n3A_1001 : vector<16xf32>
      %select_n3A_1006 = arith.select %le3A_1005, %select_n3A_996, %select_n3A_1001 : vector<16xi1>, vector<16xf32>
      %select_n3A_1007 = arith.select %le3A_1005, %select_n3A_997, %select_n3A_1002 : vector<16xi1>, vector<16xi32>
      %select_n3A_1008 = arith.select %le3A_1005, %select_n3A_1001, %select_n3A_996 : vector<16xi1>, vector<16xf32>
      %select_n3A_1009 = arith.select %le3A_1005, %select_n3A_1002, %select_n3A_997 : vector<16xi1>, vector<16xi32>
      %masked_sort3A_1010 = arith.constant dense<true> : vector<16xi1>
      %masked_sort3A_1011, %masked_sort3A_1012, %masked_sort3A_1013 = tpu.sort %select_n3A_1006, %select_n3A_1007 masked %masked_sort3A_1010 : (vector<16xf32>, vector<16xi32>, vector<16xi1>) -> (vector<16xi1>, vector<16xf32>, vector<16xi32>)
      %masked_sort3A_1014 = arith.constant dense<true> : vector<16xi1>
      %masked_sort3A_1015, %masked_sort3A_1016, %masked_sort3A_1017 = tpu.sort %select_n3A_1008, %select_n3A_1009 masked %masked_sort3A_1014 : (vector<16xf32>, vector<16xi32>, vector<16xi1>) -> (vector<16xi1>, vector<16xf32>, vector<16xi32>)
      %le3A_1018 = arith.cmpf ole, %select_n3A_998, %select_n3A_1003 : vector<16xf32>
      %select_n3A_1019 = arith.select %le3A_1018, %select_n3A_998, %select_n3A_1003 : vector<16xi1>, vector<16xf32>
      %select_n3A_1020 = arith.select %le3A_1018, %select_n3A_999, %select_n3A_1004 : vector<16xi1>, vector<16xi32>
      %select_n3A_1021 = arith.select %le3A_1018, %select_n3A_1003, %select_n3A_998 : vector<16xi1>, vector<16xf32>
      %select_n3A_1022 = arith.select %le3A_1018, %select_n3A_1004, %select_n3A_999 : vector<16xi1>, vector<16xi32>
      %masked_sort3A_1023 = arith.constant dense<true> : vector<16xi1>
      %masked_sort3A_1024, %masked_sort3A_1025, %masked_sort3A_1026 = tpu.sort %select_n3A_1019, %select_n3A_1020 masked %masked_sort3A_1023 : (vector<16xf32>, vector<16xi32>, vector<16xi1>) -> (vector<16xi1>, vector<16xf32>, vector<16xi32>)
      %masked_sort3A_1027 = arith.constant dense<true> : vector<16xi1>
      %masked_sort3A_1028, %masked_sort3A_1029, %masked_sort3A_1030 = tpu.sort %select_n3A_1021, %select_n3A_1022 masked %masked_sort3A_1027 : (vector<16xf32>, vector<16xi32>, vector<16xi1>) -> (vector<16xi1>, vector<16xf32>, vector<16xi32>)
      %le3A_1031 = arith.cmpf ole, %select_n3A_948, %select_n3A_978 : vector<16xf32>
      %select_n3A_1032 = arith.select %le3A_1031, %select_n3A_948, %select_n3A_978 : vector<16xi1>, vector<16xf32>
      %select_n3A_1033 = arith.select %le3A_1031, %select_n3A_949, %select_n3A_979 : vector<16xi1>, vector<16xi32>
      %select_n3A_1034 = arith.select %le3A_1031, %select_n3A_978, %select_n3A_948 : vector<16xi1>, vector<16xf32>
      %select_n3A_1035 = arith.select %le3A_1031, %select_n3A_979, %select_n3A_949 : vector<16xi1>, vector<16xi32>
      %le3A_1036 = arith.cmpf ole, %select_n3A_963, %select_n3A_993 : vector<16xf32>
      %select_n3A_1037 = arith.select %le3A_1036, %select_n3A_963, %select_n3A_993 : vector<16xi1>, vector<16xf32>
      %select_n3A_1038 = arith.select %le3A_1036, %select_n3A_964, %select_n3A_994 : vector<16xi1>, vector<16xi32>
      %select_n3A_1039 = arith.select %le3A_1036, %select_n3A_993, %select_n3A_963 : vector<16xi1>, vector<16xf32>
      %select_n3A_1040 = arith.select %le3A_1036, %select_n3A_994, %select_n3A_964 : vector<16xi1>, vector<16xi32>
      %le3A_1041 = arith.cmpf ole, %select_n3A_1032, %select_n3A_1037 : vector<16xf32>
      %select_n3A_1042 = arith.select %le3A_1041, %select_n3A_1032, %select_n3A_1037 : vector<16xi1>, vector<16xf32>
      %select_n3A_1043 = arith.select %le3A_1041, %select_n3A_1033, %select_n3A_1038 : vector<16xi1>, vector<16xi32>
      %select_n3A_1044 = arith.select %le3A_1041, %select_n3A_1037, %select_n3A_1032 : vector<16xi1>, vector<16xf32>
      %select_n3A_1045 = arith.select %le3A_1041, %select_n3A_1038, %select_n3A_1033 : vector<16xi1>, vector<16xi32>
      %masked_sort3A_1046 = arith.constant dense<true> : vector<16xi1>
      %masked_sort3A_1047, %masked_sort3A_1048, %masked_sort3A_1049 = tpu.sort %select_n3A_1042, %select_n3A_1043 masked %masked_sort3A_1046 : (vector<16xf32>, vector<16xi32>, vector<16xi1>) -> (vector<16xi1>, vector<16xf32>, vector<16xi32>)
      %masked_sort3A_1050 = arith.constant dense<true> : vector<16xi1>
      %masked_sort3A_1051, %masked_sort3A_1052, %masked_sort3A_1053 = tpu.sort %select_n3A_1044, %select_n3A_1045 masked %masked_sort3A_1050 : (vector<16xf32>, vector<16xi32>, vector<16xi1>) -> (vector<16xi1>, vector<16xf32>, vector<16xi32>)
      %le3A_1054 = arith.cmpf ole, %select_n3A_1034, %select_n3A_1039 : vector<16xf32>
      %select_n3A_1055 = arith.select %le3A_1054, %select_n3A_1034, %select_n3A_1039 : vector<16xi1>, vector<16xf32>
      %select_n3A_1056 = arith.select %le3A_1054, %select_n3A_1035, %select_n3A_1040 : vector<16xi1>, vector<16xi32>
      %select_n3A_1057 = arith.select %le3A_1054, %select_n3A_1039, %select_n3A_1034 : vector<16xi1>, vector<16xf32>
      %select_n3A_1058 = arith.select %le3A_1054, %select_n3A_1040, %select_n3A_1035 : vector<16xi1>, vector<16xi32>
      %masked_sort3A_1059 = arith.constant dense<true> : vector<16xi1>
      %masked_sort3A_1060, %masked_sort3A_1061, %masked_sort3A_1062 = tpu.sort %select_n3A_1055, %select_n3A_1056 masked %masked_sort3A_1059 : (vector<16xf32>, vector<16xi32>, vector<16xi1>) -> (vector<16xi1>, vector<16xf32>, vector<16xi32>)
      %masked_sort3A_1063 = arith.constant dense<true> : vector<16xi1>
      %masked_sort3A_1064, %masked_sort3A_1065, %masked_sort3A_1066 = tpu.sort %select_n3A_1057, %select_n3A_1058 masked %masked_sort3A_1063 : (vector<16xf32>, vector<16xi32>, vector<16xi1>) -> (vector<16xi1>, vector<16xf32>, vector<16xi32>)
      %swap3A_1067 = arith.constant 0 : index
      %swap3A_1068 = tpu.vector_load %arg9[%swap3A_1067] {strides = array<i32>} : memref<160xf32, #tpu.memory_space<vmem>>, vector<16xf32>,
      tpu.vector_store %arg9[%swap3A_1067], %masked_sort3A_1012 {strides = array<i32>} : memref<160xf32, #tpu.memory_space<vmem>>, vector<16xf32>,
      %swap3A_1069 = arith.constant 0 : index
      %swap3A_1070 = tpu.vector_load %arg10[%swap3A_1069] {strides = array<i32>} : memref<160xi32, #tpu.memory_space<vmem>>, vector<16xi32>,
      tpu.vector_store %arg10[%swap3A_1069], %masked_sort3A_1013 {strides = array<i32>} : memref<160xi32, #tpu.memory_space<vmem>>, vector<16xi32>,
      %swap3A_1071 = arith.constant 16 : index
      %swap3A_1072 = tpu.vector_load %arg9[%swap3A_1071] {strides = array<i32>} : memref<160xf32, #tpu.memory_space<vmem>>, vector<16xf32>,
      tpu.vector_store %arg9[%swap3A_1071], %masked_sort3A_1016 {strides = array<i32>} : memref<160xf32, #tpu.memory_space<vmem>>, vector<16xf32>,
      %swap3A_1073 = arith.constant 16 : index
      %swap3A_1074 = tpu.vector_load %arg10[%swap3A_1073] {strides = array<i32>} : memref<160xi32, #tpu.memory_space<vmem>>, vector<16xi32>,
      tpu.vector_store %arg10[%swap3A_1073], %masked_sort3A_1017 {strides = array<i32>} : memref<160xi32, #tpu.memory_space<vmem>>, vector<16xi32>,
      %swap3A_1075 = arith.constant 32 : index
      %swap3A_1076 = tpu.vector_load %arg9[%swap3A_1075] {strides = array<i32>} : memref<160xf32, #tpu.memory_space<vmem>>, vector<16xf32>,
      tpu.vector_store %arg9[%swap3A_1075], %masked_sort3A_1025 {strides = array<i32>} : memref<160xf32, #tpu.memory_space<vmem>>, vector<16xf32>,
      %swap3A_1077 = arith.constant 32 : index
      %swap3A_1078 = tpu.vector_load %arg10[%swap3A_1077] {strides = array<i32>} : memref<160xi32, #tpu.memory_space<vmem>>, vector<16xi32>,
      tpu.vector_store %arg10[%swap3A_1077], %masked_sort3A_1026 {strides = array<i32>} : memref<160xi32, #tpu.memory_space<vmem>>, vector<16xi32>,
      %swap3A_1079 = arith.constant 48 : index
      %swap3A_1080 = tpu.vector_load %arg9[%swap3A_1079] {strides = array<i32>} : memref<160xf32, #tpu.memory_space<vmem>>, vector<16xf32>,
      tpu.vector_store %arg9[%swap3A_1079], %masked_sort3A_1029 {strides = array<i32>} : memref<160xf32, #tpu.memory_space<vmem>>, vector<16xf32>,
      %swap3A_1081 = arith.constant 48 : index
      %swap3A_1082 = tpu.vector_load %arg10[%swap3A_1081] {strides = array<i32>} : memref<160xi32, #tpu.memory_space<vmem>>, vector<16xi32>,
      tpu.vector_store %arg10[%swap3A_1081], %masked_sort3A_1030 {strides = array<i32>} : memref<160xi32, #tpu.memory_space<vmem>>, vector<16xi32>,
      %swap3A_1083 = arith.constant 64 : index
      %swap3A_1084 = tpu.vector_load %arg9[%swap3A_1083] {strides = array<i32>} : memref<160xf32, #tpu.memory_space<vmem>>, vector<16xf32>,
      tpu.vector_store %arg9[%swap3A_1083], %masked_sort3A_1048 {strides = array<i32>} : memref<160xf32, #tpu.memory_space<vmem>>, vector<16xf32>,
      %swap3A_1085 = arith.constant 64 : index
      %swap3A_1086 = tpu.vector_load %arg10[%swap3A_1085] {strides = array<i32>} : memref<160xi32, #tpu.memory_space<vmem>>, vector<16xi32>,
      tpu.vector_store %arg10[%swap3A_1085], %masked_sort3A_1049 {strides = array<i32>} : memref<160xi32, #tpu.memory_space<vmem>>, vector<16xi32>,
      %swap3A_1087 = arith.constant 80 : index
      %swap3A_1088 = tpu.vector_load %arg9[%swap3A_1087] {strides = array<i32>} : memref<160xf32, #tpu.memory_space<vmem>>, vector<16xf32>,
      tpu.vector_store %arg9[%swap3A_1087], %masked_sort3A_1052 {strides = array<i32>} : memref<160xf32, #tpu.memory_space<vmem>>, vector<16xf32>,
      %swap3A_1089 = arith.constant 80 : index
      %swap3A_1090 = tpu.vector_load %arg10[%swap3A_1089] {strides = array<i32>} : memref<160xi32, #tpu.memory_space<vmem>>, vector<16xi32>,
      tpu.vector_store %arg10[%swap3A_1089], %masked_sort3A_1053 {strides = array<i32>} : memref<160xi32, #tpu.memory_space<vmem>>, vector<16xi32>,
      %swap3A_1091 = arith.constant 96 : index
      %swap3A_1092 = tpu.vector_load %arg9[%swap3A_1091] {strides = array<i32>} : memref<160xf32, #tpu.memory_space<vmem>>, vector<16xf32>,
      tpu.vector_store %arg9[%swap3A_1091], %masked_sort3A_1061 {strides = array<i32>} : memref<160xf32, #tpu.memory_space<vmem>>, vector<16xf32>,
      %swap3A_1093 = arith.constant 96 : index
      %swap3A_1094 = tpu.vector_load %arg10[%swap3A_1093] {strides = array<i32>} : memref<160xi32, #tpu.memory_space<vmem>>, vector<16xi32>,
      tpu.vector_store %arg10[%swap3A_1093], %masked_sort3A_1062 {strides = array<i32>} : memref<160xi32, #tpu.memory_space<vmem>>, vector<16xi32>,
      %swap3A_1095 = arith.constant 112 : index
      %swap3A_1096 = tpu.vector_load %arg9[%swap3A_1095] {strides = array<i32>} : memref<160xf32, #tpu.memory_space<vmem>>, vector<16xf32>,
      tpu.vector_store %arg9[%swap3A_1095], %masked_sort3A_1065 {strides = array<i32>} : memref<160xf32, #tpu.memory_space<vmem>>, vector<16xf32>,
      %swap3A_1097 = arith.constant 112 : index
      %swap3A_1098 = tpu.vector_load %arg10[%swap3A_1097] {strides = array<i32>} : memref<160xi32, #tpu.memory_space<vmem>>, vector<16xi32>,
      tpu.vector_store %arg10[%swap3A_1097], %masked_sort3A_1066 {strides = array<i32>} : memref<160xi32, #tpu.memory_space<vmem>>, vector<16xi32>,
      %mul3A_1099 = arith.constant 128 : i32
      %mul3A_1100 = arith.muli %add3A_572, %mul3A_1099 : i32
      "tpu.region"() ({
        %run_scoped3A = tpu.sem_alloc : memref<!tpu.dma_semaphore, #tpu.memory_space<semaphore_mem>>
        %dma_start3A_1103 = arith.constant 0 : i32
        %dma_start3A_1104 = tpu.memref_slice %arg9[%dma_start3A_1103] : memref<160xf32, #tpu.memory_space<vmem>> -> memref<128xf32, #tpu.memory_space<vmem>>
        %dma_start3A_1105 = tpu.memref_slice %arg4[%mul3A_1100] : memref<2097152xf32, #tpu.memory_space<hbm>> -> memref<128xf32, #tpu.memory_space<hbm>>
        %dma_start3A_1106 = tpu.memref_slice %arg4[%mul3A_1100] : memref<2097152xf32, #tpu.memory_space<hbm>> -> memref<128xf32, #tpu.memory_space<hbm>>
        %dma_start3A_1107 = arith.constant 0 : i32
        %dma_start3A_1108 = tpu.memref_slice %arg9[%dma_start3A_1107] : memref<160xf32, #tpu.memory_space<vmem>> -> memref<128xf32, #tpu.memory_space<vmem>>
        tpu.enqueue_dma source(%dma_start3A_1108 : memref<128xf32, #tpu.memory_space<vmem>>) target(%dma_start3A_1106 : memref<128xf32, #tpu.memory_space<hbm>>) target_semaphore(%run_scoped3A : memref<!tpu.dma_semaphore, #tpu.memory_space<semaphore_mem>>)
        %dma_wait3A_1109 = arith.constant 0 : i32
        %dma_wait3A_1110 = tpu.memref_slice %arg9[%dma_wait3A_1109] : memref<160xf32, #tpu.memory_space<vmem>> -> memref<128xf32, #tpu.memory_space<vmem>>
        %dma_wait3A_1111 = tpu.memref_slice %arg4[%mul3A_1100] : memref<2097152xf32, #tpu.memory_space<hbm>> -> memref<128xf32, #tpu.memory_space<hbm>>
        %dma_wait3A_1112 = tpu.memref_slice %arg4[%mul3A_1100] : memref<2097152xf32, #tpu.memory_space<hbm>> -> memref<128xf32, #tpu.memory_space<hbm>>
        %dma_wait3A_1113 = arith.constant 0 : i32
        %dma_wait3A_1114 = tpu.memref_slice %arg9[%dma_wait3A_1113] : memref<160xf32, #tpu.memory_space<vmem>> -> memref<128xf32, #tpu.memory_space<vmem>>
        tpu.wait_dma2 semaphore(%run_scoped3A : memref<!tpu.dma_semaphore, #tpu.memory_space<semaphore_mem>>) src(%dma_wait3A_1114 : memref<128xf32, #tpu.memory_space<vmem>>) dst(%dma_wait3A_1112 : memref<128xf32, #tpu.memory_space<hbm>>)
        tpu.yield
      }) : () -> ()
      %mul3A_1101 = arith.constant 128 : i32
      %mul3A_1102 = arith.muli %add3A_572, %mul3A_1101 : i32
      "tpu.region"() ({
        %run_scoped3A = tpu.sem_alloc : memref<!tpu.dma_semaphore, #tpu.memory_space<semaphore_mem>>
        %dma_start3A_1103 = arith.constant 0 : i32
        %dma_start3A_1104 = tpu.memref_slice %arg10[%dma_start3A_1103] : memref<160xi32, #tpu.memory_space<vmem>> -> memref<128xi32, #tpu.memory_space<vmem>>
        %dma_start3A_1105 = tpu.memref_slice %arg5[%mul3A_1102] : memref<2097152xi32, #tpu.memory_space<hbm>> -> memref<128xi32, #tpu.memory_space<hbm>>
        %dma_start3A_1106 = tpu.memref_slice %arg5[%mul3A_1102] : memref<2097152xi32, #tpu.memory_space<hbm>> -> memref<128xi32, #tpu.memory_space<hbm>>
        %dma_start3A_1107 = arith.constant 0 : i32
        %dma_start3A_1108 = tpu.memref_slice %arg10[%dma_start3A_1107] : memref<160xi32, #tpu.memory_space<vmem>> -> memref<128xi32, #tpu.memory_space<vmem>>
        tpu.enqueue_dma source(%dma_start3A_1108 : memref<128xi32, #tpu.memory_space<vmem>>) target(%dma_start3A_1106 : memref<128xi32, #tpu.memory_space<hbm>>) target_semaphore(%run_scoped3A : memref<!tpu.dma_semaphore, #tpu.memory_space<semaphore_mem>>)
        %dma_wait3A_1109 = arith.constant 0 : i32
        %dma_wait3A_1110 = tpu.memref_slice %arg10[%dma_wait3A_1109] : memref<160xi32, #tpu.memory_space<vmem>> -> memref<128xi32, #tpu.memory_space<vmem>>
        %dma_wait3A_1111 = tpu.memref_slice %arg5[%mul3A_1102] : memref<2097152xi32, #tpu.memory_space<hbm>> -> memref<128xi32, #tpu.memory_space<hbm>>
        %dma_wait3A_1112 = tpu.memref_slice %arg5[%mul3A_1102] : memref<2097152xi32, #tpu.memory_space<hbm>> -> memref<128xi32, #tpu.memory_space<hbm>>
        %dma_wait3A_1113 = arith.constant 0 : i32
        %dma_wait3A_1114 = tpu.memref_slice %arg10[%dma_wait3A_1113] : memref<160xi32, #tpu.memory_space<vmem>> -> memref<128xi32, #tpu.memory_space<vmem>>
        tpu.wait_dma2 semaphore(%run_scoped3A : memref<!tpu.dma_semaphore, #tpu.memory_space<semaphore_mem>>) src(%dma_wait3A_1114 : memref<128xi32, #tpu.memory_space<vmem>>) dst(%dma_wait3A_1112 : memref<128xi32, #tpu.memory_space<hbm>>)
        tpu.yield
      }) : () -> ()
    }
    %scan3A_13 = arith.constant 256 : i32
    %dma_wait3A = arith.constant 0 : i32
    %dma_wait3A_14 = tpu.memref_slice %arg2[%dma_wait3A] : memref<268435456xf32, #tpu.memory_space<hbm>> -> memref<16384xf32, #tpu.memory_space<hbm>>
    %dma_wait3A_15 = arith.constant 0 : i32
    %dma_wait3A_16 = tpu.memref_slice %arg2[%dma_wait3A_15] : memref<268435456xf32, #tpu.memory_space<hbm>> -> memref<16384xf32, #tpu.memory_space<hbm>>
    tpu.wait_dma2 semaphore(%arg12 : memref<!tpu.dma_semaphore, #tpu.memory_space<semaphore_mem>>) src(%dma_wait3A_16 : memref<16384xf32, #tpu.memory_space<hbm>>) dst(%arg6 : memref<16384xf32, #tpu.memory_space<vmem>>)
    return
  }
}

#map = affine_map<(d0, d1) -> (0)>
module attributes {stable_mosaic.version = 14 : i64} {
  func.func @_sc_remap_kernel(%arg0: i32, %arg1: i32, %arg2: memref<16384xi32, #tpu.memory_space<hbm>>, %arg3: memref<786432xi32, #tpu.memory_space<hbm>>, %arg4: memref<786432xi32, #tpu.memory_space<hbm>>, %arg5: memref<16384xi32, #tpu.memory_space<vmem>>, %arg6: memref<16384xi32, #tpu.memory_space<vmem>>, %arg7: memref<24576xi32, #tpu.memory_space<vmem>>) attributes {dimension_semantics = [#tpu.dimension_semantics<core_parallel>, #tpu.dimension_semantics<subcore_parallel>], iteration_bounds = array<i64: 2, 16>, scalar_prefetch = 0 : i64, scratch_operands = 3 : i64, tpu.core_type = #tpu.core_type<sc_vector_subcore>, window_params = [{transform_indices = #map}, {transform_indices = #map}, {transform_indices = #map}]} {
    %mul3A = arith.constant 2 : i32
    %mul3A_0 = arith.muli %arg1, %mul3A : i32
    %add3A = arith.addi %mul3A_0, %arg0 : i32
    "tpu.region"() ({
      %run_scoped3A = tpu.sem_alloc : memref<!tpu.dma_semaphore, #tpu.memory_space<semaphore_mem>>
      tpu.enqueue_dma source(%arg2 : memref<16384xi32, #tpu.memory_space<hbm>>) target(%arg5 : memref<16384xi32, #tpu.memory_space<vmem>>) target_semaphore(%run_scoped3A : memref<!tpu.dma_semaphore, #tpu.memory_space<semaphore_mem>>)
      tpu.wait_dma2 semaphore(%run_scoped3A : memref<!tpu.dma_semaphore, #tpu.memory_space<semaphore_mem>>) src(%arg2 : memref<16384xi32, #tpu.memory_space<hbm>>) dst(%arg5 : memref<16384xi32, #tpu.memory_space<vmem>>)
      tpu.yield
    }) : () -> ()
    %scan3A = arith.constant 0 : i32
    %scan3A_1 = arith.constant 0 : i32
    %scan3A_2 = arith.constant 1024 : i32
    %scan3A_3 = arith.addi %scan3A_1, %scan3A_2 : i32
    %scan3A_4 = arith.constant 1 : i32
    scf.for %scan3A_14 = %scan3A_1 to %scan3A_3 step %scan3A_4  : i32 {
      %mul3A_15 = arith.constant 16 : i32
      %mul3A_16 = arith.muli %scan3A_14, %mul3A_15 : i32
      %get3A = arith.index_cast %mul3A_16 : i32 to index
      %get3A_17 = tpu.vector_load %arg5[%get3A] {strides = array<i32>} : memref<16384xi32, #tpu.memory_space<vmem>>, vector<16xi32>,
      %mul3A_18 = arith.constant 16 : i32
      %mul3A_19 = arith.muli %scan3A_14, %mul3A_18 : i32
      %broadcast_in_dim3A = vector.broadcast %mul3A_19 : i32 to vector<16xi32>
      %iota3A = tpu.iota {dimensions = array<i32: 0>} : vector<16xi32>
      %add3A_20 = arith.addi %broadcast_in_dim3A, %iota3A : vector<16xi32>
      tpu.vector_store_idx %arg6[%get3A_17], %add3A_20 : memref<16384xi32, #tpu.memory_space<vmem>>[vector<16xi32>], vector<16xi32>,
    }
    %scan3A_5 = arith.constant 1024 : i32
    %mul3A_6 = arith.constant 24576 : i32
    %mul3A_7 = arith.muli %add3A, %mul3A_6 : i32
    "tpu.region"() ({
      %run_scoped3A = tpu.sem_alloc : memref<!tpu.dma_semaphore, #tpu.memory_space<semaphore_mem>>
      %dma_start3A = tpu.memref_slice %arg3[%mul3A_7] : memref<786432xi32, #tpu.memory_space<hbm>> -> memref<24576xi32, #tpu.memory_space<hbm>>
      %dma_start3A_14 = tpu.memref_slice %arg3[%mul3A_7] : memref<786432xi32, #tpu.memory_space<hbm>> -> memref<24576xi32, #tpu.memory_space<hbm>>
      tpu.enqueue_dma source(%dma_start3A_14 : memref<24576xi32, #tpu.memory_space<hbm>>) target(%arg7 : memref<24576xi32, #tpu.memory_space<vmem>>) target_semaphore(%run_scoped3A : memref<!tpu.dma_semaphore, #tpu.memory_space<semaphore_mem>>)
      %dma_wait3A = tpu.memref_slice %arg3[%mul3A_7] : memref<786432xi32, #tpu.memory_space<hbm>> -> memref<24576xi32, #tpu.memory_space<hbm>>
      %dma_wait3A_15 = tpu.memref_slice %arg3[%mul3A_7] : memref<786432xi32, #tpu.memory_space<hbm>> -> memref<24576xi32, #tpu.memory_space<hbm>>
      tpu.wait_dma2 semaphore(%run_scoped3A : memref<!tpu.dma_semaphore, #tpu.memory_space<semaphore_mem>>) src(%dma_wait3A_15 : memref<24576xi32, #tpu.memory_space<hbm>>) dst(%arg7 : memref<24576xi32, #tpu.memory_space<vmem>>)
      tpu.yield
    }) : () -> ()
    %scan3A_8 = arith.constant 0 : i32
    %scan3A_9 = arith.constant 0 : i32
    %scan3A_10 = arith.constant 1536 : i32
    %scan3A_11 = arith.addi %scan3A_9, %scan3A_10 : i32
    %scan3A_12 = arith.constant 1 : i32
    scf.for %scan3A_14 = %scan3A_9 to %scan3A_11 step %scan3A_12  : i32 {
      %mul3A_15 = arith.constant 16 : i32
      %mul3A_16 = arith.muli %scan3A_14, %mul3A_15 : i32
      %get3A = arith.index_cast %mul3A_16 : i32 to index
      %get3A_17 = tpu.vector_load %arg7[%get3A] {strides = array<i32>} : memref<24576xi32, #tpu.memory_space<vmem>>, vector<16xi32>,
      %gather3A = tpu.vector_load_idx %arg6[%get3A_17] : memref<16384xi32, #tpu.memory_space<vmem>>[vector<16xi32>], vector<16xi32>,
      %mul3A_18 = arith.constant 16 : i32
      %mul3A_19 = arith.muli %scan3A_14, %mul3A_18 : i32
      %swap3A = arith.index_cast %mul3A_19 : i32 to index
      %swap3A_20 = tpu.vector_load %arg7[%swap3A] {strides = array<i32>} : memref<24576xi32, #tpu.memory_space<vmem>>, vector<16xi32>,
      tpu.vector_store %arg7[%swap3A], %gather3A {strides = array<i32>} : memref<24576xi32, #tpu.memory_space<vmem>>, vector<16xi32>,
    }
    %scan3A_13 = arith.constant 1536 : i32
    "tpu.region"() ({
      %run_scoped3A = tpu.sem_alloc : memref<!tpu.dma_semaphore, #tpu.memory_space<semaphore_mem>>
      %dma_start3A = tpu.memref_slice %arg4[%mul3A_7] : memref<786432xi32, #tpu.memory_space<hbm>> -> memref<24576xi32, #tpu.memory_space<hbm>>
      %dma_start3A_14 = tpu.memref_slice %arg4[%mul3A_7] : memref<786432xi32, #tpu.memory_space<hbm>> -> memref<24576xi32, #tpu.memory_space<hbm>>
      tpu.enqueue_dma source(%arg7 : memref<24576xi32, #tpu.memory_space<vmem>>) target(%dma_start3A_14 : memref<24576xi32, #tpu.memory_space<hbm>>) target_semaphore(%run_scoped3A : memref<!tpu.dma_semaphore, #tpu.memory_space<semaphore_mem>>)
      %dma_wait3A = tpu.memref_slice %arg4[%mul3A_7] : memref<786432xi32, #tpu.memory_space<hbm>> -> memref<24576xi32, #tpu.memory_space<hbm>>
      %dma_wait3A_15 = tpu.memref_slice %arg4[%mul3A_7] : memref<786432xi32, #tpu.memory_space<hbm>> -> memref<24576xi32, #tpu.memory_space<hbm>>
      tpu.wait_dma2 semaphore(%run_scoped3A : memref<!tpu.dma_semaphore, #tpu.memory_space<semaphore_mem>>) src(%arg7 : memref<24576xi32, #tpu.memory_space<vmem>>) dst(%dma_wait3A_15 : memref<24576xi32, #tpu.memory_space<hbm>>)
      tpu.yield
    }) : () -> ()
    return
  }
}

module attributes {stable_mosaic.version = 14 : i64} {
  func.func @_dist_thresh_body(%arg0: i32, %arg1: memref<128x16xf32, #tpu.memory_space<vmem>>, %arg2: memref<16x16384xf32, #tpu.memory_space<vmem>>, %arg3: memref<1x1x128xf32, #tpu.memory_space<vmem>>, %arg4: memref<1x1x16384xf32, #tpu.memory_space<vmem>>, %arg5: memref<128x16384xf32, #tpu.memory_space<vmem>>, %arg6: memref<128x16xf32, #tpu.memory_space<vmem>>) attributes {dimension_semantics = [#tpu.dimension_semantics<arbitrary>], iteration_bounds = array<i64: 128>, scalar_prefetch = 0 : i64, scratch_operands = 0 : i64, tpu.core_type = #tpu.core_type<tc>, window_params = [{transform_indices = @transform_0, window_bounds = array<i64: 128, 16>}, {pipeline_mode = #tpu.pipeline_mode<synchronous>, transform_indices = @transform_1, window_bounds = array<i64: 16, 16384>}, {transform_indices = @transform_2, window_bounds = array<i64: 1, 1, 128>}, {pipeline_mode = #tpu.pipeline_mode<synchronous>, transform_indices = @transform_3, window_bounds = array<i64: 1, 1, 16384>}, {transform_indices = @transform_4, window_bounds = array<i64: 128, 16384>}, {transform_indices = @transform_5, window_bounds = array<i64: 128, 16>}]} {
    %get3A = arith.constant 0 : index
    %get3A_0 = arith.constant 0 : index
    %get3A_1 = vector.load %arg1[%get3A, %get3A_0] : memref<128x16xf32, #tpu.memory_space<vmem>>, vector<128x16xf32>
    %get3A_2 = arith.constant 0 : index
    %get3A_3 = arith.constant 0 : index
    %get3A_4 = vector.load %arg2[%get3A_2, %get3A_3] : memref<16x16384xf32, #tpu.memory_space<vmem>>, vector<16x16384xf32>
    %dot_general3A = arith.constant dense<0.000000e+00> : vector<128x16384xf32>
    %dot_general3A_5 = tpu.matmul %get3A_1, %get3A_4, %dot_general3A {dimension_numbers = #tpu.dot_dimension_numbers<[1], [0], [0], [1], [0, 0, 1, 1], [], []>, transpose_lhs_hint = false} : vector<128x16xf32>, vector<16x16384xf32>, vector<128x16384xf32> -> vector<128x16384xf32>
    %get3A_6 = arith.constant 0 : index
    %get3A_7 = arith.constant 0 : index
    %get3A_8 = arith.constant 0 : index
    %get3A_9 = vector.load %arg3[%get3A_6, %get3A_7, %get3A_8] : memref<1x1x128xf32, #tpu.memory_space<vmem>>, vector<1x1x128xf32>
    %get3A_10 = vector.shape_cast %get3A_9 : vector<1x1x128xf32> to vector<128xf32>
    %reshape3A = vector.shape_cast %get3A_10 : vector<128xf32> to vector<128x1xf32>
    %get3A_11 = arith.constant 0 : index
    %get3A_12 = arith.constant 0 : index
    %get3A_13 = arith.constant 0 : index
    %get3A_14 = vector.load %arg4[%get3A_11, %get3A_12, %get3A_13] : memref<1x1x16384xf32, #tpu.memory_space<vmem>>, vector<1x1x16384xf32>
    %get3A_15 = vector.shape_cast %get3A_14 : vector<1x1x16384xf32> to vector<16384xf32>
    %reshape3A_16 = vector.shape_cast %get3A_15 : vector<16384xf32> to vector<1x16384xf32>
    %add3A = vector.broadcast %reshape3A : vector<128x1xf32> to vector<128x16384xf32>
    %add3A_17 = vector.broadcast %reshape3A_16 : vector<1x16384xf32> to vector<128x16384xf32>
    %add3A_18 = arith.addf %add3A, %add3A_17 : vector<128x16384xf32>
    %mul3A = arith.constant 2.000000e+00 : f32
    %mul3A_19 = vector.broadcast %mul3A : f32 to vector<128x16384xf32>
    %mul3A_20 = arith.mulf %mul3A_19, %dot_general3A_5 : vector<128x16384xf32>
    %sub3A = arith.subf %add3A_18, %mul3A_20 : vector<128x16384xf32>
    %swap3A = arith.constant 0 : index
    %swap3A_21 = arith.constant 0 : index
    %swap3A_22 = vector.load %arg5[%swap3A, %swap3A_21] : memref<128x16384xf32, #tpu.memory_space<vmem>>, vector<128x16384xf32>
    tpu.vector_store %arg5[%swap3A, %swap3A_21], %sub3A {strides = array<i32>} : memref<128x16384xf32, #tpu.memory_space<vmem>>, vector<128x16384xf32>,
    %reduce_min3A = arith.constant dense<0x7F800000> : vector<128xf32>
    %reduce_min3A_23 = vector.multi_reduction <minimumf>, %sub3A, %reduce_min3A [1] : vector<128x16384xf32> to vector<128xf32>
    %broadcast_in_dim3A = vector.shape_cast %reduce_min3A_23 : vector<128xf32> to vector<128x1xf32>
    %reduce_max3A = arith.constant dense<0xFF800000> : vector<128xf32>
    %reduce_max3A_24 = vector.multi_reduction <maximumf>, %sub3A, %reduce_max3A [1] : vector<128x16384xf32> to vector<128xf32>
    %broadcast_in_dim3A_25 = vector.shape_cast %reduce_max3A_24 : vector<128xf32> to vector<128x1xf32>
    %scan3A = arith.constant 0 : i32
    %scan3A_26 = arith.constant 18 : i32
    %scan3A_27 = arith.addi %scan3A, %scan3A_26 : i32
    %scan3A_28 = arith.constant 1 : i32
    %scan3A_29:2 = scf.for %scan3A_35 = %scan3A to %scan3A_27 step %scan3A_28 iter_args(%scan3A_36 = %broadcast_in_dim3A, %scan3A_37 = %broadcast_in_dim3A_25) -> (vector<128x1xf32>, vector<128x1xf32>)  : i32 {
      %add3A_38 = arith.addf %scan3A_36, %scan3A_37 : vector<128x1xf32>
      %mul3A_39 = arith.constant 5.000000e-01 : f32
      %mul3A_40 = vector.broadcast %mul3A_39 : f32 to vector<128x1xf32>
      %mul3A_41 = arith.mulf %mul3A_40, %add3A_38 : vector<128x1xf32>
      %le3A = vector.broadcast %mul3A_41 : vector<128x1xf32> to vector<128x16384xf32>
      %le3A_42 = arith.cmpf ole, %sub3A, %le3A : vector<128x16384xf32>
      %convert_element_type3A = arith.extui %le3A_42 : vector<128x16384xi1> to vector<128x16384xi32>
      %convert_element_type3A_43 = arith.sitofp %convert_element_type3A : vector<128x16384xi32> to vector<128x16384xf32>
      %reduce_sum3A = arith.constant dense<0.000000e+00> : vector<128xf32>
      %reduce_sum3A_44 = vector.multi_reduction <add>, %convert_element_type3A_43, %reduce_sum3A [1] : vector<128x16384xf32> to vector<128xf32>
      %broadcast_in_dim3A_45 = vector.shape_cast %reduce_sum3A_44 : vector<128xf32> to vector<128x1xf32>
      %ge3A = arith.constant 1.000000e+02 : f32
      %ge3A_46 = vector.broadcast %ge3A : f32 to vector<128x1xf32>
      %ge3A_47 = arith.cmpf oge, %broadcast_in_dim3A_45, %ge3A_46 : vector<128x1xf32>
      %select_n3A = arith.select %ge3A_47, %mul3A_41, %scan3A_37 : vector<128x1xi1>, vector<128x1xf32>
      %select_n3A_48 = arith.select %ge3A_47, %scan3A_36, %mul3A_41 : vector<128x1xi1>, vector<128x1xf32>
      scf.yield %select_n3A_48, %select_n3A : vector<128x1xf32>, vector<128x1xf32>
    }
    %broadcast_in_dim3A_30 = vector.shape_cast %scan3A_29#1 : vector<128x1xf32> to vector<128x1xf32>
    %broadcast_in_dim3A_31 = vector.broadcast %broadcast_in_dim3A_30 : vector<128x1xf32> to vector<128x16xf32>
    %swap3A_32 = arith.constant 0 : index
    %swap3A_33 = arith.constant 0 : index
    %swap3A_34 = vector.load %arg6[%swap3A_32, %swap3A_33] : memref<128x16xf32, #tpu.memory_space<vmem>>, vector<128x16xf32>
    tpu.vector_store %arg6[%swap3A_32, %swap3A_33], %broadcast_in_dim3A_31 {strides = array<i32>} : memref<128x16xf32, #tpu.memory_space<vmem>>, vector<128x16xf32>,
    return
  }
  func.func @transform_0(%arg0: i32) -> (i32, i32) {
    %c0_i32 = arith.constant 0 : i32
    %c0_i32_0 = arith.constant 0 : i32
    return %arg0, %c0_i32 : i32, i32
  }
  func.func @transform_1(%arg0: i32) -> (i32, i32) {
    %c0_i32 = arith.constant 0 : i32
    %c0_i32_0 = arith.constant 0 : i32
    %c0_i32_1 = arith.constant 0 : i32
    return %c0_i32, %c0_i32_0 : i32, i32
  }
  func.func @transform_2(%arg0: i32) -> (i32, i32, i32) {
    %c0_i32 = arith.constant 0 : i32
    %c0_i32_0 = arith.constant 0 : i32
    %c0_i32_1 = arith.constant 0 : i32
    return %arg0, %c0_i32, %c0_i32_0 : i32, i32, i32
  }
  func.func @transform_3(%arg0: i32) -> (i32, i32, i32) {
    %c0_i32 = arith.constant 0 : i32
    %c0_i32_0 = arith.constant 0 : i32
    %c0_i32_1 = arith.constant 0 : i32
    %c0_i32_2 = arith.constant 0 : i32
    return %c0_i32, %c0_i32_0, %c0_i32_1 : i32, i32, i32
  }
  func.func @transform_4(%arg0: i32) -> (i32, i32) {
    %c0_i32 = arith.constant 0 : i32
    %c0_i32_0 = arith.constant 0 : i32
    return %arg0, %c0_i32 : i32, i32
  }
  func.func @transform_5(%arg0: i32) -> (i32, i32) {
    %c0_i32 = arith.constant 0 : i32
    %c0_i32_0 = arith.constant 0 : i32
    return %arg0, %c0_i32 : i32, i32
  }
}

</mosaic_0001>

<sc_bundles>
// kernel: gather_offload_async_start.1
scs
__scs_entry_jumppad:
0x0: {  	(pc) =	sbr.rel $0x88, $3  }
0x1: {  	(tag) =	ssettag $0x0;
	lr =	simm.s32 $0x1  }
0x2: {  	[smem:$0x3FA0] =	sst lr;
	_ =	strace $0xD0000000  }
0x3: {  	_ = 	snop  }
0x4: {  	_ = 	snop  }
0x5: {  	_ = 	snop  }
0x6: {  	_ = 	snop  }
0x7: {  	_ = 	snop  }
__scs_overlays_trampoline_lowered:
0x8: {  	[smem:$0x3FAF] =	sst s0  }
0x9: {  	[smem:$0x3FB0] =	sst s1  }
0xa: {  	[smem:$0x3FB1] =	sst s2  }
0xb: {  	[smem:$0x3FB2] =	sst s3  }
0xc: {  	[smem:$0x3FB3] =	sst s4  }
0xd: {  	[smem:$0x3FB4] =	sst s5  }
0xe: {  	[smem:$0x3FB5] =	sst s6  }
0xf: {  	[smem:$0x3FB6] =	sst s7  }
0x10: {  	[smem:$0x3FB7] =	sst s8  }
0x11: {  	[smem:$0x3FB8] =	sst s9;
	s0 =	simm.s32 @!p0 $0x0  }
0x12: {  	s1 =	sld [smem:$0x3F9E];
	s0 =	simm.s32 @p0 $0x1  }
0x13: {  	[smem:$0x3FB9] =	sst s0;
	s0 =	simm.s32 @!p1 $0x0  }
0x14: {  	s2 =	sld [smem:$0x3F9D];
	s0 =	simm.s32 @p1 $0x1  }
0x15: {  	[smem:$0x3FBA] =	sst s0;
	s0 =	simm.s32 @!p2 $0x0  }
0x16: {  	s3 =	sld [smem:$0x3FDB];
	s0 =	simm.s32 @p2 $0x1  }
0x17: {  	s4 =	simm.s32 $0x1BF5;
	[smem:$0x3FBC] =	sst s0  }
0x18: {  	s0 =	sld [smem:$0x3F9F];
	_ =	swait.ge [sflag:s4], $0x0  }
0x19: {  	s7 =	sld [smem:$0x3FA0]  }
0x1a: {  	s8 =	sadd.s32 $0xFFFFE003, lr  }
0x1b: {  	s9 =	sadd.s32 $0xFFFFFEF7, lr;
	s5 =	simm.s32 $0xFFFFFFFF;
	p2 =	slt.u32 s8, $0xFFFFF086  }
0x1c: {  	p1 =	slt.u32 s9, $0xF7A;
	s5 =	simm.s32 @!p2 $0x0  }
0x1d: {  	s5 =	simm.s32 @p1 $0x1;
	p0 =	seq.s32 s7, s2  }
0x1e: {  	s7 =	smul.u32 @!p0 $0xF7A, s2;
	p2 =	seq.s32 @!p0 s5, $0x0  }
0x1f: {  	s9 =	smul.u32 $0xF7A, s1;
	s8 =	simm.s32 @!p0 $0x1BF5;
	p2 =	por !p2, p0  }
0x20: {  	[sflag:s8] =	ssyncset.s32 @!p0 $0xFFFFF086;
	s6 =	sadd.s32 @!p0 s3, s7;
	s7 =	simm.s32 @!p0 $0x108  }
0x21: {  	s3 =	sadd.s32 s3, s9;
	s6 =	sadd.s32 @!p0 $0x88, s6;
	s7 =	simm.s32 @p2 $0x1082  }
0x22: {  	[simem:s7], [sflag:s8] =	dma.local @!p0 [hbm:s6], $0xF7A  }
0x23: {  	s9 =	sor.u32 $0xD0000000, s2;
	s6 =	simm.s32 $0x108;
	_ =	swait.ge @!p0 [sflag:s8], $0x0  }
0x24: {  	s3 =	sadd.s32 $0x88, s3;
	s6 =	simm.s32 @!p1 $0x1082;
	[sflag:s4] =	ssyncset.s32 $0xFFFFF086  }
0x25: {  	[simem:s6], [sflag:s4] =	dma.local [hbm:s3], $0xF7A  }
0x26: {  	[smem:$0x3FA0] =	sst s1;
	(tag) =	ssettag s2;
	_ =	strace s9  }
0x27: {  	s1 =	sld [smem:$0x3FB0]  }
0x28: {  	s2 =	sld [smem:$0x3FB1]  }
0x29: {  	s4 =	sld [smem:$0x3FB3]  }
0x2a: {  	p0 =	seq.s32 s5, $0x0;
	s5 =	sld [smem:$0x3FB4]  }
0x2b: {  	s6 =	sld [smem:$0x3FB5]  }
0x2c: {  	s7 =	sld [smem:$0x3FB6]  }
0x2d: {  	s3 =	simm.s32 $0x108;
	s8 =	sld [smem:$0x3FB7]  }
0x2e: {  	s3 =	simm.s32 @!p0 $0x1082;
	s9 =	sld [smem:$0x3FB8]  }
0x2f: {  	lr =	sadd.s32 s0, s3;
	s0 =	sld [smem:$0x3FAF]  }
0x30: {  	s3 =	sld [smem:$0x3FB2]  }
0x31: {  	[smem:$0x3FBB] =	sst s10  }
0x32: {  	s10 =	sld [smem:$0x3FB9];
	_ =	sdelay $0x3  }
0x33: {  	p0 =	seq.s32 s10, $0x1;
	s10 =	sld [smem:$0x3FBB];
	_ =	sdelay $0x3  }
0x34: {  	[smem:$0x3FBB] =	sst s10  }
0x35: {  	s10 =	sld [smem:$0x3FBA];
	_ =	sdelay $0x3  }
0x36: {  	p1 =	seq.s32 s10, $0x1;
	s10 =	sld [smem:$0x3FBB];
	_ =	sdelay $0x3  }
0x37: {  	[smem:$0x3FBB] =	sst s10  }
0x38: {  	s10 =	sld [smem:$0x3FBC]  }
0x39: {  	_ = 	snop;
	(pc) =	sbr.ind lr, $3  }
0x3a: {  	_ = 	snop  }
0x3b: {  	_ = 	snop  }
0x3c: {  	p2 =	seq.s32 s10, $0x1;
	s10 =	sld [smem:$0x3FBB]  }
0x3d: {  	_ =	shalt  }
0x3e: {  	_ =	shalt  }
0x3f: {  	_ =	shalt  }
0x40: {  	_ =	shalt  }
0x41: {  	_ =	shalt  }
0x42: {  	_ =	shalt  }
0x43: {  	_ =	shalt  }
0x44: {  	_ =	shalt  }
0x45: {  	_ =	shalt  }
0x46: {  	_ =	shalt  }
0x47: {  	_ =	shalt  }
0x48: {  	_ =	shalt  }
0x49: {  	_ =	shalt  }
0x4a: {  	_ =	shalt  }
0x4b: {  	_ =	shalt  }
0x4c: {  	_ =	shalt  }
0x4d: {  	_ =	shalt  }
0x4e: {  	_ =	shalt  }
0x4f: {  	_ =	shalt  }
0x50: {  	_ =	shalt  }
0x51: {  	_ =	shalt  }
0x52: {  	_ =	shalt  }
0x53: {  	_ =	shalt  }
0x54: {  	_ =	shalt  }
0x55: {  	_ =	shalt  }
0x56: {  	_ =	shalt  }
0x57: {  	_ =	shalt  }
0x58: {  	_ =	shalt  }
0x59: {  	_ =	shalt  }
0x5a: {  	_ =	shalt  }
0x5b: {  	_ =	shalt  }
0x5c: {  	_ =	shalt  }
0x5d: {  	_ =	shalt  }
0x5e: {  	_ =	shalt  }
0x5f: {  	_ =	shalt  }
0x60: {  	_ =	shalt  }
0x61: {  	_ =	shalt  }
0x62: {  	_ =	shalt  }
0x63: {  	_ =	shalt  }
0x64: {  	_ =	shalt  }
0x65: {  	_ =	shalt  }
0x66: {  	_ =	shalt  }
0x67: {  	_ =	shalt  }
0x68: {  	_ =	shalt  }
0x69: {  	_ =	shalt  }
0x6a: {  	_ =	shalt  }
0x6b: {  	_ =	shalt  }
0x6c: {  	_ =	shalt  }
0x6d: {  	_ =	shalt  }
0x6e: {  	_ =	shalt  }
0x6f: {  	_ =	shalt  }
0x70: {  	_ =	shalt  }
0x71: {  	_ =	shalt  }
0x72: {  	_ =	shalt  }
0x73: {  	_ =	shalt  }
0x74: {  	_ =	shalt  }
0x75: {  	_ =	shalt  }
0x76: {  	_ =	shalt  }
0x77: {  	_ =	shalt  }
0x78: {  	_ =	shalt  }
0x79: {  	_ =	shalt  }
0x7a: {  	_ =	shalt  }
0x7b: {  	_ =	shalt  }
0x7c: {  	_ =	shalt  }
0x7d: {  	_ =	shalt  }
0x7e: {  	_ =	shalt  }
0x7f: {  	_ =	shalt  }
0x80: {  	_ =	shalt  }
0x81: {  	_ =	shalt  }
0x82: {  	_ =	shalt  }
0x83: {  	_ =	shalt  }
0x84: {  	_ =	shalt  }
0x85: {  	_ =	shalt  }
0x86: {  	_ =	shalt  }
0x87: {  	_ =	shalt  }
.Lfunc_end0:
.L_simem_size_0:
called_computation.2_lowered:
.L_overlay_start_0:
0x88: {  	s2 =	sld [smem:$0x3FD9]  }
0x89: {  	s3 =	sld [smem:$0x3FFE];
	_ =	sdelay $0x1  }
0x8a: {  	s1 =	srdreg.scid  }
0x8b: {  	s0 =	sand.u32 $0x1, s1  }
0x8c: {  	s16 =	sshll.u32 s0, $0xA;
	s2 =	sadd.s32 s3, s2  }
0x8d: {  	s2 =	sadd.s32 s2, s16  }
0x8e: {  	[smem:$0x3FC7] =	sst s2  }
0x8f: {  	_ = 	snop  }
0x90: {  	(tm) =	ssettm $0x1  }
0x91: {  	s17 =	sld [smem:$0x3FFB];
	_ =	sdelay $0x3  }
0x92: {  	_ =	strace s17  }
0x93: {  	s2 =	sld [smem:$0x3FFC];
	_ =	sdelay $0x3  }
0x94: {  	_ =	strace s2  }
0x95: {  	s2 =	sld [smem:$0x3FFD];
	_ =	sdelay $0x3  }
0x96: {  	_ =	strace s2  }
0x97: {  	_ =	strace $0x8FFFFFFF  }
0x98: {  	s18 =	sld [smem:$0x3FDB];
	_ =	sdelay $0x1  }
0x99: {  	s19 =	simm.s32 $_scs_section_size  }
0x9a: {  	s4 =	simm.s32 $_size__tile_overlayer_lowered;
	s5 =	simm.s32 $_tile_overlayer_lowered  }
0x9b: {  	s22 =	simm.s32 $0x1BFF;
	s21 =	sshll.u32 s5, $0x1;
	s2 =	sadd.s32 s19, s18  }
0x9c: {  	s6 =	simm.s32 $0x0;
	s20 =	sshll.u32 s4, $0x1;
	s4 =	sadd.s32 s21, s2  }
0x9d: {  	[timem:s6], [sflag:s22] =	dma.local [hbm:s4], s20  }
0x9e: {  	_ =	swait.ge [sflag:s22], s20  }
0x9f: {  	s3 =	ssub.s32 $0x0, s20;
	[sflag:s22] =	ssyncset.done $0x0  }
0xa0: {  	[sflag:s22] =	ssyncadd.s32 s3;
	_ =	sdelay $0x1  }
0xa1: {  	s23 =	simm.s32 $0x1B8B  }
0xa2: {  	_ =	swait.ge [sflag:s23], $0x1  }
0xa3: {  	[sflag:s23] =	ssyncset.done $0x0  }
0xa4: {  	s25 =	simm.s32 $0x1B8E;
	s24 =	sld [smem:$0x3FFE];
	[sflag:s23] =	ssyncadd.s32 $0xFFFFFFFF  }
0xa5: {  	s26 =	simm.s32 $execute0_lowered;
	[smem:$0x3FD2] =	sst s25  }
0xa6: {  	s4 =	sshll.u32 s26, $0x1;
	_ =	strace $0x8000004F;
	[dreg:$0x1] =	wrdreg $0xFFFFFFFF  }
0xa7: {  	s28 =	simm.s32 $_size_execute0_lowered;
	s2 =	sadd.s32 s2, s4;
	[dreg:$0x0] =	wrdreg $0x0  }
0xa8: {  	s4 =	sshll.u32 s28, $0x1;
	[dreg:$0x2] =	wrdreg s2  }
0xa9: {  	[dreg:$0x3] =	wrdreg s4  }
0xaa: {  	[dreg:$0x4] =	wrdreg $0xC0  }
0xab: {  	_ =	task [dreg:s6], $0x5FFFF  }
0xac: {  	[dreg:$0x1] =	wrdreg $0xFFFFFFFF  }
0xad: {  	[dreg:$0x0] =	wrdreg $0x60  }
0xae: {  	[dreg:$0x2] =	wrdreg s24  }
0xaf: {  	[dreg:$0x3] =	wrdreg $0xA  }
0xb0: {  	_ =	task.clear_ibuf [dreg:s6], $0x4FFFF;
	_ =	strace $0x9000004F  }
0xb1: {  	s29 =	simm.s32 $0xA;
	_ =	strace $0x80000051  }
0xb2: {  	_ =	swait.ge [sflag:s29], $0x1  }
0xb3: {  	[sflag:s29] =	ssyncadd.s32 $0xFFFFFFFF  }
0xb4: {  	_ =	strace $0x90000051  }
0xb5: {  	_ =	sfence  }
0xb6: {  	s30 =	sld [smem:$0x0];
	_ =	sdelay $0x2  }
0xb7: {  	s31 =	sshll.u32 s1, $0xD;
	s1 =	sshrl.u32 s1, $0x2  }
0xb8: {  	s3 =	sand.u32 $0x4000, s31;
	s1 =	sadd.s32 s1, s30  }
0xb9: {  	s0 =	sor.u32 s3, s0;
	s1 =	sshll.u32 s1, $0x11  }
0xba: {  	s0 =	sor.u32 s1, s0  }
0xbb: {  	s0 =	sadd.s32 $0x8F2B, s0  }
0xbc: {  	[sflag:s0] =	ssyncadd.remote.s32 $0x1  }
0xbd: {  	_ =	sfence.sel $0xFFFF  }
0xbe: {  	[dreg:$0x0] =	wrdreg $0xFFFFFFFF;
	(pc) =	sbr.abs _section_cstart, $3  }
0xbf: {  	[dreg:$0x1] =	wrdreg $0xFFFFFFFF  }
0xc0: {  	_ =	task.clear_ibuf [dreg:s6], $0x2FFFF;
	_ =	strace $0x9FFFFFFF  }
0xc1: {  	(tm) =	ssettm $0x7FFFFFFF  }
tec
execute0_lowered:
.L_overlay_start_1:
0x0: {  	(tag) =	ssettag $0x1  }
0x1: {  	s7 =	rddreg [dreg:$0x0]  }
0x2: {  	s0 =	rddreg [dreg:$0x1];
	_ =	strace $0x80000050  }
0x3: {  	s1 =	srdreg.scid;
	s4 =	simm.s32 $0x1;
	s9 =	simm.s32 $0x3  }
0x4: {  	s11 =	simm.s32 $0x0;
	p0 =	por $0x0, $0x0;
	s5 =	sshll.u32 s1, $0x4  }
.Ltmp0:
0x5: {  	s1 =	stileid.u32;
	s5 =	sand.u32 $0x10, s5;
	(pc) =	sbr.rel .LBB2_1-.Ltmp0, $4  }
0x6: {  	s2 =	sadd.s32 $0x30800, s7;
	s3 =	sadd.s32 $0x30000, s7;
	s6 =	sor.u32 s1, s5  }
0x7: {  	[sflag:s4] =	ssyncpa.u1 $0x0;
	s5 =	simm.s32 $0x2;
	s6 =	sshll.u32 s6, $0x9  }
0x8: {  	s7 =	sadd.s32 $0x80800, s7;
	[sflag:s5] =	ssyncpa.u1 $0x0;
	s8 =	sadd.s32 $0x200, s6  }
0x9: {  	vm0 =	vmmov $0xff;
	vm1 =	vcmask $0x3F20;
	[sflag:s9] =	ssyncpa.u1 $0x0;
	s10 =	smov.u32 s6;
	s9 =	simm.s32 $0x0  }
.LBB2_7:
0xa: {  	p1 =	slt.u32 s9, $0x2;
	s11 =	sadd.s32 $0x100, s10  }
0xb: {  	s13 =	smov.u32 s6;
	s9 =	sadd.s32 $0x1, s9;
	p2 =	slt.s32 s11, s8  }
0xc: {  	s13 =	smov.u32 @p2 s11;
	p2 =	sne.s32 s9, $0x4  }
.Ltmp1:
0xd: {  	_ = 	snop;
	(pc) =	sbr.rel @!p2 .LBB2_8-.Ltmp1, $4  }
0xe: {  	s12 =	simm.s32 @!p1 $0x3  }
0xf: {  	_ =	swait.ge @!p1 [sflag:s12], $0x8000  }
0x10: {  	p0 =	por !p0, !p0;
	[sflag:s12] =	ssyncset.done @!p1 $0x0  }
0x11: {  	s11 =	smov.u32 s10;
	s10 =	smov.u32 s13;
	[sflag:s12] =	ssyncadd.s32 @!p1 $0xFFFF8000  }
.LBB2_1:
0x12: {  	p1 =	sgt.u32 s9, $0x1  }
0x13: {  	s12 =	sshll.u32 @!p1 s9, $0x8;
	s13 =	sshrl.u32 @!p1 s10, $0x3  }
0x14: {  	s14 =	sand.u32 @!p1 $0x7, s10;
	s12 =	sxor.u32 @!p1 $0x100, s12;
	s13 =	sadd.s32 @!p1 s3, s13  }
0x15: {  	[tilespmem:s12], [sflag:$0x2] =	stream.linear.gather @!p1 [hbm4b:s13+s14], $0x100, $0x38;
	[tilespmem:$0x10200] =	vst v63  }
0x16: {  	p1 =	seq.s32 s9, $0x0  }
0x17: {  	p2 =	seq.s32 @!p1 s9, $0x3  }
0x18: {  	p1 =	por p1, p2  }
.Ltmp2:
0x19: {  	_ = 	snop;
	(pc) =	sbr.rel @p1 .LBB2_7-.Ltmp2, $1  }
0x1a: {  	_ =	sdelay $0x3  }
0x1b: {  	s12 =	simm.s32 $0x1  }
0x1c: {  	_ =	swait.ge [sflag:s5], $0x100;
	s12 =	simm.s32 @!p0 $0x0  }
0x1d: {  	[sflag:s5] =	ssyncset.done $0x0;
	s14 =	sshll.u32 s12, $0x8  }
0x1e: {  	[sflag:s5] =	ssyncadd.s32 $0xFFFFFF00;
	s13 =	sadd.s32 $0x0, s14  }
0x1f: {  	v0 =	vld.msk [tilespmem:s13+$0x0 ss:$0x1], $0xffff;
	_ =	sdelay $0x4  }
0x20: {  	vm2 =	vgt.s32 v0, $0x0  }
0x21: {  	v0 =	vnsel vm2, $0x0, v0  }
0x22: {  	v0 =	vmin.u32 v0, $0x3FFF  }
0x23: {  	v0 =	vshll.u32 v0, $0x4;
	_ =	sdelay $0x2  }
0x24: {  	s12 =	sshll.u32 s12, $0xF  }
0x25: {  	s12 =	sor.u32 $0x200, s12  }
0x26: {  	[tilespmem:s12], [sflag:$0x1] =	stream.indirect_vreg.gather [hbm:s2], $0x80, v0, vm0, $0x38;
	[tilespmem:$0x10200] =	vst v63  }
0x27: {  	s15 =	sadd.s32 $0x10, s14;
	s13 =	sadd.s32 $0x400, s12  }
0x28: {  	[tilespmem:s13], [sflag:$0x1] =	stream.indirect_vreg.gather [hbm:s2], $0x80, v0, vm1, $0x38;
	[tilespmem:$0x10200] =	vst v63  }
0x29: {  	s16 =	simm.s32 $0x80;
	v0 =	vld.msk [tilespmem:s15+$0x0 ss:$0x1], $0xffff;
	s15 =	smov.u32 s12  }
.LBB2_3:
0x2a: {  	p1 =	sne.s32 s16, $0x3C0;
	_ =	sdelay $0x4  }
0x2b: {  	vm2 =	vgt.s32 v0, $0x0  }
0x2c: {  	v0 =	vnsel vm2, $0x0, v0  }
0x2d: {  	v0 =	vmin.u32 v0, $0x3FFF  }
0x2e: {  	v0 =	vshll.u32 v0, $0x4;
	_ =	sdelay $0x3  }
.Ltmp3:
0x2f: {  	s17 =	sshra.s32 s16, $0x2;
	s15 =	sadd.s32 $0x800, s15;
	(pc) =	sbr.rel @p1 .LBB2_3-.Ltmp3, $4  }
0x30: {  	[tilespmem:s15], [sflag:$0x1] =	stream.indirect_vreg.gather [hbm:s2], $0x80, v0, vm0, $0x38;
	[tilespmem:$0x10200] =	vst v63  }
0x31: {  	s17 =	sadd.s32 s17, s14;
	s18 =	sadd.s32 $0x400, s15  }
0x32: {  	[tilespmem:s18], [sflag:$0x1] =	stream.indirect_vreg.gather [hbm:s2], $0x80, v0, vm1, $0x38;
	[tilespmem:$0x10200] =	vst v63  }
0x33: {  	s16 =	sadd.s32 $0x40, s16;
	v0 =	vld.msk [tilespmem:s17+$0x0 ss:$0x1], $0xffff  }
0x34: {  	_ =	sdelay $0x3  }
0x35: {  	vm2 =	vgt.s32 v0, $0x0  }
0x36: {  	v0 =	vnsel vm2, $0x0, v0  }
0x37: {  	v0 =	vmin.u32 v0, $0x3FFF  }
0x38: {  	v0 =	vshll.u32 v0, $0x4;
	_ =	sdelay $0x3  }
0x39: {  	s14 =	sadd.s32 $0x800, s15  }
0x3a: {  	[tilespmem:s14], [sflag:$0x1] =	stream.indirect_vreg.gather [hbm:s2], $0x80, v0, vm0, $0x38;
	[tilespmem:$0x10200] =	vst v63  }
0x3b: {  	s14 =	sadd.s32 $0x400, s14  }
0x3c: {  	[tilespmem:s14], [sflag:$0x1] =	stream.indirect_vreg.gather [hbm:s2], $0x80, v0, vm1, $0x38;
	[tilespmem:$0x10200] =	vst v63  }
0x3d: {  	s11 =	sshll.u32 s11, $0x4;
	_ =	swait.ge [sflag:s4], $0x8000  }
0x3e: {  	s11 =	sadd.s32 s11, s7;
	[sflag:s4] =	ssyncset.done $0x0  }
0x3f: {  	s15 =	sadd.s32 $0x0, s11;
	s14 =	simm.s32 $0x80;
	[sflag:s4] =	ssyncadd.s32 $0xFFFF8000  }
.LBB2_5:
0x40: {  	[hbm:s15] =	stream.linear.scatter [tilespmem:s12], [sflag:$0x3], $0x400, $0x38;
	[tilespmem:$0x10200] =	vst v63  }
0x41: {  	s15 =	smov.u32 s14;
	s12 =	smov.u32 s13;
	p1 =	sne.s32 s14, $0xF80  }
.Ltmp4:
0x42: {  	s14 =	sadd.s32 $0x80, s14;
	(pc) =	sbr.rel @p1 .LBB2_5-.Ltmp4, $2  }
0x43: {  	_ =	sdelay $0x2  }
0x44: {  	s13 =	sadd.s32 $0x400, s13;
	s15 =	sadd.s32 s15, s11  }
.Ltmp5:
0x45: {  	(pc) =	sbr.rel .LBB2_7-.Ltmp5, $2  }
0x46: {  	_ =	sdelay $0x2  }
0x47: {  	[hbm:s15] =	stream.linear.scatter [tilespmem:s12], [sflag:$0x3], $0x400, $0x38;
	[tilespmem:$0x10200] =	vst v63  }
.LBB2_8:
0x48: {  	_ =	sfence.sel $0x180000  }
0x49: {  	s2 =	simm.s32 $0x2;
	[bflag:$0x0] =	sbarrier.arrive $0xFFFF  }
0x4a: {  	s30 =	simm.s32 $0x3;
	[sflag:s2] =	ssyncpa.u1 $0x1  }
0x4b: {  	s31 =	simm.s32 $0x1;
	[sflag:s30] =	ssyncpa.u1 $0x1  }
0x4c: {  	[sflag:s31] =	ssyncpa.u1 $0x1  }
0x4d: {  	p0 =	sne.s32 s1, $0x0;
	_ =	strace $0x90000050  }
0x4e: {  	s0 =	sadd.s32 @!p0 $0x100000, s0;
	[bflag:$0x2] =	sbarrier.arrive $0xFFFF  }
0x4f: {  	[sflag:s0] =	ssyncadd.tile.s32 @!p0 $0x1;
	_ =	shalt  }
.Lfunc_end2:
_tile_overlayer_lowered:
.L_overlay_start_2:
0x50: {  	(tag) =	ssettag $0x2  }
0x51: {  	s0 =	rddreg [dreg:$0x0];
	s2 =	stileid.u32  }
0x52: {  	s1 =	rddreg [dreg:$0x1];
	p0 =	sne.s32 s2, $0x0  }
0x53: {  	s3 =	rddreg [dreg:$0x2];
	[bflag:$0x3] =	sbarrier.arrive $0xFFFF;
	s2 =	simm.s32 @!p0 $0x1C01  }
0x54: {  	[timem:s3], [sflag:s2] =	dma.local @!p0 [hbm:s0], s1  }
0x55: {  	s0 =	simm.s32 @!p0 $0x1  }
0x56: {  	_ =	swait.ge @!p0 [sflag:s0], s1  }
0x57: {  	s1 =	ssub.s32 @!p0 $0x0, s1;
	[sflag:s0] =	ssyncset.done @!p0 $0x0  }
0x58: {  	[sflag:s0] =	ssyncadd.s32 @!p0 s1  }
0x59: {  	[bflag:$0x3] =	sbarrier.arrive $0xFFFF  }
0x5a: {  	_ =	shalt  }

// kernel: gather_offload_async_start
scs
__scs_entry_jumppad:
0x0: {  	(pc) =	sbr.rel $0x88, $3  }
0x1: {  	(tag) =	ssettag $0x0;
	lr =	simm.s32 $0x1  }
0x2: {  	[smem:$0x3FA0] =	sst lr;
	_ =	strace $0xD0000000  }
0x3: {  	_ = 	snop  }
0x4: {  	_ = 	snop  }
0x5: {  	_ = 	snop  }
0x6: {  	_ = 	snop  }
0x7: {  	_ = 	snop  }
__scs_overlays_trampoline_lowered:
0x8: {  	[smem:$0x3FAF] =	sst s0  }
0x9: {  	[smem:$0x3FB0] =	sst s1  }
0xa: {  	[smem:$0x3FB1] =	sst s2  }
0xb: {  	[smem:$0x3FB2] =	sst s3  }
0xc: {  	[smem:$0x3FB3] =	sst s4  }
0xd: {  	[smem:$0x3FB4] =	sst s5  }
0xe: {  	[smem:$0x3FB5] =	sst s6  }
0xf: {  	[smem:$0x3FB6] =	sst s7  }
0x10: {  	[smem:$0x3FB7] =	sst s8  }
0x11: {  	[smem:$0x3FB8] =	sst s9;
	s0 =	simm.s32 @!p0 $0x0  }
0x12: {  	s1 =	sld [smem:$0x3F9E];
	s0 =	simm.s32 @p0 $0x1  }
0x13: {  	[smem:$0x3FB9] =	sst s0;
	s0 =	simm.s32 @!p1 $0x0  }
0x14: {  	s2 =	sld [smem:$0x3F9D];
	s0 =	simm.s32 @p1 $0x1  }
0x15: {  	[smem:$0x3FBA] =	sst s0;
	s0 =	simm.s32 @!p2 $0x0  }
0x16: {  	s3 =	sld [smem:$0x3FDB];
	s0 =	simm.s32 @p2 $0x1  }
0x17: {  	s4 =	simm.s32 $0x1BF5;
	[smem:$0x3FBC] =	sst s0  }
0x18: {  	s0 =	sld [smem:$0x3F9F];
	_ =	swait.ge [sflag:s4], $0x0  }
0x19: {  	s7 =	sld [smem:$0x3FA0]  }
0x1a: {  	s8 =	sadd.s32 $0xFFFFE003, lr  }
0x1b: {  	s9 =	sadd.s32 $0xFFFFFEF7, lr;
	s5 =	simm.s32 $0xFFFFFFFF;
	p2 =	slt.u32 s8, $0xFFFFF086  }
0x1c: {  	p1 =	slt.u32 s9, $0xF7A;
	s5 =	simm.s32 @!p2 $0x0  }
0x1d: {  	s5 =	simm.s32 @p1 $0x1;
	p0 =	seq.s32 s7, s2  }
0x1e: {  	s7 =	smul.u32 @!p0 $0xF7A, s2;
	p2 =	seq.s32 @!p0 s5, $0x0  }
0x1f: {  	s9 =	smul.u32 $0xF7A, s1;
	s8 =	simm.s32 @!p0 $0x1BF5;
	p2 =	por !p2, p0  }
0x20: {  	[sflag:s8] =	ssyncset.s32 @!p0 $0xFFFFF086;
	s6 =	sadd.s32 @!p0 s3, s7;
	s7 =	simm.s32 @!p0 $0x108  }
0x21: {  	s3 =	sadd.s32 s3, s9;
	s6 =	sadd.s32 @!p0 $0x88, s6;
	s7 =	simm.s32 @p2 $0x1082  }
0x22: {  	[simem:s7], [sflag:s8] =	dma.local @!p0 [hbm:s6], $0xF7A  }
0x23: {  	s9 =	sor.u32 $0xD0000000, s2;
	s6 =	simm.s32 $0x108;
	_ =	swait.ge @!p0 [sflag:s8], $0x0  }
0x24: {  	s3 =	sadd.s32 $0x88, s3;
	s6 =	simm.s32 @!p1 $0x1082;
	[sflag:s4] =	ssyncset.s32 $0xFFFFF086  }
0x25: {  	[simem:s6], [sflag:s4] =	dma.local [hbm:s3], $0xF7A  }
0x26: {  	[smem:$0x3FA0] =	sst s1;
	(tag) =	ssettag s2;
	_ =	strace s9  }
0x27: {  	s1 =	sld [smem:$0x3FB0]  }
0x28: {  	s2 =	sld [smem:$0x3FB1]  }
0x29: {  	s4 =	sld [smem:$0x3FB3]  }
0x2a: {  	p0 =	seq.s32 s5, $0x0;
	s5 =	sld [smem:$0x3FB4]  }
0x2b: {  	s6 =	sld [smem:$0x3FB5]  }
0x2c: {  	s7 =	sld [smem:$0x3FB6]  }
0x2d: {  	s3 =	simm.s32 $0x108;
	s8 =	sld [smem:$0x3FB7]  }
0x2e: {  	s3 =	simm.s32 @!p0 $0x1082;
	s9 =	sld [smem:$0x3FB8]  }
0x2f: {  	lr =	sadd.s32 s0, s3;
	s0 =	sld [smem:$0x3FAF]  }
0x30: {  	s3 =	sld [smem:$0x3FB2]  }
0x31: {  	[smem:$0x3FBB] =	sst s10  }
0x32: {  	s10 =	sld [smem:$0x3FB9];
	_ =	sdelay $0x3  }
0x33: {  	p0 =	seq.s32 s10, $0x1;
	s10 =	sld [smem:$0x3FBB];
	_ =	sdelay $0x3  }
0x34: {  	[smem:$0x3FBB] =	sst s10  }
0x35: {  	s10 =	sld [smem:$0x3FBA];
	_ =	sdelay $0x3  }
0x36: {  	p1 =	seq.s32 s10, $0x1;
	s10 =	sld [smem:$0x3FBB];
	_ =	sdelay $0x3  }
0x37: {  	[smem:$0x3FBB] =	sst s10  }
0x38: {  	s10 =	sld [smem:$0x3FBC]  }
0x39: {  	_ = 	snop;
	(pc) =	sbr.ind lr, $3  }
0x3a: {  	_ = 	snop  }
0x3b: {  	_ = 	snop  }
0x3c: {  	p2 =	seq.s32 s10, $0x1;
	s10 =	sld [smem:$0x3FBB]  }
0x3d: {  	_ =	shalt  }
0x3e: {  	_ =	shalt  }
0x3f: {  	_ =	shalt  }
0x40: {  	_ =	shalt  }
0x41: {  	_ =	shalt  }
0x42: {  	_ =	shalt  }
0x43: {  	_ =	shalt  }
0x44: {  	_ =	shalt  }
0x45: {  	_ =	shalt  }
0x46: {  	_ =	shalt  }
0x47: {  	_ =	shalt  }
0x48: {  	_ =	shalt  }
0x49: {  	_ =	shalt  }
0x4a: {  	_ =	shalt  }
0x4b: {  	_ =	shalt  }
0x4c: {  	_ =	shalt  }
0x4d: {  	_ =	shalt  }
0x4e: {  	_ =	shalt  }
0x4f: {  	_ =	shalt  }
0x50: {  	_ =	shalt  }
0x51: {  	_ =	shalt  }
0x52: {  	_ =	shalt  }
0x53: {  	_ =	shalt  }
0x54: {  	_ =	shalt  }
0x55: {  	_ =	shalt  }
0x56: {  	_ =	shalt  }
0x57: {  	_ =	shalt  }
0x58: {  	_ =	shalt  }
0x59: {  	_ =	shalt  }
0x5a: {  	_ =	shalt  }
0x5b: {  	_ =	shalt  }
0x5c: {  	_ =	shalt  }
0x5d: {  	_ =	shalt  }
0x5e: {  	_ =	shalt  }
0x5f: {  	_ =	shalt  }
0x60: {  	_ =	shalt  }
0x61: {  	_ =	shalt  }
0x62: {  	_ =	shalt  }
0x63: {  	_ =	shalt  }
0x64: {  	_ =	shalt  }
0x65: {  	_ =	shalt  }
0x66: {  	_ =	shalt  }
0x67: {  	_ =	shalt  }
0x68: {  	_ =	shalt  }
0x69: {  	_ =	shalt  }
0x6a: {  	_ =	shalt  }
0x6b: {  	_ =	shalt  }
0x6c: {  	_ =	shalt  }
0x6d: {  	_ =	shalt  }
0x6e: {  	_ =	shalt  }
0x6f: {  	_ =	shalt  }
0x70: {  	_ =	shalt  }
0x71: {  	_ =	shalt  }
0x72: {  	_ =	shalt  }
0x73: {  	_ =	shalt  }
0x74: {  	_ =	shalt  }
0x75: {  	_ =	shalt  }
0x76: {  	_ =	shalt  }
0x77: {  	_ =	shalt  }
0x78: {  	_ =	shalt  }
0x79: {  	_ =	shalt  }
0x7a: {  	_ =	shalt  }
0x7b: {  	_ =	shalt  }
0x7c: {  	_ =	shalt  }
0x7d: {  	_ =	shalt  }
0x7e: {  	_ =	shalt  }
0x7f: {  	_ =	shalt  }
0x80: {  	_ =	shalt  }
0x81: {  	_ =	shalt  }
0x82: {  	_ =	shalt  }
0x83: {  	_ =	shalt  }
0x84: {  	_ =	shalt  }
0x85: {  	_ =	shalt  }
0x86: {  	_ =	shalt  }
0x87: {  	_ =	shalt  }
.Lfunc_end0:
.L_simem_size_0:
called_computation.1_lowered:
.L_overlay_start_0:
0x88: {  	s2 =	sld [smem:$0x3FD9]  }
0x89: {  	s3 =	sld [smem:$0x3FFE];
	_ =	sdelay $0x1  }
0x8a: {  	s1 =	srdreg.scid  }
0x8b: {  	s0 =	sand.u32 $0x1, s1  }
0x8c: {  	s15 =	sshll.u32 s0, $0xA;
	s2 =	sadd.s32 s3, s2  }
0x8d: {  	s2 =	sadd.s32 s2, s15  }
0x8e: {  	[smem:$0x3FC7] =	sst s2  }
0x8f: {  	_ = 	snop  }
0x90: {  	s2 =	sld [smem:$0x3FD0];
	_ =	sdelay $0x2  }
0x91: {  	s16 =	simm.s32 $0xB;
	s4 =	simm.s32 $0x10  }
0x92: {  	[smem:s4], [sflag:s16] =	dma.local [hbm:s2], $0x1  }
0x93: {  	_ =	swait.eq [sflag:s16], $0x1  }
0x94: {  	[sflag:s16] =	ssyncset.done $0x0  }
0x95: {  	[sflag:s16] =	ssyncadd.s32 $0xFFFFFFFF  }
0x96: {  	s17 =	sld [smem:$0x10];
	(tm) =	ssettm $0x1  }
0x97: {  	s18 =	sld [smem:$0x3FFB];
	_ =	sdelay $0x3  }
0x98: {  	_ =	strace s18  }
0x99: {  	s2 =	sld [smem:$0x3FFC];
	_ =	sdelay $0x3  }
0x9a: {  	_ =	strace s2  }
0x9b: {  	s2 =	sld [smem:$0x3FFD];
	_ =	sdelay $0x3  }
0x9c: {  	_ =	strace s2  }
0x9d: {  	_ =	strace $0x8FFFFFFF  }
0x9e: {  	s19 =	sld [smem:$0x3FDB];
	_ =	sdelay $0x1  }
0x9f: {  	s20 =	simm.s32 $_scs_section_size  }
0xa0: {  	s5 =	simm.s32 $_size__tile_overlayer_lowered;
	s6 =	simm.s32 $_tile_overlayer_lowered  }
0xa1: {  	s7 =	simm.s32 $0x1BFF;
	s21 =	sshll.u32 s6, $0x1;
	s4 =	sadd.s32 s20, s19  }
0xa2: {  	s22 =	simm.s32 $0x0;
	s5 =	sshll.u32 s5, $0x1;
	s6 =	sadd.s32 s21, s4  }
0xa3: {  	[timem:s22], [sflag:s7] =	dma.local [hbm:s6], s5  }
0xa4: {  	_ =	swait.ge [sflag:s7], s5  }
0xa5: {  	s5 =	ssub.s32 $0x0, s5;
	[sflag:s7] =	ssyncset.done $0x0  }
0xa6: {  	[sflag:s7] =	ssyncadd.s32 s5;
	_ =	sdelay $0x1  }
0xa7: {  	s23 =	simm.s32 $0x1B8B  }
0xa8: {  	_ =	swait.ge [sflag:s23], $0x1  }
0xa9: {  	[sflag:s23] =	ssyncset.done $0x0  }
0xaa: {  	[sflag:s23] =	ssyncadd.s32 $0xFFFFFFFF  }
0xab: {  	s5 =	sld [smem:$0x0]  }
0xac: {  	s6 =	sand.u32 $0xFFFFFFFE, s1  }
0xad: {  	p0 =	sne.s32 s1, s6  }
0xae: {  	s6 =	sshll.u32 @p0 s6, $0xE  }
0xaf: {  	s6 =	sadd.s32 @p0 $0x11B8D, s6;
	s7 =	sshll.u32 @p0 s5, $0x11  }
0xb0: {  	s6 =	sor.u32 @p0 s7, s6  }
0xb1: {  	[sflag:s6] =	ssyncadd.remote.s32 @p0 $0x1;
	_ =	sdelay $0x1  }
0xb2: {  	s6 =	simm.s32 @p0 $0x1B8D  }
0xb3: {  	_ =	swait.eq @p0 [sflag:s6], $0x1  }
0xb4: {  	[sflag:s6] =	ssyncadd.s32 @p0 $0xFFFFFFFF  }
0xb5: {  	s7 =	sshll.u32 @!p0 s1, $0xE  }
0xb6: {  	s7 =	sor.u32 @!p0 $0x4000, s7;
	s6 =	simm.s32 @!p0 $0x1B8D  }
0xb7: {  	s5 =	sshll.u32 @!p0 s5, $0x11;
	s7 =	sadd.s32 @!p0 $0x11B8D, s7;
	_ =	swait.eq @!p0 [sflag:s6], $0x1  }
0xb8: {  	s5 =	sor.u32 @!p0 s5, s7;
	[sflag:s6] =	ssyncadd.s32 @!p0 $0xFFFFFFFF  }
0xb9: {  	s25 =	simm.s32 $0x1B8E;
	s24 =	sld [smem:$0x3FFE];
	[sflag:s5] =	ssyncadd.remote.s32 @!p0 $0x1  }
0xba: {  	s26 =	simm.s32 $execute0_lowered;
	[smem:$0x3FD2] =	sst s25  }
0xbb: {  	s6 =	sshll.u32 s26, $0x1;
	_ =	strace $0x80000052;
	[dreg:$0x1] =	wrdreg $0xFFFFFFFF  }
0xbc: {  	s28 =	simm.s32 $_size_execute0_lowered;
	s4 =	sadd.s32 s4, s6;
	[dreg:$0x0] =	wrdreg $0x0  }
0xbd: {  	s6 =	sshll.u32 s28, $0x1;
	[dreg:$0x2] =	wrdreg s4  }
0xbe: {  	[dreg:$0x3] =	wrdreg s6  }
0xbf: {  	[dreg:$0x4] =	wrdreg $0xC0  }
0xc0: {  	_ =	task [dreg:s22], $0x5FFFF  }
0xc1: {  	[dreg:$0x1] =	wrdreg $0xFFFFFFFF  }
0xc2: {  	[dreg:$0x0] =	wrdreg $0x60  }
0xc3: {  	[dreg:$0x2] =	wrdreg s24  }
0xc4: {  	[dreg:$0x3] =	wrdreg s17  }
0xc5: {  	[dreg:$0x4] =	wrdreg $0x9  }
0xc6: {  	_ =	task.clear_ibuf [dreg:s22], $0x5FFFF;
	_ =	strace $0x90000052  }
0xc7: {  	s29 =	simm.s32 $0x9;
	_ =	strace $0x80000054  }
0xc8: {  	_ =	swait.ge [sflag:s29], $0x1  }
0xc9: {  	[sflag:s29] =	ssyncadd.s32 $0xFFFFFFFF  }
0xca: {  	_ =	strace $0x90000054  }
0xcb: {  	_ =	sfence  }
0xcc: {  	s30 =	sld [smem:$0x0];
	_ =	sdelay $0x2  }
0xcd: {  	s31 =	sshll.u32 s1, $0xD;
	s1 =	sshrl.u32 s1, $0x2  }
0xce: {  	s4 =	sand.u32 $0x4000, s31;
	s1 =	sadd.s32 s1, s30  }
0xcf: {  	s0 =	sor.u32 s4, s0;
	s1 =	sshll.u32 s1, $0x11  }
0xd0: {  	s0 =	sor.u32 s1, s0  }
0xd1: {  	s0 =	sadd.s32 $0x8F2B, s0  }
0xd2: {  	[sflag:s0] =	ssyncadd.remote.s32 $0x1  }
0xd3: {  	_ =	sfence.sel $0xFFFF  }
0xd4: {  	[dreg:$0x0] =	wrdreg $0xFFFFFFFF;
	(pc) =	sbr.abs _section_cstart, $3  }
0xd5: {  	[dreg:$0x1] =	wrdreg $0xFFFFFFFF  }
0xd6: {  	_ =	task.clear_ibuf [dreg:s22], $0x2FFFF;
	_ =	strace $0x9FFFFFFF  }
0xd7: {  	(tm) =	ssettm $0x7FFFFFFF  }
tec
execute0_lowered:
.L_overlay_start_1:
0x0: {  	(tag) =	ssettag $0x1  }
0x1: {  	s1 =	srdreg.scid;
	s5 =	rddreg [dreg:$0x0]  }
0x2: {  	s0 =	stileid.u32;
	s2 =	rddreg [dreg:$0x1];
	s6 =	simm.s32 $0x1  }
0x3: {  	s9 =	simm.s32 $0x1;
	s10 =	simm.s32 $0x3;
	s1 =	sshll.u32 s1, $0x8  }
0x4: {  	s13 =	simm.s32 $0x0;
	s3 =	sshll.u32 s0, $0x9;
	s4 =	sand.u32 $0x100, s1  }
0x5: {  	s12 =	simm.s32 $0x0;
	s1 =	rddreg [dreg:$0x2];
	s3 =	sor.u32 s3, s4  }
0x6: {  	_ =	strace $0x80000053;
	s4 =	sadd.s32 $0x80000, s5;
	s8 =	ssub.s32 $0x4000, s3  }
.Ltmp0:
0x7: {  	s5 =	sadd.s32 $0x30000, s5;
	s7 =	sand.u32 $0x1F00, s8;
	(pc) =	sbr.rel .LBB2_1-.Ltmp0, $4  }
0x8: {  	[sflag:s6] =	ssyncpa.u1 $0x0;
	s11 =	smov.u32 s3;
	p0 =	sne.s32 s7, $0x0  }
0x9: {  	s8 =	sshrl.u32 s8, $0xD;
	s7 =	simm.s32 $0x2;
	s9 =	simm.s32 @!p0 $0x0  }
0xa: {  	[sflag:s7] =	ssyncpa.u1 $0x0;
	p0 =	por $0x0, $0x0;
	s8 =	sadd.s32 s9, s8  }
0xb: {  	vm0 =	vmmov $0xffff;
	[sflag:s10] =	ssyncpa.u1 $0x0;
	s10 =	simm.s32 $0x0;
	s9 =	sadd.s32 $0x1, s8  }
.LBB2_4:
0xc: {  	v2 =	vnsel vm1, $0x0, v2  }
0xd: {  	vm1 =	vgt.s32 v0, $0x0;
	v2 =	vmin.u32 v2, $0x3FFF  }
0xe: {  	v0 =	vnsel vm1, $0x0, v0  }
0xf: {  	v0 =	vmin.u32 v0, $0x3FFF  }
0x10: {  	[tilespmem:s15], [sflag:$0x1] =	stream.indirect_vreg.gather [hbm4b:s4+s10], $0x1, v1, vm0, $0x4038;
	[tilespmem:$0x400] =	vst v63  }
0x11: {  	(ifvalue) =	ssetifvalue $0x7FFFFFFF  }
0x12: {  	[tilespmem:s16], [sflag:$0x1] =	stream.indirect_vreg.gather [hbm4b:s4+s10], $0x1, v2, vm0, $0x4038;
	[tilespmem:$0x400] =	vst v63  }
0x13: {  	s29 =	sadd.s32 $0x10, s16;
	(ifvalue) =	ssetifvalue $0x7FFFFFFF  }
0x14: {  	[tilespmem:s29], [sflag:$0x1] =	stream.indirect_vreg.gather [hbm4b:s4+s10], $0x1, v0, vm0, $0x4038;
	[tilespmem:$0x400] =	vst v63  }
0x15: {  	_ =	swait.ge [sflag:s6], $0x100  }
0x16: {  	s30 =	sshrl.u32 s13, $0x3;
	[sflag:s6] =	ssyncset.done $0x0  }
0x17: {  	s31 =	sand.u32 $0x7, s13;
	s15 =	sadd.s32 s2, s30;
	[sflag:s6] =	ssyncadd.s32 $0xFFFFFF00  }
0x18: {  	[hbm4b:s15+s31] =	stream.linear.scatter [tilespmem:s14], [sflag:$0x3], $0x100, $0x38;
	[tilespmem:$0x400] =	vst v63  }
.LBB2_5:
0x19: {  	s15 =	sadd.s32 $0x2000, s11  }
0x1a: {  	p2 =	sgt.s32 s15, $0x3FFF  }
0x1b: {  	s15 =	smov.u32 @p2 s3;
	p2 =	sne.s32 s12, s9  }
.Ltmp1:
0x1c: {  	p1 =	slt.u32 s12, $0x2;
	(pc) =	sbr.rel @!p2 .LBB2_6-.Ltmp1, $4  }
0x1d: {  	s14 =	simm.s32 @!p1 $0x3  }
0x1e: {  	s16 =	sadd.s32 $0x1, s12;
	_ =	swait.ge @!p1 [sflag:s14], $0x100  }
0x1f: {  	s13 =	smov.u32 s11;
	p0 =	por !p0, !p0;
	[sflag:s14] =	ssyncset.done @!p1 $0x0  }
0x20: {  	s12 =	smov.u32 s16;
	s11 =	smov.u32 s15;
	[sflag:s14] =	ssyncadd.s32 @!p1 $0xFFFFFF00  }
.LBB2_1:
0x21: {  	p1 =	sge.u32 s12, s8  }
0x22: {  	s14 =	sxor.u32 @!p1 $0xFFFFFFFF, s12  }
0x23: {  	s31 =	sadd.s32 $0xFFFFFFFF, s12;
	s15 =	sshrl.u32 @!p1 s11, $0x3;
	s14 =	sshll.u32 @!p1 s14, $0x8  }
0x24: {  	s16 =	sand.u32 @!p1 $0x7, s11;
	s15 =	sadd.s32 @!p1 s5, s15;
	s14 =	sand.u32 @!p1 $0x100, s14  }
0x25: {  	[tilespmem:s14], [sflag:$0x2] =	stream.linear.gather @!p1 [hbm4b:s15+s16], $0x100, $0x38;
	[tilespmem:$0x400] =	vst v63  }
0x26: {  	p1 =	sge.u32 s31, s8  }
.Ltmp2:
0x27: {  	_ = 	snop;
	(pc) =	sbr.rel @p1 .LBB2_5-.Ltmp2, $1  }
0x28: {  	_ =	sdelay $0x3  }
0x29: {  	s14 =	simm.s32 $0x1  }
0x2a: {  	_ =	swait.ge [sflag:s7], $0x100;
	s14 =	simm.s32 @!p0 $0x0  }
0x2b: {  	[sflag:s7] =	ssyncset.done $0x0;
	s14 =	sshll.u32 s14, $0x8  }
0x2c: {  	[sflag:s7] =	ssyncadd.s32 $0xFFFFFF00;
	(ifvalue) =	ssetifvalue $0x7FFFFFFF;
	v0 =	vld.msk [tilespmem:s14+$0x0 ss:$0x1], $0xffff;
	_ =	sdelay $0x4  }
0x2d: {  	s15 =	sadd.s32 $0x10, s14;
	vm1 =	vgt.s32 v0, $0x0  }
0x2e: {  	v2 =	vld.msk [tilespmem:s15+$0x0 ss:$0x1], $0xffff;
	v1 =	vnsel vm1, $0x0, v0  }
0x2f: {  	v1 =	vmin.u32 v1, $0x3FFF;
	_ =	sdelay $0x1  }
0x30: {  	s16 =	sshll.u32 s12, $0x8;
	s18 =	simm.s32 $0x20  }
0x31: {  	s16 =	sand.u32 $0x100, s16;
	s17 =	sadd.s32 $0x10, s15;
	s15 =	sor.u32 $0x200, s14  }
0x32: {  	s14 =	sor.u32 $0x200, s16;
	s16 =	sadd.s32 $0x10, s15;
	v0 =	vld.msk [tilespmem:s17+$0x0 ss:$0x1], $0xffff;
	vm1 =	vgt.s32 v2, $0x0;
	(ifvalue) =	ssetifvalue $0x7FFFFFFF  }
.LBB2_3:
0x33: {  	[tilespmem:s15], [sflag:$0x1] =	stream.indirect_vreg.gather [hbm4b:s4+s10], $0x1, v1, vm0, $0x4038;
	[tilespmem:$0x400] =	vst v63  }
0x34: {  	s18 =	sadd.s32 $0x10, s18  }
0x35: {  	v2 =	vnsel vm1, $0x0, v2;
	p1 =	slt.u32 s18, $0xF0  }
.Ltmp3:
0x36: {  	s15 =	smov.u32 s16;
	v1 =	vmin.u32 v2, $0x3FFF;
	(pc) =	sbr.rel @p1 .LBB2_3-.Ltmp3, $3  }
0x37: {  	_ =	sdelay $0x1  }
0x38: {  	s17 =	sadd.s32 $0x10, s17  }
0x39: {  	vm1 =	vgt.s32 v0, $0x0;
	s16 =	sadd.s32 $0x10, s16;
	v2 =	vmov v0;
	(ifvalue) =	ssetifvalue $0x7FFFFFFF;
	v0 =	vld.msk [tilespmem:s17+$0x0 ss:$0x1], $0xffff  }
.Ltmp4:
0x3a: {  	_ = 	snop;
	(pc) =	sbr.rel .LBB2_4-.Ltmp4, $1  }
0x3b: {  	_ =	sdelay $0x3  }
.LBB2_6:
0x3c: {  	_ =	sfence.sel $0x180000  }
0x3d: {  	s2 =	simm.s32 $0x2;
	[bflag:$0x0] =	sbarrier.arrive $0xFFFF  }
0x3e: {  	s30 =	simm.s32 $0x3;
	[sflag:s2] =	ssyncpa.u1 $0x1  }
0x3f: {  	s31 =	simm.s32 $0x1;
	[sflag:s30] =	ssyncpa.u1 $0x1  }
0x40: {  	[sflag:s31] =	ssyncpa.u1 $0x1  }
0x41: {  	p0 =	sne.s32 s0, $0x0;
	_ =	strace $0x90000053  }
0x42: {  	s0 =	sadd.s32 @!p0 $0x100000, s1;
	[bflag:$0x2] =	sbarrier.arrive $0xFFFF  }
0x43: {  	[sflag:s0] =	ssyncadd.tile.s32 @!p0 $0x1;
	_ =	shalt  }
.Lfunc_end2:
_tile_overlayer_lowered:
.L_overlay_start_2:
0x44: {  	(tag) =	ssettag $0x2  }
0x45: {  	s0 =	rddreg [dreg:$0x0];
	s2 =	stileid.u32  }
0x46: {  	s1 =	rddreg [dreg:$0x1];
	p0 =	sne.s32 s2, $0x0  }
0x47: {  	s3 =	rddreg [dreg:$0x2];
	[bflag:$0x3] =	sbarrier.arrive $0xFFFF;
	s2 =	simm.s32 @!p0 $0x1C01  }
0x48: {  	[timem:s3], [sflag:s2] =	dma.local @!p0 [hbm:s0], s1  }
0x49: {  	s0 =	simm.s32 @!p0 $0x1  }
0x4a: {  	_ =	swait.ge @!p0 [sflag:s0], s1  }
0x4b: {  	s1 =	ssub.s32 @!p0 $0x0, s1;
	[sflag:s0] =	ssyncset.done @!p0 $0x0  }
0x4c: {  	[sflag:s0] =	ssyncadd.s32 @!p0 s1  }
0x4d: {  	[bflag:$0x3] =	sbarrier.arrive $0xFFFF  }
0x4e: {  	_ =	shalt  }

// kernel: kernel.5.cloned.1.call-start
scs
__scs_entry_jumppad:
0x0: {  	(pc) =	sbr.rel $0x88, $3  }
0x1: {  	(tag) =	ssettag $0x0;
	lr =	simm.s32 $0x1  }
0x2: {  	[smem:$0x3FA0] =	sst lr;
	_ =	strace $0xD0000000  }
0x3: {  	_ = 	snop  }
0x4: {  	_ = 	snop  }
0x5: {  	_ = 	snop  }
0x6: {  	_ = 	snop  }
0x7: {  	_ = 	snop  }
__scs_overlays_trampoline_lowered:
0x8: {  	[smem:$0x3FAF] =	sst s0  }
0x9: {  	[smem:$0x3FB0] =	sst s1  }
0xa: {  	[smem:$0x3FB1] =	sst s2  }
0xb: {  	[smem:$0x3FB2] =	sst s3  }
0xc: {  	[smem:$0x3FB3] =	sst s4  }
0xd: {  	[smem:$0x3FB4] =	sst s5  }
0xe: {  	[smem:$0x3FB5] =	sst s6  }
0xf: {  	[smem:$0x3FB6] =	sst s7  }
0x10: {  	[smem:$0x3FB7] =	sst s8  }
0x11: {  	[smem:$0x3FB8] =	sst s9;
	s0 =	simm.s32 @!p0 $0x0  }
0x12: {  	s1 =	sld [smem:$0x3F9E];
	s0 =	simm.s32 @p0 $0x1  }
0x13: {  	[smem:$0x3FB9] =	sst s0;
	s0 =	simm.s32 @!p1 $0x0  }
0x14: {  	s2 =	sld [smem:$0x3F9D];
	s0 =	simm.s32 @p1 $0x1  }
0x15: {  	[smem:$0x3FBA] =	sst s0;
	s0 =	simm.s32 @!p2 $0x0  }
0x16: {  	s3 =	sld [smem:$0x3FDB];
	s0 =	simm.s32 @p2 $0x1  }
0x17: {  	s4 =	simm.s32 $0x1BF5;
	[smem:$0x3FBC] =	sst s0  }
0x18: {  	s0 =	sld [smem:$0x3F9F];
	_ =	swait.ge [sflag:s4], $0x0  }
0x19: {  	s7 =	sld [smem:$0x3FA0]  }
0x1a: {  	s8 =	sadd.s32 $0xFFFFE003, lr  }
0x1b: {  	s9 =	sadd.s32 $0xFFFFFEF7, lr;
	s5 =	simm.s32 $0xFFFFFFFF;
	p2 =	slt.u32 s8, $0xFFFFF086  }
0x1c: {  	p1 =	slt.u32 s9, $0xF7A;
	s5 =	simm.s32 @!p2 $0x0  }
0x1d: {  	s5 =	simm.s32 @p1 $0x1;
	p0 =	seq.s32 s7, s2  }
0x1e: {  	s7 =	smul.u32 @!p0 $0xF7A, s2;
	p2 =	seq.s32 @!p0 s5, $0x0  }
0x1f: {  	s9 =	smul.u32 $0xF7A, s1;
	s8 =	simm.s32 @!p0 $0x1BF5;
	p2 =	por !p2, p0  }
0x20: {  	[sflag:s8] =	ssyncset.s32 @!p0 $0xFFFFF086;
	s6 =	sadd.s32 @!p0 s3, s7;
	s7 =	simm.s32 @!p0 $0x108  }
0x21: {  	s3 =	sadd.s32 s3, s9;
	s6 =	sadd.s32 @!p0 $0x88, s6;
	s7 =	simm.s32 @p2 $0x1082  }
0x22: {  	[simem:s7], [sflag:s8] =	dma.local @!p0 [hbm:s6], $0xF7A  }
0x23: {  	s9 =	sor.u32 $0xD0000000, s2;
	s6 =	simm.s32 $0x108;
	_ =	swait.ge @!p0 [sflag:s8], $0x0  }
0x24: {  	s3 =	sadd.s32 $0x88, s3;
	s6 =	simm.s32 @!p1 $0x1082;
	[sflag:s4] =	ssyncset.s32 $0xFFFFF086  }
0x25: {  	[simem:s6], [sflag:s4] =	dma.local [hbm:s3], $0xF7A  }
0x26: {  	[smem:$0x3FA0] =	sst s1;
	(tag) =	ssettag s2;
	_ =	strace s9  }
0x27: {  	s1 =	sld [smem:$0x3FB0]  }
0x28: {  	s2 =	sld [smem:$0x3FB1]  }
0x29: {  	s4 =	sld [smem:$0x3FB3]  }
0x2a: {  	p0 =	seq.s32 s5, $0x0;
	s5 =	sld [smem:$0x3FB4]  }
0x2b: {  	s6 =	sld [smem:$0x3FB5]  }
0x2c: {  	s7 =	sld [smem:$0x3FB6]  }
0x2d: {  	s3 =	simm.s32 $0x108;
	s8 =	sld [smem:$0x3FB7]  }
0x2e: {  	s3 =	simm.s32 @!p0 $0x1082;
	s9 =	sld [smem:$0x3FB8]  }
0x2f: {  	lr =	sadd.s32 s0, s3;
	s0 =	sld [smem:$0x3FAF]  }
0x30: {  	s3 =	sld [smem:$0x3FB2]  }
0x31: {  	[smem:$0x3FBB] =	sst s10  }
0x32: {  	s10 =	sld [smem:$0x3FB9];
	_ =	sdelay $0x3  }
0x33: {  	p0 =	seq.s32 s10, $0x1;
	s10 =	sld [smem:$0x3FBB];
	_ =	sdelay $0x3  }
0x34: {  	[smem:$0x3FBB] =	sst s10  }
0x35: {  	s10 =	sld [smem:$0x3FBA];
	_ =	sdelay $0x3  }
0x36: {  	p1 =	seq.s32 s10, $0x1;
	s10 =	sld [smem:$0x3FBB];
	_ =	sdelay $0x3  }
0x37: {  	[smem:$0x3FBB] =	sst s10  }
0x38: {  	s10 =	sld [smem:$0x3FBC]  }
0x39: {  	_ = 	snop;
	(pc) =	sbr.ind lr, $3  }
0x3a: {  	_ = 	snop  }
0x3b: {  	_ = 	snop  }
0x3c: {  	p2 =	seq.s32 s10, $0x1;
	s10 =	sld [smem:$0x3FBB]  }
0x3d: {  	_ =	shalt  }
0x3e: {  	_ =	shalt  }
0x3f: {  	_ =	shalt  }
0x40: {  	_ =	shalt  }
0x41: {  	_ =	shalt  }
0x42: {  	_ =	shalt  }
0x43: {  	_ =	shalt  }
0x44: {  	_ =	shalt  }
0x45: {  	_ =	shalt  }
0x46: {  	_ =	shalt  }
0x47: {  	_ =	shalt  }
0x48: {  	_ =	shalt  }
0x49: {  	_ =	shalt  }
0x4a: {  	_ =	shalt  }
0x4b: {  	_ =	shalt  }
0x4c: {  	_ =	shalt  }
0x4d: {  	_ =	shalt  }
0x4e: {  	_ =	shalt  }
0x4f: {  	_ =	shalt  }
0x50: {  	_ =	shalt  }
0x51: {  	_ =	shalt  }
0x52: {  	_ =	shalt  }
0x53: {  	_ =	shalt  }
0x54: {  	_ =	shalt  }
0x55: {  	_ =	shalt  }
0x56: {  	_ =	shalt  }
0x57: {  	_ =	shalt  }
0x58: {  	_ =	shalt  }
0x59: {  	_ =	shalt  }
0x5a: {  	_ =	shalt  }
0x5b: {  	_ =	shalt  }
0x5c: {  	_ =	shalt  }
0x5d: {  	_ =	shalt  }
0x5e: {  	_ =	shalt  }
0x5f: {  	_ =	shalt  }
0x60: {  	_ =	shalt  }
0x61: {  	_ =	shalt  }
0x62: {  	_ =	shalt  }
0x63: {  	_ =	shalt  }
0x64: {  	_ =	shalt  }
0x65: {  	_ =	shalt  }
0x66: {  	_ =	shalt  }
0x67: {  	_ =	shalt  }
0x68: {  	_ =	shalt  }
0x69: {  	_ =	shalt  }
0x6a: {  	_ =	shalt  }
0x6b: {  	_ =	shalt  }
0x6c: {  	_ =	shalt  }
0x6d: {  	_ =	shalt  }
0x6e: {  	_ =	shalt  }
0x6f: {  	_ =	shalt  }
0x70: {  	_ =	shalt  }
0x71: {  	_ =	shalt  }
0x72: {  	_ =	shalt  }
0x73: {  	_ =	shalt  }
0x74: {  	_ =	shalt  }
0x75: {  	_ =	shalt  }
0x76: {  	_ =	shalt  }
0x77: {  	_ =	shalt  }
0x78: {  	_ =	shalt  }
0x79: {  	_ =	shalt  }
0x7a: {  	_ =	shalt  }
0x7b: {  	_ =	shalt  }
0x7c: {  	_ =	shalt  }
0x7d: {  	_ =	shalt  }
0x7e: {  	_ =	shalt  }
0x7f: {  	_ =	shalt  }
0x80: {  	_ =	shalt  }
0x81: {  	_ =	shalt  }
0x82: {  	_ =	shalt  }
0x83: {  	_ =	shalt  }
0x84: {  	_ =	shalt  }
0x85: {  	_ =	shalt  }
0x86: {  	_ =	shalt  }
0x87: {  	_ =	shalt  }
.Lfunc_end0:
.L_simem_size_0:
called_computation.3_lowered:
.L_overlay_start_0:
0x88: {  	s2 =	sld [smem:$0x3FD9]  }
0x89: {  	s3 =	sld [smem:$0x3FFE];
	_ =	sdelay $0x1  }
0x8a: {  	s1 =	srdreg.scid  }
0x8b: {  	s0 =	sand.u32 $0x1, s1  }
0x8c: {  	s14 =	sshll.u32 s0, $0xA;
	s2 =	sadd.s32 s3, s2  }
0x8d: {  	s2 =	sadd.s32 s2, s14  }
0x8e: {  	[smem:$0x3FC7] =	sst s2  }
0x8f: {  	_ = 	snop  }
0x90: {  	s2 =	sld [smem:$0x3FD0];
	_ =	sdelay $0x2  }
0x91: {  	s15 =	simm.s32 $0xB;
	s4 =	simm.s32 $0x10  }
0x92: {  	[smem:s4], [sflag:s15] =	dma.local [hbm:s2], $0x1  }
0x93: {  	_ =	swait.eq [sflag:s15], $0x1  }
0x94: {  	[sflag:s15] =	ssyncset.done $0x0  }
0x95: {  	[sflag:s15] =	ssyncadd.s32 $0xFFFFFFFF  }
0x96: {  	s16 =	sld [smem:$0x11];
	(tm) =	ssettm $0x1  }
0x97: {  	s17 =	sld [smem:$0x3FFB];
	_ =	sdelay $0x3  }
0x98: {  	_ =	strace s17  }
0x99: {  	s3 =	sld [smem:$0x3FFC];
	_ =	sdelay $0x3  }
0x9a: {  	_ =	strace s3  }
0x9b: {  	s3 =	sld [smem:$0x3FFD];
	_ =	sdelay $0x3  }
0x9c: {  	_ =	strace s3  }
0x9d: {  	_ =	strace $0x8FFFFFFF  }
0x9e: {  	s18 =	sld [smem:$0x3FDB];
	_ =	sdelay $0x1  }
0x9f: {  	s19 =	simm.s32 $_scs_section_size  }
0xa0: {  	s5 =	simm.s32 $_size__tile_overlayer_lowered;
	s6 =	simm.s32 $_tile_overlayer_lowered  }
0xa1: {  	s22 =	simm.s32 $0x1BFF;
	s21 =	sshll.u32 s6, $0x1;
	s3 =	sadd.s32 s19, s18  }
0xa2: {  	s7 =	simm.s32 $0x0;
	s20 =	sshll.u32 s5, $0x1;
	s5 =	sadd.s32 s21, s3  }
0xa3: {  	[timem:s7], [sflag:s22] =	dma.local [hbm:s5], s20  }
0xa4: {  	_ =	swait.ge [sflag:s22], s20  }
0xa5: {  	s4 =	ssub.s32 $0x0, s20;
	[sflag:s22] =	ssyncset.done $0x0  }
0xa6: {  	[sflag:s22] =	ssyncadd.s32 s4;
	_ =	sdelay $0x1  }
0xa7: {  	s23 =	simm.s32 $0x1B8B  }
0xa8: {  	_ =	swait.ge [sflag:s23], $0x1  }
0xa9: {  	[sflag:s23] =	ssyncset.done $0x0  }
0xaa: {  	s25 =	simm.s32 $0x1B8E;
	s24 =	sld [smem:$0x3FFE];
	[sflag:s23] =	ssyncadd.s32 $0xFFFFFFFF  }
0xab: {  	s26 =	simm.s32 $execute0_lowered;
	[smem:$0x3FD2] =	sst s25  }
0xac: {  	s5 =	sshll.u32 s26, $0x1;
	_ =	strace $0x80000049;
	[dreg:$0x1] =	wrdreg $0xFFFFFFFF  }
0xad: {  	s28 =	simm.s32 $_size_execute0_lowered;
	s3 =	sadd.s32 s3, s5;
	[dreg:$0x0] =	wrdreg $0x0  }
0xae: {  	s5 =	sshll.u32 s28, $0x1;
	[dreg:$0x2] =	wrdreg s3  }
0xaf: {  	[dreg:$0x3] =	wrdreg s5  }
0xb0: {  	[dreg:$0x4] =	wrdreg $0xC0  }
0xb1: {  	_ =	task [dreg:s7], $0x5FFFF  }
0xb2: {  	[dreg:$0x1] =	wrdreg $0xFFFFFFFF  }
0xb3: {  	[dreg:$0x0] =	wrdreg $0x60  }
0xb4: {  	[dreg:$0x2] =	wrdreg s24  }
0xb5: {  	[dreg:$0x3] =	wrdreg s16  }
0xb6: {  	[dreg:$0x4] =	wrdreg $0x9  }
0xb7: {  	_ =	task.clear_ibuf [dreg:s7], $0x5FFFF;
	_ =	strace $0x90000049  }
0xb8: {  	s29 =	simm.s32 $0x9;
	_ =	strace $0x8000004B  }
0xb9: {  	_ =	swait.ge [sflag:s29], $0x1  }
0xba: {  	[sflag:s29] =	ssyncadd.s32 $0xFFFFFFFF  }
0xbb: {  	_ =	strace $0x9000004B  }
0xbc: {  	_ =	sfence  }
0xbd: {  	s30 =	sld [smem:$0x0];
	_ =	sdelay $0x2  }
0xbe: {  	s31 =	sshll.u32 s1, $0xD;
	s1 =	sshrl.u32 s1, $0x2  }
0xbf: {  	s3 =	sand.u32 $0x4000, s31;
	s1 =	sadd.s32 s1, s30  }
0xc0: {  	s0 =	sor.u32 s3, s0;
	s1 =	sshll.u32 s1, $0x11  }
0xc1: {  	s0 =	sor.u32 s1, s0  }
0xc2: {  	s0 =	sadd.s32 $0x8F2B, s0  }
0xc3: {  	[sflag:s0] =	ssyncadd.remote.s32 $0x1  }
0xc4: {  	_ =	sfence.sel $0xFFFF  }
0xc5: {  	[dreg:$0x0] =	wrdreg $0xFFFFFFFF;
	(pc) =	sbr.abs _section_cstart, $3  }
0xc6: {  	[dreg:$0x1] =	wrdreg $0xFFFFFFFF  }
0xc7: {  	_ =	task.clear_ibuf [dreg:s7], $0x2FFFF;
	_ =	strace $0x9FFFFFFF  }
0xc8: {  	(tm) =	ssettm $0x7FFFFFFF  }
0xc9: {  	_ =	shalt  }
tec
execute0_lowered:
.L_overlay_start_1:
0x0: {  	(tag) =	ssettag $0x1  }
0x1: {  	s2 =	rddreg [dreg:$0x0];
	s1 =	srdreg.scid  }
0x2: {  	s0 =	stileid.u32;
	s6 =	rddreg [dreg:$0x1];
	s3 =	simm.s32 $0x0  }
0x3: {  	s12 =	simm.s32 $0x3;
	s13 =	simm.s32 $0x1;
	s14 =	simm.s32 $0x4000  }
0x4: {  	s15 =	simm.s32 $0xA000;
	s16 =	simm.s32 $0xA100;
	s17 =	simm.s32 $0x2  }
0x5: {  	s4 =	sand.u32 $0x1, s1;
	s5 =	sshll.u32 s0, $0x1;
	s1 =	rddreg [dreg:$0x2]  }
0x6: {  	s18 =	simm.s32 $0x0;
	[smem:$0x7FF] =	sst s3;
	s5 =	sor.u32 s4, s5  }
0x7: {  	_ =	strace $0x8000004A;
	s8 =	ssub.s32 $0x2, s4;
	s4 =	sadd.s32 $0x40000, s2  }
0x8: {  	v0 =	vlaneseq.u32;
	s7 =	sshll.u32 s5, $0x14;
	s9 =	sshrl.u32 s8, $0x1;
	s10 =	sshll.u32 s5, $0xA  }
0x9: {  	v2 =	vmul.u32 $0xFFFFFFFF, v0;
	s5 =	sshll.u32 s5, $0x9;
	s7 =	sadd.s32 s7, s2;
	s11 =	ssub.s32 s8, s9  }
0xa: {  	s6 =	sadd.s32 s6, s10;
	s8 =	sadd.s32 $0x2040800, s2;
	s9 =	sadd.s32 $0x2041000, s2  }
0xb: {  	v1 =	vimm.s32 $0x0;
	v0 =	vimm.f32 $+Inf;
	v2 =	vadd.s32 $0xF, v2;
	s7 =	sadd.s32 $0x2040000, s7;
	s10 =	smax.u32 s11, $0x1;
	s11 =	simm.s32 $0x8000  }
.LBB2_1:
0xc: {  	[tilespmem:s11], [sflag:$0x3] =	stream.linear.gather [hbm4b:s6+s3], $0x2000, $0x38;
	[tilespmem:$0xA280] =	vst v63  }
0xd: {  	_ =	swait.ge [sflag:s12], $0x2000  }
0xe: {  	[sflag:s12] =	ssyncset.done $0x0  }
0xf: {  	s19 =	simm.s32 $0x0;
	[sflag:s12] =	ssyncadd.s32 $0xFFFFE000  }
0x10: {  	[tilespmem:s3], [sflag:$0x1] =	stream.linear.gather [hbm4b:s7+s3], $0x4000, $0x38;
	[tilespmem:$0xA280] =	vst v63  }
.LBB2_2:
0x11: {  	s20 =	sshll.u32 s19, $0x1  }
0x12: {  	_ =	swait.ge [sflag:s13], $0x4000;
	s21 =	sor.u32 s5, s20  }
0x13: {  	s23 =	simm.s32 $0x0;
	[sflag:s13] =	ssyncset.done $0x0;
	s22 =	sshll.u32 s21, $0xB  }
0x14: {  	s29 =	sshll.u32 s19, $0x5;
	[sflag:s13] =	ssyncadd.s32 $0xFFFFC000;
	s22 =	sadd.s32 s22, s8  }
0x15: {  	[tilespmem:s14], [sflag:$0x2] =	stream.linear.gather [hbm4b:s22+s23], $0x4000, $0x38;
	[tilespmem:$0xA280] =	vst v63  }
0x16: {  	s22 =	sand.u32 $0x3FFFFFE0, s29  }
0x17: {  	v5 =	vimm.s32 $0x0;
	v4 =	vld [tilespmem:s22+$0x8000];
	[tilespmem:$0xA000] =	vst v0  }
0x18: {  	[tilespmem:$0xA100] =	vst v5  }
0x19: {  	[tilespmem:$0xA010] =	vst v0  }
0x1a: {  	[tilespmem:$0xA110] =	vst v5  }
0x1b: {  	[tilespmem:$0xA020] =	vst v0  }
0x1c: {  	[tilespmem:$0xA120] =	vst v5  }
0x1d: {  	[tilespmem:$0xA030] =	vst v0  }
0x1e: {  	[tilespmem:$0xA130] =	vst v5  }
0x1f: {  	[tilespmem:$0xA040] =	vst v0  }
0x20: {  	[tilespmem:$0xA140] =	vst v5  }
0x21: {  	[tilespmem:$0xA050] =	vst v0  }
0x22: {  	[tilespmem:$0xA150] =	vst v5  }
0x23: {  	[tilespmem:$0xA060] =	vst v0  }
0x24: {  	[tilespmem:$0xA160] =	vst v5  }
0x25: {  	[tilespmem:$0xA070] =	vst v0  }
0x26: {  	[tilespmem:$0xA170] =	vst v5  }
0x27: {  	[tilespmem:$0xA080] =	vst v0  }
0x28: {  	[tilespmem:$0xA180] =	vst v5  }
0x29: {  	[tilespmem:$0xA090] =	vst v0  }
0x2a: {  	[tilespmem:$0xA190] =	vst v5  }
0x2b: {  	[tilespmem:$0xA200] =	vst v5;
	s22 =	simm.s32 $0x20  }
0x2c: {  	v3 =	vld [tilespmem:s22+$0xFFFFFFE0]  }
0x2d: {  	v6 =	vld [tilespmem:s22+$0xFFFFFFF0]  }
0x2e: {  	v7 =	vld [tilespmem:s22+$0x0]  }
0x2f: {  	v8 =	vld [tilespmem:s22+$0x10];
	_ =	sdelay $0x1  }
0x30: {  	vm0 =	vle.f32 v3, v4  }
0x31: {  	vm13 =	vle.f32 v6, v4;
	v9 =	vsel vm0, $0x1, v1  }
0x32: {  	vm14 =	vle.f32 v7, v4;
	v10 =	vsel vm13, $0x1, v1;
	(xrf0) =	vadd.scan.msk.s32 $0xffff, v9  }
0x33: {  	vm15 =	vle.f32 v8, v4;
	v62 =	vsel vm14, $0x1, v1;
	(xrf0) =	vadd.scan.msk.s32 $0xffff, v10  }
0x34: {  	v63 =	vsel vm15, $0x1, v1;
	(xrf0) =	vadd.scan.msk.s32 $0xffff, v62  }
0x35: {  	(xrf0) =	vadd.scan.msk.s32 $0xffff, v63;
	_ =	sdelay $0x2  }
0x36: {  	v9, _, _ =	vpop (xrf0)  }
0x37: {  	(v2sf) =	vpush v9, $0xF;
	v10, _, _ =	vpop (xrf0)  }
0x38: {  	(v2sf) =	vpush v10, $0xF;
	v11, _, _ =	vpop (xrf0)  }
0x39: {  	(v2sf) =	vpush v11, $0xF;
	v12, _, _ =	vpop (xrf0)  }
0x3a: {  	(v2sf) =	vpush v12, $0xF;
	_ =	sdelay $0xb  }
0x3b: {  	s24 =	spop (v2sf)  }
0x3c: {  	s25 =	spop (v2sf)  }
0x3d: {  	s24 =	sadd.s32 s24, s25;
	s30 =	spop (v2sf)  }
0x3e: {  	s24 =	sadd.s32 s30, s24;
	s31 =	spop (v2sf)  }
0x3f: {  	s24 =	sadd.s32 s31, s24  }
0x40: {  	p0 =	slt.s32 s24, $0x1  }
0x41: {  	vm0 =	vle.f32 @!p0 v3, v4  }
0x42: {  	v13 =	vmpcnt.ones.xlane @!p0 vm0  }
0x43: {  	v9 =	vadd.s32 @!p0 v5, v9;
	vm1 =	vle.f32 @!p0 v6, v4  }
0x44: {  	v9 =	vadd.s32 @!p0 $0xFFFFFFFF, v9;
	v14 =	vmpcnt.ones.xlane @!p0 vm1;
	v13 =	vadd.s32 @!p0 v5, v13  }
0x45: {  	vm2 =	vle.f32 @!p0 v7, v4;
	v10 =	vadd.s32 @!p0 v13, v10  }
0x46: {  	v15 =	vmpcnt.ones.xlane @!p0 vm2;
	v13 =	vadd.s32 @!p0 v13, v14;
	v10 =	vadd.s32 @!p0 $0xFFFFFFFF, v10  }
0x47: {  	v11 =	vadd.s32 @!p0 v13, v11  }
0x48: {  	s24 =	simm.s32 @!p0 $0xA000;
	v14 =	vlaneseq.u32 @!p0;
	v13 =	vadd.s32 @!p0 v13, v15;
	v11 =	vadd.s32 @!p0 $0xFFFFFFFF, v11  }
0x49: {  	vm3 =	vle.f32 @!p0 v8, v4;
	s25 =	simm.s32 @!p0 $0xA100;
	v15 =	vor.u32 @!p0 s23, v14;
	v12 =	vadd.s32 @!p0 v13, v12;
	[tilespmem:v9+s24+$0x0] =	vst.idx.msk @!p0 vm0, v3  }
0x4a: {  	s23 =	simm.s32 $0x10;
	[tilespmem:v9+s25+$0x0] =	vst.idx.msk @!p0 vm0, v15;
	v9 =	vadd.s32 @!p0 $0xFFFFFFFF, v12  }
0x4b: {  	v3 =	vor.u32 @!p0 s23, v14;
	[tilespmem:v10+s24+$0x0] =	vst.idx.msk @!p0 vm1, v6  }
0x4c: {  	s23 =	simm.s32 $0x20;
	[tilespmem:v10+s25+$0x0] =	vst.idx.msk @!p0 vm1, v3  }
0x4d: {  	v6 =	vmpcnt.ones.xlane @!p0 vm3;
	v3 =	vor.u32 @!p0 s23, v14;
	[tilespmem:v11+s24+$0x0] =	vst.idx.msk @!p0 vm2, v7  }
0x4e: {  	s23 =	simm.s32 $0x30;
	[tilespmem:v11+s25+$0x0] =	vst.idx.msk @!p0 vm2, v3  }
0x4f: {  	v7 =	vor.u32 @!p0 s23, v14;
	v3 =	vadd.s32 @!p0 v13, v6;
	[tilespmem:v9+s24+$0x0] =	vst.idx.msk @!p0 vm3, v8  }
0x50: {  	s23 =	simm.s32 $0x40;
	v5 =	vpsel p0, v5, v3;
	[tilespmem:v9+s25+$0x0] =	vst.idx.msk @!p0 vm3, v7  }
.LBB2_3:
0x51: {  	[tilespmem:$0xA200] =	vst @!p0 v3;
	s22 =	sadd.s32 $0x40, s22;
	s24 =	smov.u32 s23;
	s23 =	sadd.s32 $0x40, s23  }
0x52: {  	v3 =	vld [tilespmem:s22+$0xFFFFFFE0];
	p1 =	sne.s32 s23, $0x4000  }
0x53: {  	v6 =	vld [tilespmem:s22+$0xFFFFFFF0]  }
0x54: {  	v7 =	vld [tilespmem:s22+$0x0]  }
0x55: {  	v8 =	vld [tilespmem:s22+$0x10];
	_ =	sdelay $0x1  }
0x56: {  	vm0 =	vle.f32 v3, v4  }
0x57: {  	v9 =	vsel vm0, $0x1, v1;
	vm0 =	vle.f32 v6, v4  }
0x58: {  	v10 =	vsel vm0, $0x1, v1;
	vm0 =	vle.f32 v7, v4;
	(xrf0) =	vadd.scan.msk.s32 $0xffff, v9  }
0x59: {  	v9 =	vsel vm0, $0x1, v1;
	vm0 =	vle.f32 v8, v4;
	(xrf0) =	vadd.scan.msk.s32 $0xffff, v10  }
0x5a: {  	v10 =	vsel vm0, $0x1, v1;
	(xrf0) =	vadd.scan.msk.s32 $0xffff, v9  }
0x5b: {  	(xrf0) =	vadd.scan.msk.s32 $0xffff, v10;
	_ =	sdelay $0x2  }
0x5c: {  	v9, _, _ =	vpop (xrf0)  }
0x5d: {  	(v2sf) =	vpush v9, $0xF;
	v10, _, _ =	vpop (xrf0)  }
0x5e: {  	(v2sf) =	vpush v10, $0xF;
	v11, _, _ =	vpop (xrf0)  }
0x5f: {  	(v2sf) =	vpush v11, $0xF;
	v12, _, _ =	vpop (xrf0)  }
0x60: {  	(v2sf) =	vpush v12, $0xF;
	_ =	sdelay $0xb  }
0x61: {  	s25 =	spop (v2sf)  }
0x62: {  	s26 =	spop (v2sf)  }
0x63: {  	s25 =	sadd.s32 s25, s26;
	s26 =	spop (v2sf)  }
0x64: {  	s25 =	sadd.s32 s26, s25;
	s26 =	spop (v2sf)  }
0x65: {  	s25 =	sadd.s32 s26, s25  }
0x66: {  	p0 =	slt.s32 s25, $0x1  }
0x67: {  	vm2 =	vle.f32 @!p0 v3, v4;
	v9 =	vadd.s32 @!p0 v5, v9;
	v13 =	vlaneseq.u32 @!p0  }
0x68: {  	vm1 =	vle.f32 @!p0 v6, v4;
	v9 =	vadd.s32 @!p0 $0xFFFFFFFF, v9;
	v14 =	vmpcnt.ones.xlane @!p0 vm2  }
0x69: {  	s25 =	sadd.s32 $0x10, s24;
	vm0 =	vle.f32 @!p0 v7, v4;
	v15 =	vor.u32 @!p0 s24, v13;
	v16 =	vmpcnt.ones.xlane @!p0 vm1  }
0x6a: {  	s26 =	sadd.s32 $0x20, s24;
	v17 =	vor.u32 @!p0 s25, v13;
	v18 =	vmpcnt.ones.xlane @!p0 vm0;
	v14 =	vadd.s32 @!p0 v5, v14  }
0x6b: {  	v10 =	vadd.s32 @!p0 v14, v10;
	v14 =	vadd.s32 @!p0 v14, v16;
	v16 =	vor.u32 @!p0 s26, v13  }
0x6c: {  	s24 =	sadd.s32 $0x30, s24;
	v10 =	vadd.s32 @!p0 $0xFFFFFFFF, v10;
	v11 =	vadd.s32 @!p0 v14, v11;
	v14 =	vadd.s32 @!p0 v14, v18  }
0x6d: {  	v13 =	vor.u32 @!p0 s24, v13;
	v12 =	vadd.s32 @!p0 v14, v12  }
0x6e: {  	s24 =	simm.s32 @!p0 $0xA000;
	v11 =	vadd.s32 @!p0 $0xFFFFFFFF, v11  }
0x6f: {  	vm3 =	vle.f32 @!p0 v8, v4;
	s25 =	simm.s32 @!p0 $0xA100;
	[tilespmem:v9+s24+$0x0] =	vst.idx.msk @!p0 vm2, v3  }
0x70: {  	v3 =	vmpcnt.ones.xlane @!p0 vm3;
	[tilespmem:v9+s25+$0x0] =	vst.idx.msk @!p0 vm2, v15;
	v9 =	vadd.s32 @!p0 $0xFFFFFFFF, v12  }
0x71: {  	[tilespmem:v10+s24+$0x0] =	vst.idx.msk @!p0 vm1, v6  }
.Ltmp0:
0x72: {  	v3 =	vadd.s32 @!p0 v14, v3;
	[tilespmem:v10+s25+$0x0] =	vst.idx.msk @!p0 vm1, v17;
	(pc) =	sbr.rel @p1 .LBB2_3-.Ltmp0, $4  }
0x73: {  	v5 =	vpsel p0, v5, v3;
	[tilespmem:v11+s24+$0x0] =	vst.idx.msk @!p0 vm0, v7  }
0x74: {  	[tilespmem:v11+s25+$0x0] =	vst.idx.msk @!p0 vm0, v16  }
0x75: {  	[tilespmem:v9+s24+$0x0] =	vst.idx.msk @!p0 vm3, v8  }
0x76: {  	[tilespmem:v9+s25+$0x0] =	vst.idx.msk @!p0 vm3, v13  }
0x77: {  	v4 =	vld [tilespmem:$0xA000]  }
0x78: {  	v5 =	vld [tilespmem:$0xA100]  }
0x79: {  	v6 =	vld [tilespmem:$0xA010]  }
0x7a: {  	v7 =	vld [tilespmem:$0xA110]  }
0x7b: {  	v8 =	vld [tilespmem:$0xA020]  }
0x7c: {  	v9 =	vld [tilespmem:$0xA120]  }
0x7d: {  	v10 =	vld [tilespmem:$0xA030]  }
0x7e: {  	v11 =	vld [tilespmem:$0xA130]  }
0x7f: {  	(xrf1) =	vsort.ascd.msk.f32 $0xffff, v4, v5  }
0x80: {  	(xrf1) =	vsort.ascd.msk.f32 $0xffff, v6, v7;
	_ =	sdelay $0x1  }
0x81: {  	v32 =	vld [tilespmem:$0xA060];
	(xrf1) =	vsort.ascd.msk.f32 $0xffff, v8, v9  }
0x82: {  	v4 =	vld [tilespmem:$0xA040];
	(xrf1) =	vsort.ascd.msk.f32 $0xffff, v10, v11  }
0x83: {  	v5 =	vld [tilespmem:$0xA140]  }
0x84: {  	v6 =	vld [tilespmem:$0xA050]  }
0x85: {  	v7 =	vld [tilespmem:$0xA150]  }
0x86: {  	v33 =	vld [tilespmem:$0xA160]  }
0x87: {  	v34 =	vld [tilespmem:$0xA070]  }
0x88: {  	v35 =	vld [tilespmem:$0xA170]  }
0x89: {  	(xrf1) =	vsort.ascd.msk.f32 $0xffff, v4, v5  }
0x8a: {  	(xrf1) =	vsort.ascd.msk.f32 $0xffff, v6, v7;
	_ =	sdelay $0x1  }
0x8b: {  	(xrf1) =	vsort.ascd.msk.f32 $0xffff, v32, v33;
	v4, v5, _ =	vpop (xrf1)  }
0x8c: {  	(xrf1) =	vsort.ascd.msk.f32 $0xffff, v34, v35;
	v6, v7, _ =	vpop (xrf1)  }
0x8d: {  	v6 =	vperm.xlane v6, v2  }
0x8e: {  	v8, v9, _ =	vpop (xrf1)  }
0x8f: {  	v7 =	vperm.xlane v7, v2;
	v10, v11, _ =	vpop (xrf1);
	vm0 =	vle.f32 v4, v6  }
0x90: {  	v10 =	vperm.xlane v10, v2;
	v12 =	vsel vm0, v4, v6  }
0x91: {  	v13 =	vsel vm0, v5, v7;
	v4 =	vsel vm0, v6, v4;
	v6 =	vperm.xlane v11, v2  }
0x92: {  	v5 =	vsel vm0, v7, v5;
	(xrf1) =	vsort.ascd.msk.f32 $0xffff, v12, v13;
	vm14 =	vle.f32 v8, v10  }
0x93: {  	(xrf1) =	vsort.ascd.msk.f32 $0xffff, v4, v5;
	v5 =	vsel vm14, v9, v6  }
0x94: {  	v4 =	vsel vm14, v8, v10  }
0x95: {  	v8 =	vsel vm14, v10, v8  }
0x96: {  	v7, v36, _ =	vpop (xrf1);
	v6 =	vsel vm14, v6, v9;
	(xrf1) =	vsort.ascd.msk.f32 $0xffff, v4, v5  }
0x97: {  	(xrf1) =	vsort.ascd.msk.f32 $0xffff, v8, v6;
	v4, v5, _ =	vpop (xrf1)  }
0x98: {  	v4 =	vperm.xlane v4, v2  }
0x99: {  	v6, v8, _ =	vpop (xrf1)  }
0x9a: {  	v5 =	vperm.xlane v5, v2;
	v38, v37, _ =	vpop (xrf1);
	vm15 =	vle.f32 v7, v4  }
0x9b: {  	v9 =	vperm.xlane v38, v2;
	v39 =	vsel vm15, v7, v4  }
0x9c: {  	v40 =	vsel vm15, v36, v5;
	v4 =	vsel vm15, v4, v7;
	v7 =	vperm.xlane v37, v2  }
0x9d: {  	v5 =	vsel vm15, v5, v36;
	(xrf1) =	vsort.ascd.msk.f32 $0xffff, v39, v40;
	vm4 =	vle.f32 v6, v9  }
0x9e: {  	(xrf1) =	vsort.ascd.msk.f32 $0xffff, v4, v5;
	v4 =	vsel vm4, v6, v9;
	v5 =	vsel vm4, v8, v7  }
0x9f: {  	v6 =	vsel vm4, v9, v6;
	v7 =	vsel vm4, v7, v8;
	(xrf1) =	vsort.ascd.msk.f32 $0xffff, v4, v5  }
0xa0: {  	(xrf1) =	vsort.ascd.msk.f32 $0xffff, v6, v7;
	_ =	sdelay $0x1  }
0xa1: {  	v4, v5, _ =	vpop (xrf1)  }
0xa2: {  	v6, v7, _ =	vpop (xrf1)  }
0xa3: {  	v42, v41, _ =	vpop (xrf1)  }
0xa4: {  	v43, v44, _ =	vpop (xrf1);
	v8 =	vperm.xlane v42, v2  }
0xa5: {  	v9 =	vperm.xlane v41, v2;
	v10 =	vperm.xlane v43, v2  }
0xa6: {  	v11 =	vperm.xlane v44, v2;
	vm1 =	vle.f32 v6, v8  }
0xa7: {  	vm5 =	vle.f32 v4, v10;
	v47 =	vsel vm1, v6, v8;
	v48 =	vsel vm1, v7, v9  }
0xa8: {  	v6 =	vsel vm1, v8, v6;
	v7 =	vsel vm1, v9, v7;
	v45 =	vsel vm5, v4, v10  }
0xa9: {  	v46 =	vsel vm5, v5, v11;
	v4 =	vsel vm5, v10, v4;
	vm6 =	vle.f32 v45, v47  }
0xaa: {  	v5 =	vsel vm5, v11, v5;
	vm7 =	vle.f32 v4, v6;
	v14, v15, _ =	vpop (xrf1);
	v49 =	vsel vm6, v45, v47  }
0xab: {  	v18 =	vsel vm6, v46, v48;
	v10 =	vsel vm6, v47, v45;
	v11 =	vsel vm6, v48, v46;
	v16, v17, _ =	vpop (xrf1)  }
0xac: {  	v52 =	vsel vm7, v4, v6;
	v53 =	vsel vm7, v5, v7;
	(xrf1) =	vsort.ascd.msk.f32 $0xffff, v49, v18;
	v19, v20, _ =	vpop (xrf1)  }
0xad: {  	v4 =	vsel vm7, v6, v4;
	v5 =	vsel vm7, v7, v5;
	(xrf1) =	vsort.ascd.msk.f32 $0xffff, v10, v11;
	v51, v50, _ =	vpop (xrf1)  }
0xae: {  	(xrf1) =	vsort.ascd.msk.f32 $0xffff, v52, v53;
	v7 =	vperm.xlane v19, v2;
	v8 =	vperm.xlane v51, v2  }
0xaf: {  	(xrf1) =	vsort.ascd.msk.f32 $0xffff, v4, v5;
	v5 =	vperm.xlane v20, v2  }
0xb0: {  	v6 =	vperm.xlane v50, v2;
	vm9 =	vle.f32 v16, v7;
	vm8 =	vle.f32 v14, v8  }
0xb1: {  	v55 =	vsel vm9, v16, v7;
	v56 =	vsel vm9, v17, v5;
	v7 =	vsel vm9, v7, v16  }
0xb2: {  	v5 =	vsel vm9, v5, v17;
	v4 =	vsel vm8, v14, v8;
	v54 =	vsel vm8, v15, v6  }
0xb3: {  	v8 =	vsel vm8, v8, v14;
	v6 =	vsel vm8, v6, v15;
	vm10 =	vle.f32 v4, v55  }
0xb4: {  	vm11 =	vle.f32 v8, v7;
	v57 =	vsel vm10, v4, v55;
	v58 =	vsel vm10, v54, v56  }
0xb5: {  	v4 =	vsel vm10, v55, v4;
	v9 =	vsel vm10, v56, v54;
	(xrf1) =	vsort.ascd.msk.f32 $0xffff, v57, v58  }
0xb6: {  	v59 =	vsel vm11, v6, v5;
	(xrf1) =	vsort.ascd.msk.f32 $0xffff, v4, v9;
	v4 =	vsel vm11, v8, v7  }
0xb7: {  	v5 =	vsel vm11, v5, v6;
	v7 =	vsel vm11, v7, v8;
	(xrf1) =	vsort.ascd.msk.f32 $0xffff, v4, v59  }
0xb8: {  	(xrf1) =	vsort.ascd.msk.f32 $0xffff, v7, v5;
	_ =	sdelay $0x6  }
0xb9: {  	v4, v5, _ =	vpop (xrf1)  }
0xba: {  	v6, v7, _ =	vpop (xrf1)  }
0xbb: {  	v60, v61, _ =	vpop (xrf1)  }
0xbc: {  	v62, v63, _ =	vpop (xrf1)  }
0xbd: {  	v12, v13, _ =	vpop (xrf1)  }
0xbe: {  	v30, v31, _ =	vpop (xrf1);
	v12 =	vperm.xlane v12, v2  }
0xbf: {  	v13 =	vperm.xlane v13, v2;
	v32, v33, _ =	vpop (xrf1);
	v14 =	vperm.xlane v30, v2  }
0xc0: {  	v15 =	vperm.xlane v31, v2;
	v34, v35, _ =	vpop (xrf1);
	v16 =	vperm.xlane v32, v2  }
0xc1: {  	v17 =	vperm.xlane v33, v2;
	vm15 =	vle.f32 v62, v12;
	v18 =	vperm.xlane v34, v2  }
0xc2: {  	v19 =	vperm.xlane v35, v2;
	vm14 =	vle.f32 v60, v14;
	v22 =	vsel vm15, v62, v12  }
0xc3: {  	v41 =	vsel vm15, v63, v13;
	v10 =	vsel vm15, v12, v62;
	v11 =	vsel vm15, v13, v63  }
0xc4: {  	vm13 =	vle.f32 v6, v16;
	v39 =	vsel vm14, v60, v14;
	v40 =	vsel vm14, v61, v15  }
0xc5: {  	v8 =	vsel vm14, v14, v60;
	v9 =	vsel vm14, v15, v61;
	vm12 =	vle.f32 v4, v18  }
0xc6: {  	v37 =	vsel vm13, v6, v16;
	v38 =	vsel vm13, v7, v17;
	v6 =	vsel vm13, v16, v6  }
0xc7: {  	v7 =	vsel vm13, v17, v7;
	v36 =	vsel vm12, v4, v18;
	v21 =	vsel vm12, v5, v19  }
0xc8: {  	v4 =	vsel vm12, v18, v4;
	vm3 =	vle.f32 v37, v22;
	vm2 =	vle.f32 v36, v39  }
0xc9: {  	v5 =	vsel vm12, v19, v5;
	v24 =	vsel vm3, v37, v22;
	v23 =	vsel vm2, v36, v39  }
0xca: {  	v26 =	vsel vm3, v38, v41;
	v25 =	vsel vm2, v21, v40;
	vm4 =	vle.f32 v23, v24  }
0xcb: {  	vm9 =	vle.f32 v6, v10;
	v42 =	vsel vm4, v23, v24;
	v27 =	vsel vm4, v25, v26  }
0xcc: {  	v45 =	vsel vm3, v22, v37;
	v14 =	vsel vm3, v41, v38;
	(xrf1) =	vsort.ascd.msk.f32 $0xffff, v42, v27  }
0xcd: {  	v43 =	vsel vm2, v39, v36;
	v46 =	vsel vm4, v24, v23;
	v47 =	vsel vm4, v26, v25  }
0xce: {  	v44 =	vsel vm2, v40, v21;
	vm7 =	vle.f32 v43, v45;
	(xrf1) =	vsort.ascd.msk.f32 $0xffff, v46, v47  }
0xcf: {  	vm8 =	vle.f32 v4, v8;
	v48 =	vsel vm7, v43, v45;
	v49 =	vsel vm7, v44, v14  }
0xd0: {  	v51 =	vsel vm9, v6, v10;
	v53 =	vsel vm9, v7, v11;
	(xrf1) =	vsort.ascd.msk.f32 $0xffff, v48, v49  }
0xd1: {  	v50 =	vsel vm8, v4, v8;
	v12 =	vsel vm7, v45, v43;
	v13 =	vsel vm7, v14, v44  }
0xd2: {  	v52 =	vsel vm8, v5, v9;
	vm10 =	vle.f32 v50, v51;
	(xrf1) =	vsort.ascd.msk.f32 $0xffff, v12, v13  }
0xd3: {  	v54 =	vsel vm10, v50, v51;
	v55 =	vsel vm10, v52, v53  }
0xd4: {  	v6 =	vsel vm9, v10, v6;
	v7 =	vsel vm9, v11, v7;
	(xrf1) =	vsort.ascd.msk.f32 $0xffff, v54, v55  }
0xd5: {  	v4 =	vsel vm8, v8, v4;
	v56 =	vsel vm10, v51, v50;
	v57 =	vsel vm10, v53, v52  }
0xd6: {  	v5 =	vsel vm8, v9, v5;
	vm11 =	vle.f32 v4, v6;
	(xrf1) =	vsort.ascd.msk.f32 $0xffff, v56, v57  }
0xd7: {  	v58 =	vsel vm11, v4, v6;
	v59 =	vsel vm11, v5, v7  }
0xd8: {  	v4 =	vsel vm11, v6, v4;
	(xrf1) =	vsort.ascd.msk.f32 $0xffff, v58, v59  }
0xd9: {  	v5 =	vsel vm11, v7, v5  }
0xda: {  	[tilespmem:$0xA200] =	vst @!p0 v3;
	v3, v6, _ =	vpop (xrf1);
	(xrf1) =	vsort.ascd.msk.f32 $0xffff, v4, v5  }
0xdb: {  	[tilespmem:$0xA000] =	vst v3  }
0xdc: {  	v3, v4, _ =	vpop (xrf1);
	[tilespmem:$0xA100] =	vst v6  }
0xdd: {  	[tilespmem:$0xA010] =	vst v3  }
0xde: {  	v3, v5, _ =	vpop (xrf1);
	[tilespmem:$0xA110] =	vst v4  }
0xdf: {  	[tilespmem:$0xA020] =	vst v3  }
0xe0: {  	v3, v4, _ =	vpop (xrf1);
	[tilespmem:$0xA120] =	vst v5  }
0xe1: {  	[tilespmem:$0xA030] =	vst v3  }
0xe2: {  	v3, v5, _ =	vpop (xrf1);
	[tilespmem:$0xA130] =	vst v4  }
0xe3: {  	[tilespmem:$0xA040] =	vst v3  }
0xe4: {  	v3, v4, _ =	vpop (xrf1);
	[tilespmem:$0xA140] =	vst v5  }
0xe5: {  	[tilespmem:$0xA050] =	vst v3  }
0xe6: {  	v3, v5, _ =	vpop (xrf1);
	[tilespmem:$0xA150] =	vst v4  }
0xe7: {  	[tilespmem:$0xA060] =	vst v3  }
0xe8: {  	[tilespmem:$0xA160] =	vst v5;
	v3, v4, _ =	vpop (xrf1)  }
0xe9: {  	s23 =	sshll.u32 s21, $0x4;
	[tilespmem:$0xA070] =	vst v3  }
0xea: {  	s22 =	simm.s32 $0x0;
	s24 =	sadd.s32 s4, s23;
	[tilespmem:$0xA170] =	vst v4  }
0xeb: {  	[hbm4b:s24+s22] =	stream.linear.scatter [tilespmem:s15], [sflag:$0x3], $0x80, $0x38;
	[tilespmem:$0xA280] =	vst v63  }
0xec: {  	_ =	swait.ge [sflag:s12], $0x80  }
0xed: {  	[sflag:s12] =	ssyncset.done $0x0  }
0xee: {  	s23 =	sadd.s32 s2, s23;
	[sflag:s12] =	ssyncadd.s32 $0xFFFFFF80  }
0xef: {  	[hbm4b:s23+s22] =	stream.linear.scatter [tilespmem:s16], [sflag:$0x3], $0x80, $0x38;
	[tilespmem:$0xA280] =	vst v63  }
0xf0: {  	_ =	swait.ge [sflag:s12], $0x80  }
0xf1: {  	[sflag:s12] =	ssyncset.done $0x0  }
0xf2: {  	[sflag:s12] =	ssyncadd.s32 $0xFFFFFF80  }
0xf3: {  	s25 =	smin.u32 s21, $0x3FFD;
	_ =	swait.ge [sflag:s17], $0x4000  }
0xf4: {  	s20 =	sor.u32 $0x1, s20;
	s21 =	sshll.u32 s25, $0xB;
	[sflag:s17] =	ssyncset.done $0x0  }
0xf5: {  	s26 =	sshll.u32 s20, $0x4;
	s21 =	sadd.s32 s21, s9;
	[sflag:s17] =	ssyncadd.s32 $0xFFFFC000  }
0xf6: {  	[tilespmem:s22], [sflag:$0x1] =	stream.linear.gather [hbm4b:s21+s22], $0x4000, $0x38;
	[tilespmem:$0xA280] =	vst v63  }
0xf7: {  	s21 =	sand.u32 $0x3FFFFFF0, s26  }
0xf8: {  	v5 =	vimm.s32 $0x0;
	v4 =	vld [tilespmem:s21+$0x8000];
	[tilespmem:$0xA000] =	vst v0  }
0xf9: {  	[tilespmem:$0xA100] =	vst v5  }
0xfa: {  	[tilespmem:$0xA010] =	vst v0  }
0xfb: {  	[tilespmem:$0xA110] =	vst v5  }
0xfc: {  	[tilespmem:$0xA020] =	vst v0  }
0xfd: {  	[tilespmem:$0xA120] =	vst v5  }
0xfe: {  	[tilespmem:$0xA030] =	vst v0  }
0xff: {  	[tilespmem:$0xA130] =	vst v5  }
0x100: {  	[tilespmem:$0xA040] =	vst v0  }
0x101: {  	[tilespmem:$0xA140] =	vst v5  }
0x102: {  	[tilespmem:$0xA050] =	vst v0  }
0x103: {  	[tilespmem:$0xA150] =	vst v5  }
0x104: {  	[tilespmem:$0xA060] =	vst v0  }
0x105: {  	[tilespmem:$0xA160] =	vst v5  }
0x106: {  	[tilespmem:$0xA070] =	vst v0  }
0x107: {  	[tilespmem:$0xA170] =	vst v5  }
0x108: {  	[tilespmem:$0xA080] =	vst v0  }
0x109: {  	[tilespmem:$0xA180] =	vst v5  }
0x10a: {  	[tilespmem:$0xA090] =	vst v0  }
0x10b: {  	[tilespmem:$0xA190] =	vst v5  }
0x10c: {  	[tilespmem:$0xA200] =	vst v5;
	s21 =	simm.s32 $0x4020  }
0x10d: {  	v3 =	vld [tilespmem:s21+$0xFFFFFFE0]  }
0x10e: {  	v6 =	vld [tilespmem:s21+$0xFFFFFFF0]  }
0x10f: {  	v7 =	vld [tilespmem:s21+$0x0]  }
0x110: {  	v8 =	vld [tilespmem:s21+$0x10];
	_ =	sdelay $0x1  }
0x111: {  	vm12 =	vle.f32 v3, v4  }
0x112: {  	vm13 =	vle.f32 v6, v4;
	v60 =	vsel vm12, $0x1, v1  }
0x113: {  	vm14 =	vle.f32 v7, v4;
	v61 =	vsel vm13, $0x1, v1;
	(xrf0) =	vadd.scan.msk.s32 $0xffff, v60  }
0x114: {  	vm15 =	vle.f32 v8, v4;
	v62 =	vsel vm14, $0x1, v1;
	(xrf0) =	vadd.scan.msk.s32 $0xffff, v61  }
0x115: {  	v63 =	vsel vm15, $0x1, v1;
	(xrf0) =	vadd.scan.msk.s32 $0xffff, v62  }
0x116: {  	(xrf0) =	vadd.scan.msk.s32 $0xffff, v63;
	_ =	sdelay $0x2  }
0x117: {  	v9, _, _ =	vpop (xrf0)  }
0x118: {  	(v2sf) =	vpush v9, $0xF;
	v10, _, _ =	vpop (xrf0)  }
0x119: {  	(v2sf) =	vpush v10, $0xF;
	v11, _, _ =	vpop (xrf0)  }
0x11a: {  	(v2sf) =	vpush v11, $0xF;
	v12, _, _ =	vpop (xrf0)  }
0x11b: {  	(v2sf) =	vpush v12, $0xF;
	_ =	sdelay $0xb  }
0x11c: {  	s28 =	spop (v2sf)  }
0x11d: {  	s29 =	spop (v2sf)  }
0x11e: {  	s23 =	sadd.s32 s28, s29;
	s30 =	spop (v2sf)  }
0x11f: {  	s23 =	sadd.s32 s30, s23;
	s31 =	spop (v2sf)  }
0x120: {  	s23 =	sadd.s32 s31, s23  }
0x121: {  	p0 =	slt.s32 s23, $0x1  }
0x122: {  	vm0 =	vle.f32 @!p0 v3, v4  }
0x123: {  	v13 =	vmpcnt.ones.xlane @!p0 vm0  }
0x124: {  	v9 =	vadd.s32 @!p0 v5, v9;
	vm1 =	vle.f32 @!p0 v6, v4  }
0x125: {  	v9 =	vadd.s32 @!p0 $0xFFFFFFFF, v9;
	v14 =	vmpcnt.ones.xlane @!p0 vm1;
	v13 =	vadd.s32 @!p0 v5, v13  }
0x126: {  	vm2 =	vle.f32 @!p0 v7, v4;
	v10 =	vadd.s32 @!p0 v13, v10  }
0x127: {  	v15 =	vmpcnt.ones.xlane @!p0 vm2;
	v13 =	vadd.s32 @!p0 v13, v14;
	v10 =	vadd.s32 @!p0 $0xFFFFFFFF, v10  }
0x128: {  	v11 =	vadd.s32 @!p0 v13, v11  }
0x129: {  	s23 =	simm.s32 @!p0 $0xA000;
	v14 =	vlaneseq.u32 @!p0;
	v13 =	vadd.s32 @!p0 v13, v15;
	v11 =	vadd.s32 @!p0 $0xFFFFFFFF, v11  }
0x12a: {  	vm3 =	vle.f32 @!p0 v8, v4;
	s24 =	simm.s32 @!p0 $0xA100;
	v15 =	vor.u32 @!p0 s22, v14;
	v12 =	vadd.s32 @!p0 v13, v12;
	[tilespmem:v9+s23+$0x0] =	vst.idx.msk @!p0 vm0, v3  }
0x12b: {  	s22 =	simm.s32 $0x10;
	[tilespmem:v9+s24+$0x0] =	vst.idx.msk @!p0 vm0, v15;
	v9 =	vadd.s32 @!p0 $0xFFFFFFFF, v12  }
0x12c: {  	v3 =	vor.u32 @!p0 s22, v14;
	[tilespmem:v10+s23+$0x0] =	vst.idx.msk @!p0 vm1, v6  }
0x12d: {  	s22 =	simm.s32 $0x20;
	[tilespmem:v10+s24+$0x0] =	vst.idx.msk @!p0 vm1, v3  }
0x12e: {  	v6 =	vmpcnt.ones.xlane @!p0 vm3;
	v3 =	vor.u32 @!p0 s22, v14;
	[tilespmem:v11+s23+$0x0] =	vst.idx.msk @!p0 vm2, v7  }
0x12f: {  	s22 =	simm.s32 $0x30;
	[tilespmem:v11+s24+$0x0] =	vst.idx.msk @!p0 vm2, v3  }
0x130: {  	v7 =	vor.u32 @!p0 s22, v14;
	v3 =	vadd.s32 @!p0 v13, v6;
	[tilespmem:v9+s23+$0x0] =	vst.idx.msk @!p0 vm3, v8  }
0x131: {  	s22 =	simm.s32 $0x40;
	v5 =	vpsel p0, v5, v3;
	[tilespmem:v9+s24+$0x0] =	vst.idx.msk @!p0 vm3, v7  }
.LBB2_5:
0x132: {  	[tilespmem:$0xA200] =	vst @!p0 v3;
	s21 =	sadd.s32 $0x40, s21;
	s23 =	smov.u32 s22;
	s22 =	sadd.s32 $0x40, s22  }
0x133: {  	v3 =	vld [tilespmem:s21+$0xFFFFFFE0];
	p1 =	sne.s32 s22, $0x4000  }
0x134: {  	v6 =	vld [tilespmem:s21+$0xFFFFFFF0]  }
0x135: {  	v7 =	vld [tilespmem:s21+$0x0]  }
0x136: {  	v8 =	vld [tilespmem:s21+$0x10];
	_ =	sdelay $0x1  }
0x137: {  	vm0 =	vle.f32 v3, v4  }
0x138: {  	v9 =	vsel vm0, $0x1, v1;
	vm0 =	vle.f32 v6, v4  }
0x139: {  	v10 =	vsel vm0, $0x1, v1;
	vm0 =	vle.f32 v7, v4;
	(xrf0) =	vadd.scan.msk.s32 $0xffff, v9  }
0x13a: {  	v9 =	vsel vm0, $0x1, v1;
	vm0 =	vle.f32 v8, v4;
	(xrf0) =	vadd.scan.msk.s32 $0xffff, v10  }
0x13b: {  	v10 =	vsel vm0, $0x1, v1;
	(xrf0) =	vadd.scan.msk.s32 $0xffff, v9  }
0x13c: {  	(xrf0) =	vadd.scan.msk.s32 $0xffff, v10;
	_ =	sdelay $0x2  }
0x13d: {  	v9, _, _ =	vpop (xrf0)  }
0x13e: {  	(v2sf) =	vpush v9, $0xF;
	v10, _, _ =	vpop (xrf0)  }
0x13f: {  	(v2sf) =	vpush v10, $0xF;
	v11, _, _ =	vpop (xrf0)  }
0x140: {  	(v2sf) =	vpush v11, $0xF;
	v12, _, _ =	vpop (xrf0)  }
0x141: {  	(v2sf) =	vpush v12, $0xF;
	_ =	sdelay $0xb  }
0x142: {  	s24 =	spop (v2sf)  }
0x143: {  	s25 =	spop (v2sf)  }
0x144: {  	s24 =	sadd.s32 s24, s25;
	s25 =	spop (v2sf)  }
0x145: {  	s24 =	sadd.s32 s25, s24;
	s25 =	spop (v2sf)  }
0x146: {  	s24 =	sadd.s32 s25, s24  }
0x147: {  	p0 =	slt.s32 s24, $0x1  }
0x148: {  	vm2 =	vle.f32 @!p0 v3, v4;
	v9 =	vadd.s32 @!p0 v5, v9;
	v13 =	vlaneseq.u32 @!p0  }
0x149: {  	vm1 =	vle.f32 @!p0 v6, v4;
	v9 =	vadd.s32 @!p0 $0xFFFFFFFF, v9;
	v14 =	vmpcnt.ones.xlane @!p0 vm2  }
0x14a: {  	s24 =	sadd.s32 $0x10, s23;
	vm0 =	vle.f32 @!p0 v7, v4;
	v15 =	vor.u32 @!p0 s23, v13;
	v16 =	vmpcnt.ones.xlane @!p0 vm1  }
0x14b: {  	s25 =	sadd.s32 $0x20, s23;
	v17 =	vor.u32 @!p0 s24, v13;
	v18 =	vmpcnt.ones.xlane @!p0 vm0;
	v14 =	vadd.s32 @!p0 v5, v14  }
0x14c: {  	v10 =	vadd.s32 @!p0 v14, v10;
	v14 =	vadd.s32 @!p0 v14, v16;
	v16 =	vor.u32 @!p0 s25, v13  }
0x14d: {  	s23 =	sadd.s32 $0x30, s23;
	v10 =	vadd.s32 @!p0 $0xFFFFFFFF, v10;
	v11 =	vadd.s32 @!p0 v14, v11;
	v14 =	vadd.s32 @!p0 v14, v18  }
0x14e: {  	v13 =	vor.u32 @!p0 s23, v13;
	v12 =	vadd.s32 @!p0 v14, v12  }
0x14f: {  	s23 =	simm.s32 @!p0 $0xA000;
	v11 =	vadd.s32 @!p0 $0xFFFFFFFF, v11  }
0x150: {  	vm3 =	vle.f32 @!p0 v8, v4;
	s24 =	simm.s32 @!p0 $0xA100;
	[tilespmem:v9+s23+$0x0] =	vst.idx.msk @!p0 vm2, v3  }
0x151: {  	v3 =	vmpcnt.ones.xlane @!p0 vm3;
	[tilespmem:v9+s24+$0x0] =	vst.idx.msk @!p0 vm2, v15;
	v9 =	vadd.s32 @!p0 $0xFFFFFFFF, v12  }
0x152: {  	[tilespmem:v10+s23+$0x0] =	vst.idx.msk @!p0 vm1, v6  }
.Ltmp1:
0x153: {  	v3 =	vadd.s32 @!p0 v14, v3;
	[tilespmem:v10+s24+$0x0] =	vst.idx.msk @!p0 vm1, v17;
	(pc) =	sbr.rel @p1 .LBB2_5-.Ltmp1, $4  }
0x154: {  	v5 =	vpsel p0, v5, v3;
	[tilespmem:v11+s23+$0x0] =	vst.idx.msk @!p0 vm0, v7  }
0x155: {  	[tilespmem:v11+s24+$0x0] =	vst.idx.msk @!p0 vm0, v16  }
0x156: {  	[tilespmem:v9+s23+$0x0] =	vst.idx.msk @!p0 vm3, v8  }
0x157: {  	[tilespmem:v9+s24+$0x0] =	vst.idx.msk @!p0 vm3, v13  }
0x158: {  	v4 =	vld [tilespmem:$0xA000]  }
0x159: {  	v5 =	vld [tilespmem:$0xA100]  }
0x15a: {  	v6 =	vld [tilespmem:$0xA010]  }
0x15b: {  	v7 =	vld [tilespmem:$0xA110]  }
0x15c: {  	v8 =	vld [tilespmem:$0xA020]  }
0x15d: {  	v9 =	vld [tilespmem:$0xA120]  }
0x15e: {  	v10 =	vld [tilespmem:$0xA030]  }
0x15f: {  	v11 =	vld [tilespmem:$0xA130];
	_ =	sdelay $0x1  }
0x160: {  	(xrf1) =	vsort.ascd.msk.f32 $0xffff, v4, v5  }
0x161: {  	v12 =	vld [tilespmem:$0xA040];
	(xrf1) =	vsort.ascd.msk.f32 $0xffff, v6, v7  }
0x162: {  	v13 =	vld [tilespmem:$0xA140];
	(xrf1) =	vsort.ascd.msk.f32 $0xffff, v8, v9  }
0x163: {  	v14 =	vld [tilespmem:$0xA050];
	(xrf1) =	vsort.ascd.msk.f32 $0xffff, v10, v11  }
0x164: {  	v15 =	vld [tilespmem:$0xA150]  }
0x165: {  	v16 =	vld [tilespmem:$0xA060]  }
0x166: {  	v17 =	vld [tilespmem:$0xA160]  }
0x167: {  	v18 =	vld [tilespmem:$0xA070]  }
0x168: {  	v19 =	vld [tilespmem:$0xA170]  }
0x169: {  	(xrf1) =	vsort.ascd.msk.f32 $0xffff, v12, v13  }
0x16a: {  	(xrf1) =	vsort.ascd.msk.f32 $0xffff, v14, v15;
	_ =	sdelay $0x1  }
0x16b: {  	(xrf1) =	vsort.ascd.msk.f32 $0xffff, v16, v17  }
0x16c: {  	(xrf1) =	vsort.ascd.msk.f32 $0xffff, v18, v19  }
0x16d: {  	v4, v5, _ =	vpop (xrf1)  }
0x16e: {  	v6, v7, _ =	vpop (xrf1)  }
0x16f: {  	v6 =	vperm.xlane v6, v2;
	v8, v9, _ =	vpop (xrf1)  }
0x170: {  	v7 =	vperm.xlane v7, v2;
	v10, v11, _ =	vpop (xrf1)  }
0x171: {  	vm0 =	vle.f32 v4, v6;
	v10 =	vperm.xlane v10, v2  }
0x172: {  	v20 =	vperm.xlane v11, v2;
	v12 =	vsel vm0, v4, v6;
	v13 =	vsel vm0, v5, v7  }
0x173: {  	v4 =	vsel vm0, v6, v4;
	v5 =	vsel vm0, v7, v5;
	(xrf1) =	vsort.ascd.msk.f32 $0xffff, v12, v13  }
0x174: {  	vm9 =	vle.f32 v8, v10;
	(xrf1) =	vsort.ascd.msk.f32 $0xffff, v4, v5  }
0x175: {  	v21 =	vsel vm9, v8, v10;
	v22 =	vsel vm9, v9, v20;
	v8 =	vsel vm9, v10, v8  }
0x176: {  	v24, v23, _ =	vpop (xrf1);
	v6 =	vsel vm9, v20, v9;
	(xrf1) =	vsort.ascd.msk.f32 $0xffff, v21, v22  }
0x177: {  	v4, v5, _ =	vpop (xrf1);
	(xrf1) =	vsort.ascd.msk.f32 $0xffff, v8, v6  }
0x178: {  	v4 =	vperm.xlane v4, v2  }
0x179: {  	v6, v8, _ =	vpop (xrf1)  }
0x17a: {  	v5 =	vperm.xlane v5, v2;
	v26, v25, _ =	vpop (xrf1);
	vm10 =	vle.f32 v24, v4  }
0x17b: {  	v27 =	vsel vm10, v24, v4;
	v9 =	vperm.xlane v26, v2  }
0x17c: {  	v28 =	vsel vm10, v23, v5;
	v4 =	vsel vm10, v4, v24;
	v29 =	vperm.xlane v25, v2  }
0x17d: {  	v5 =	vsel vm10, v5, v23;
	(xrf1) =	vsort.ascd.msk.f32 $0xffff, v27, v28;
	vm11 =	vle.f32 v6, v9  }
0x17e: {  	(xrf1) =	vsort.ascd.msk.f32 $0xffff, v4, v5;
	v30 =	vsel vm11, v6, v9;
	v31 =	vsel vm11, v8, v29  }
0x17f: {  	v6 =	vsel vm11, v9, v6;
	v7 =	vsel vm11, v29, v8;
	(xrf1) =	vsort.ascd.msk.f32 $0xffff, v30, v31  }
0x180: {  	(xrf1) =	vsort.ascd.msk.f32 $0xffff, v6, v7;
	_ =	sdelay $0x1  }
0x181: {  	v4, v5, _ =	vpop (xrf1)  }
0x182: {  	v6, v7, _ =	vpop (xrf1)  }
0x183: {  	v33, v32, _ =	vpop (xrf1)  }
0x184: {  	v34, v35, _ =	vpop (xrf1);
	v8 =	vperm.xlane v33, v2  }
0x185: {  	v10 =	vperm.xlane v34, v2  }
0x186: {  	v9 =	vperm.xlane v32, v2;
	vm1 =	vle.f32 v6, v8  }
0x187: {  	v11 =	vperm.xlane v35, v2;
	vm12 =	vle.f32 v4, v10;
	v38 =	vsel vm1, v6, v8  }
0x188: {  	v39 =	vsel vm1, v7, v9;
	v6 =	vsel vm1, v8, v6;
	v7 =	vsel vm1, v9, v7  }
0x189: {  	v36 =	vsel vm12, v4, v10;
	v37 =	vsel vm12, v5, v11;
	v4 =	vsel vm12, v10, v4  }
0x18a: {  	v5 =	vsel vm12, v11, v5;
	v14, v15, _ =	vpop (xrf1);
	vm13 =	vle.f32 v36, v38;
	vm14 =	vle.f32 v4, v6  }
0x18b: {  	v16, v17, _ =	vpop (xrf1);
	v40 =	vsel vm13, v36, v38;
	v18 =	vsel vm13, v37, v39;
	v10 =	vsel vm13, v38, v36  }
0x18c: {  	v11 =	vsel vm13, v39, v37;
	v43 =	vsel vm14, v4, v6;
	v44 =	vsel vm14, v5, v7;
	v19, v20, _ =	vpop (xrf1)  }
0x18d: {  	v4 =	vsel vm14, v6, v4;
	v5 =	vsel vm14, v7, v5;
	(xrf1) =	vsort.ascd.msk.f32 $0xffff, v40, v18;
	v42, v41, _ =	vpop (xrf1)  }
0x18e: {  	(xrf1) =	vsort.ascd.msk.f32 $0xffff, v10, v11;
	v46 =	vperm.xlane v19, v2;
	v8 =	vperm.xlane v42, v2  }
0x18f: {  	(xrf1) =	vsort.ascd.msk.f32 $0xffff, v43, v44;
	v48 =	vperm.xlane v20, v2;
	v45 =	vperm.xlane v41, v2  }
0x190: {  	(xrf1) =	vsort.ascd.msk.f32 $0xffff, v4, v5;
	vm4 =	vle.f32 v16, v46;
	vm15 =	vle.f32 v14, v8  }
0x191: {  	v50 =	vsel vm4, v16, v46;
	v51 =	vsel vm4, v17, v48;
	v7 =	vsel vm4, v46, v16  }
0x192: {  	v5 =	vsel vm4, v48, v17;
	v47 =	vsel vm15, v14, v8;
	v49 =	vsel vm15, v15, v45  }
0x193: {  	v8 =	vsel vm15, v8, v14;
	v6 =	vsel vm15, v45, v15;
	vm5 =	vle.f32 v47, v50  }
0x194: {  	vm6 =	vle.f32 v8, v7;
	v52 =	vsel vm5, v47, v50;
	v53 =	vsel vm5, v49, v51  }
0x195: {  	v4 =	vsel vm5, v50, v47;
	v9 =	vsel vm5, v51, v49;
	(xrf1) =	vsort.ascd.msk.f32 $0xffff, v52, v53  }
0x196: {  	v54 =	vsel vm6, v8, v7;
	v55 =	vsel vm6, v6, v5;
	(xrf1) =	vsort.ascd.msk.f32 $0xffff, v4, v9  }
0x197: {  	v7 =	vsel vm6, v7, v8;
	v5 =	vsel vm6, v5, v6;
	(xrf1) =	vsort.ascd.msk.f32 $0xffff, v54, v55  }
0x198: {  	(xrf1) =	vsort.ascd.msk.f32 $0xffff, v7, v5;
	_ =	sdelay $0x6  }
0x199: {  	v56, v57, _ =	vpop (xrf1)  }
0x19a: {  	v58, v59, _ =	vpop (xrf1)  }
0x19b: {  	v60, v61, _ =	vpop (xrf1)  }
0x19c: {  	v62, v63, _ =	vpop (xrf1)  }
0x19d: {  	v12, v13, _ =	vpop (xrf1)  }
0x19e: {  	v26, v27, _ =	vpop (xrf1);
	v12 =	vperm.xlane v12, v2  }
0x19f: {  	v13 =	vperm.xlane v13, v2;
	v28, v29, _ =	vpop (xrf1);
	v14 =	vperm.xlane v26, v2  }
0x1a0: {  	v15 =	vperm.xlane v27, v2;
	v30, v31, _ =	vpop (xrf1);
	v16 =	vperm.xlane v28, v2  }
0x1a1: {  	v17 =	vperm.xlane v29, v2;
	vm10 =	vle.f32 v62, v12;
	v18 =	vperm.xlane v30, v2  }
0x1a2: {  	v19 =	vperm.xlane v31, v2;
	vm9 =	vle.f32 v60, v14;
	v22 =	vsel vm10, v62, v12  }
0x1a3: {  	v37 =	vsel vm10, v63, v13;
	v10 =	vsel vm10, v12, v62;
	v11 =	vsel vm10, v13, v63  }
0x1a4: {  	vm8 =	vle.f32 v58, v16;
	v35 =	vsel vm9, v60, v14;
	v36 =	vsel vm9, v61, v15  }
0x1a5: {  	v8 =	vsel vm9, v14, v60;
	v9 =	vsel vm9, v15, v61;
	vm7 =	vle.f32 v56, v18  }
0x1a6: {  	v33 =	vsel vm8, v58, v16;
	v34 =	vsel vm8, v59, v17;
	v6 =	vsel vm8, v16, v58  }
0x1a7: {  	v7 =	vsel vm8, v17, v59;
	v32 =	vsel vm7, v56, v18;
	v21 =	vsel vm7, v57, v19  }
0x1a8: {  	v4 =	vsel vm7, v18, v56;
	vm3 =	vle.f32 v33, v22;
	vm2 =	vle.f32 v32, v35  }
0x1a9: {  	v5 =	vsel vm7, v19, v57;
	v24 =	vsel vm3, v33, v22;
	v23 =	vsel vm2, v32, v35  }
0x1aa: {  	v26 =	vsel vm3, v34, v37;
	v25 =	vsel vm2, v21, v36;
	vm4 =	vle.f32 v23, v24  }
0x1ab: {  	vm13 =	vle.f32 v6, v10;
	v38 =	vsel vm4, v23, v24;
	v27 =	vsel vm4, v25, v26  }
0x1ac: {  	v41 =	vsel vm3, v22, v33;
	v14 =	vsel vm3, v37, v34;
	(xrf1) =	vsort.ascd.msk.f32 $0xffff, v38, v27  }
0x1ad: {  	v39 =	vsel vm2, v35, v32;
	v42 =	vsel vm4, v24, v23;
	v43 =	vsel vm4, v26, v25  }
0x1ae: {  	v40 =	vsel vm2, v36, v21;
	vm11 =	vle.f32 v39, v41;
	(xrf1) =	vsort.ascd.msk.f32 $0xffff, v42, v43  }
0x1af: {  	vm12 =	vle.f32 v4, v8;
	v44 =	vsel vm11, v39, v41;
	v45 =	vsel vm11, v40, v14  }
0x1b0: {  	v47 =	vsel vm13, v6, v10;
	v49 =	vsel vm13, v7, v11;
	(xrf1) =	vsort.ascd.msk.f32 $0xffff, v44, v45  }
0x1b1: {  	v46 =	vsel vm12, v4, v8;
	v12 =	vsel vm11, v41, v39;
	v13 =	vsel vm11, v14, v40  }
0x1b2: {  	v48 =	vsel vm12, v5, v9;
	vm14 =	vle.f32 v46, v47;
	(xrf1) =	vsort.ascd.msk.f32 $0xffff, v12, v13  }
0x1b3: {  	v50 =	vsel vm14, v46, v47;
	v51 =	vsel vm14, v48, v49  }
0x1b4: {  	v6 =	vsel vm13, v10, v6;
	v7 =	vsel vm13, v11, v7;
	(xrf1) =	vsort.ascd.msk.f32 $0xffff, v50, v51  }
0x1b5: {  	v4 =	vsel vm12, v8, v4;
	v52 =	vsel vm14, v47, v46;
	v53 =	vsel vm14, v49, v48  }
0x1b6: {  	v5 =	vsel vm12, v9, v5;
	vm15 =	vle.f32 v4, v6;
	(xrf1) =	vsort.ascd.msk.f32 $0xffff, v52, v53  }
0x1b7: {  	v54 =	vsel vm15, v4, v6;
	v55 =	vsel vm15, v5, v7  }
0x1b8: {  	(xrf1) =	vsort.ascd.msk.f32 $0xffff, v54, v55  }
0x1b9: {  	v4 =	vsel vm15, v6, v4;
	v5 =	vsel vm15, v7, v5  }
0x1ba: {  	[tilespmem:$0xA200] =	vst @!p0 v3;
	v3, v56, _ =	vpop (xrf1);
	(xrf1) =	vsort.ascd.msk.f32 $0xffff, v4, v5  }
0x1bb: {  	[tilespmem:$0xA000] =	vst v3  }
0x1bc: {  	v3, v57, _ =	vpop (xrf1);
	[tilespmem:$0xA100] =	vst v56  }
0x1bd: {  	[tilespmem:$0xA010] =	vst v3  }
0x1be: {  	v3, v58, _ =	vpop (xrf1);
	[tilespmem:$0xA110] =	vst v57  }
0x1bf: {  	[tilespmem:$0xA020] =	vst v3  }
0x1c0: {  	v3, v59, _ =	vpop (xrf1);
	[tilespmem:$0xA120] =	vst v58  }
0x1c1: {  	[tilespmem:$0xA030] =	vst v3  }
0x1c2: {  	v3, v60, _ =	vpop (xrf1);
	[tilespmem:$0xA130] =	vst v59  }
0x1c3: {  	[tilespmem:$0xA040] =	vst v3  }
0x1c4: {  	v3, v61, _ =	vpop (xrf1);
	[tilespmem:$0xA140] =	vst v60  }
0x1c5: {  	[tilespmem:$0xA050] =	vst v3  }
0x1c6: {  	v3, v62, _ =	vpop (xrf1);
	[tilespmem:$0xA150] =	vst v61  }
0x1c7: {  	s20 =	sadd.s32 s5, s20;
	[tilespmem:$0xA060] =	vst v3  }
0x1c8: {  	s20 =	sshll.u32 s20, $0x4;
	[tilespmem:$0xA160] =	vst v62;
	v3, v63, _ =	vpop (xrf1)  }
0x1c9: {  	s20 =	sand.u32 $0x1FFFFFF0, s20;
	[tilespmem:$0xA070] =	vst v3  }
0x1ca: {  	s21 =	sadd.s32 s4, s20;
	[tilespmem:$0xA170] =	vst v63  }
0x1cb: {  	[hbm4b:s21+s3] =	stream.linear.scatter [tilespmem:s15], [sflag:$0x3], $0x80, $0x38;
	[tilespmem:$0xA280] =	vst v63  }
0x1cc: {  	s19 =	sadd.s32 $0x1, s19;
	_ =	swait.ge [sflag:s12], $0x80  }
0x1cd: {  	p0 =	sne.s32 s19, $0x100;
	[sflag:s12] =	ssyncset.done $0x0  }
.Ltmp2:
0x1ce: {  	s20 =	sadd.s32 s2, s20;
	[sflag:s12] =	ssyncadd.s32 $0xFFFFFF80;
	(pc) =	sbr.rel @p0 .LBB2_2-.Ltmp2, $4  }
0x1cf: {  	[hbm4b:s20+s3] =	stream.linear.scatter [tilespmem:s16], [sflag:$0x3], $0x80, $0x38;
	[tilespmem:$0xA280] =	vst v63  }
0x1d0: {  	_ =	swait.ge [sflag:s12], $0x80  }
0x1d1: {  	[sflag:s12] =	ssyncset.done $0x0  }
0x1d2: {  	[sflag:s12] =	ssyncadd.s32 $0xFFFFFF80  }
0x1d3: {  	s18 =	sadd.s32 $0x1, s18  }
0x1d4: {  	p0 =	sne.s32 s18, s10  }
.Ltmp3:
0x1d5: {  	_ = 	snop;
	(pc) =	sbr.rel @p0 .LBB2_1-.Ltmp3, $4  }
0x1d6: {  	_ = 	snop  }
0x1d7: {  	_ =	swait.ge [sflag:s13], $0x4000  }
0x1d8: {  	[sflag:s13] =	ssyncset.done $0x0  }
0x1d9: {  	[sflag:s13] =	ssyncadd.s32 $0xFFFFC000  }
0x1da: {  	_ =	sfence.sel $0x180000  }
0x1db: {  	[bflag:$0x0] =	sbarrier.arrive $0xFFFF  }
0x1dc: {  	p0 =	sne.s32 s0, $0x0;
	_ =	strace $0x9000004A  }
0x1dd: {  	s0 =	sadd.s32 @!p0 $0x100000, s1;
	[bflag:$0x2] =	sbarrier.arrive $0xFFFF  }
0x1de: {  	[sflag:s0] =	ssyncadd.tile.s32 @!p0 $0x1;
	_ =	shalt  }
.Lfunc_end2:
_tile_overlayer_lowered:
.L_overlay_start_2:
0x1df: {  	(tag) =	ssettag $0x2  }
0x1e0: {  	s0 =	rddreg [dreg:$0x0];
	s2 =	stileid.u32  }
0x1e1: {  	s1 =	rddreg [dreg:$0x1];
	p0 =	sne.s32 s2, $0x0  }
0x1e2: {  	s3 =	rddreg [dreg:$0x2];
	[bflag:$0x3] =	sbarrier.arrive $0xFFFF;
	s2 =	simm.s32 @!p0 $0x1C03  }
0x1e3: {  	[timem:s3], [sflag:s2] =	dma.local @!p0 [hbm:s0], s1  }
0x1e4: {  	s0 =	simm.s32 @!p0 $0x3  }
0x1e5: {  	_ =	swait.ge @!p0 [sflag:s0], s1  }
0x1e6: {  	s1 =	ssub.s32 @!p0 $0x0, s1;
	[sflag:s0] =	ssyncset.done @!p0 $0x0  }
0x1e7: {  	[sflag:s0] =	ssyncadd.s32 @!p0 s1  }
0x1e8: {  	[bflag:$0x3] =	sbarrier.arrive $0xFFFF  }
0x1e9: {  	_ =	shalt  }

// kernel: kernel.8.cloned.1.call-start
scs
__scs_entry_jumppad:
0x0: {  	(pc) =	sbr.rel $0x88, $3  }
0x1: {  	(tag) =	ssettag $0x0;
	lr =	simm.s32 $0x1  }
0x2: {  	[smem:$0x3FA0] =	sst lr;
	_ =	strace $0xD0000000  }
0x3: {  	_ = 	snop  }
0x4: {  	_ = 	snop  }
0x5: {  	_ = 	snop  }
0x6: {  	_ = 	snop  }
0x7: {  	_ = 	snop  }
__scs_overlays_trampoline_lowered:
0x8: {  	[smem:$0x3FAF] =	sst s0  }
0x9: {  	[smem:$0x3FB0] =	sst s1  }
0xa: {  	[smem:$0x3FB1] =	sst s2  }
0xb: {  	[smem:$0x3FB2] =	sst s3  }
0xc: {  	[smem:$0x3FB3] =	sst s4  }
0xd: {  	[smem:$0x3FB4] =	sst s5  }
0xe: {  	[smem:$0x3FB5] =	sst s6  }
0xf: {  	[smem:$0x3FB6] =	sst s7  }
0x10: {  	[smem:$0x3FB7] =	sst s8  }
0x11: {  	[smem:$0x3FB8] =	sst s9;
	s0 =	simm.s32 @!p0 $0x0  }
0x12: {  	s1 =	sld [smem:$0x3F9E];
	s0 =	simm.s32 @p0 $0x1  }
0x13: {  	[smem:$0x3FB9] =	sst s0;
	s0 =	simm.s32 @!p1 $0x0  }
0x14: {  	s2 =	sld [smem:$0x3F9D];
	s0 =	simm.s32 @p1 $0x1  }
0x15: {  	[smem:$0x3FBA] =	sst s0;
	s0 =	simm.s32 @!p2 $0x0  }
0x16: {  	s3 =	sld [smem:$0x3FDB];
	s0 =	simm.s32 @p2 $0x1  }
0x17: {  	s4 =	simm.s32 $0x1BF5;
	[smem:$0x3FBC] =	sst s0  }
0x18: {  	s0 =	sld [smem:$0x3F9F];
	_ =	swait.ge [sflag:s4], $0x0  }
0x19: {  	s7 =	sld [smem:$0x3FA0]  }
0x1a: {  	s8 =	sadd.s32 $0xFFFFE003, lr  }
0x1b: {  	s9 =	sadd.s32 $0xFFFFFEF7, lr;
	s5 =	simm.s32 $0xFFFFFFFF;
	p2 =	slt.u32 s8, $0xFFFFF086  }
0x1c: {  	p1 =	slt.u32 s9, $0xF7A;
	s5 =	simm.s32 @!p2 $0x0  }
0x1d: {  	s5 =	simm.s32 @p1 $0x1;
	p0 =	seq.s32 s7, s2  }
0x1e: {  	s7 =	smul.u32 @!p0 $0xF7A, s2;
	p2 =	seq.s32 @!p0 s5, $0x0  }
0x1f: {  	s9 =	smul.u32 $0xF7A, s1;
	s8 =	simm.s32 @!p0 $0x1BF5;
	p2 =	por !p2, p0  }
0x20: {  	[sflag:s8] =	ssyncset.s32 @!p0 $0xFFFFF086;
	s6 =	sadd.s32 @!p0 s3, s7;
	s7 =	simm.s32 @!p0 $0x108  }
0x21: {  	s3 =	sadd.s32 s3, s9;
	s6 =	sadd.s32 @!p0 $0x88, s6;
	s7 =	simm.s32 @p2 $0x1082  }
0x22: {  	[simem:s7], [sflag:s8] =	dma.local @!p0 [hbm:s6], $0xF7A  }
0x23: {  	s9 =	sor.u32 $0xD0000000, s2;
	s6 =	simm.s32 $0x108;
	_ =	swait.ge @!p0 [sflag:s8], $0x0  }
0x24: {  	s3 =	sadd.s32 $0x88, s3;
	s6 =	simm.s32 @!p1 $0x1082;
	[sflag:s4] =	ssyncset.s32 $0xFFFFF086  }
0x25: {  	[simem:s6], [sflag:s4] =	dma.local [hbm:s3], $0xF7A  }
0x26: {  	[smem:$0x3FA0] =	sst s1;
	(tag) =	ssettag s2;
	_ =	strace s9  }
0x27: {  	s1 =	sld [smem:$0x3FB0]  }
0x28: {  	s2 =	sld [smem:$0x3FB1]  }
0x29: {  	s4 =	sld [smem:$0x3FB3]  }
0x2a: {  	p0 =	seq.s32 s5, $0x0;
	s5 =	sld [smem:$0x3FB4]  }
0x2b: {  	s6 =	sld [smem:$0x3FB5]  }
0x2c: {  	s7 =	sld [smem:$0x3FB6]  }
0x2d: {  	s3 =	simm.s32 $0x108;
	s8 =	sld [smem:$0x3FB7]  }
0x2e: {  	s3 =	simm.s32 @!p0 $0x1082;
	s9 =	sld [smem:$0x3FB8]  }
0x2f: {  	lr =	sadd.s32 s0, s3;
	s0 =	sld [smem:$0x3FAF]  }
0x30: {  	s3 =	sld [smem:$0x3FB2]  }
0x31: {  	[smem:$0x3FBB] =	sst s10  }
0x32: {  	s10 =	sld [smem:$0x3FB9];
	_ =	sdelay $0x3  }
0x33: {  	p0 =	seq.s32 s10, $0x1;
	s10 =	sld [smem:$0x3FBB];
	_ =	sdelay $0x3  }
0x34: {  	[smem:$0x3FBB] =	sst s10  }
0x35: {  	s10 =	sld [smem:$0x3FBA];
	_ =	sdelay $0x3  }
0x36: {  	p1 =	seq.s32 s10, $0x1;
	s10 =	sld [smem:$0x3FBB];
	_ =	sdelay $0x3  }
0x37: {  	[smem:$0x3FBB] =	sst s10  }
0x38: {  	s10 =	sld [smem:$0x3FBC]  }
0x39: {  	_ = 	snop;
	(pc) =	sbr.ind lr, $3  }
0x3a: {  	_ = 	snop  }
0x3b: {  	_ = 	snop  }
0x3c: {  	p2 =	seq.s32 s10, $0x1;
	s10 =	sld [smem:$0x3FBB]  }
0x3d: {  	_ =	shalt  }
0x3e: {  	_ =	shalt  }
0x3f: {  	_ =	shalt  }
0x40: {  	_ =	shalt  }
0x41: {  	_ =	shalt  }
0x42: {  	_ =	shalt  }
0x43: {  	_ =	shalt  }
0x44: {  	_ =	shalt  }
0x45: {  	_ =	shalt  }
0x46: {  	_ =	shalt  }
0x47: {  	_ =	shalt  }
0x48: {  	_ =	shalt  }
0x49: {  	_ =	shalt  }
0x4a: {  	_ =	shalt  }
0x4b: {  	_ =	shalt  }
0x4c: {  	_ =	shalt  }
0x4d: {  	_ =	shalt  }
0x4e: {  	_ =	shalt  }
0x4f: {  	_ =	shalt  }
0x50: {  	_ =	shalt  }
0x51: {  	_ =	shalt  }
0x52: {  	_ =	shalt  }
0x53: {  	_ =	shalt  }
0x54: {  	_ =	shalt  }
0x55: {  	_ =	shalt  }
0x56: {  	_ =	shalt  }
0x57: {  	_ =	shalt  }
0x58: {  	_ =	shalt  }
0x59: {  	_ =	shalt  }
0x5a: {  	_ =	shalt  }
0x5b: {  	_ =	shalt  }
0x5c: {  	_ =	shalt  }
0x5d: {  	_ =	shalt  }
0x5e: {  	_ =	shalt  }
0x5f: {  	_ =	shalt  }
0x60: {  	_ =	shalt  }
0x61: {  	_ =	shalt  }
0x62: {  	_ =	shalt  }
0x63: {  	_ =	shalt  }
0x64: {  	_ =	shalt  }
0x65: {  	_ =	shalt  }
0x66: {  	_ =	shalt  }
0x67: {  	_ =	shalt  }
0x68: {  	_ =	shalt  }
0x69: {  	_ =	shalt  }
0x6a: {  	_ =	shalt  }
0x6b: {  	_ =	shalt  }
0x6c: {  	_ =	shalt  }
0x6d: {  	_ =	shalt  }
0x6e: {  	_ =	shalt  }
0x6f: {  	_ =	shalt  }
0x70: {  	_ =	shalt  }
0x71: {  	_ =	shalt  }
0x72: {  	_ =	shalt  }
0x73: {  	_ =	shalt  }
0x74: {  	_ =	shalt  }
0x75: {  	_ =	shalt  }
0x76: {  	_ =	shalt  }
0x77: {  	_ =	shalt  }
0x78: {  	_ =	shalt  }
0x79: {  	_ =	shalt  }
0x7a: {  	_ =	shalt  }
0x7b: {  	_ =	shalt  }
0x7c: {  	_ =	shalt  }
0x7d: {  	_ =	shalt  }
0x7e: {  	_ =	shalt  }
0x7f: {  	_ =	shalt  }
0x80: {  	_ =	shalt  }
0x81: {  	_ =	shalt  }
0x82: {  	_ =	shalt  }
0x83: {  	_ =	shalt  }
0x84: {  	_ =	shalt  }
0x85: {  	_ =	shalt  }
0x86: {  	_ =	shalt  }
0x87: {  	_ =	shalt  }
.Lfunc_end0:
.L_simem_size_0:
called_computation.4_lowered:
.L_overlay_start_0:
0x88: {  	s2 =	sld [smem:$0x3FD9]  }
0x89: {  	s3 =	sld [smem:$0x3FFE];
	_ =	sdelay $0x1  }
0x8a: {  	s1 =	srdreg.scid  }
0x8b: {  	s0 =	sand.u32 $0x1, s1  }
0x8c: {  	s14 =	sshll.u32 s0, $0xA;
	s2 =	sadd.s32 s3, s2  }
0x8d: {  	s2 =	sadd.s32 s2, s14  }
0x8e: {  	[smem:$0x3FC7] =	sst s2  }
0x8f: {  	_ = 	snop  }
0x90: {  	s2 =	sld [smem:$0x3FD0];
	_ =	sdelay $0x2  }
0x91: {  	s15 =	simm.s32 $0xB;
	s4 =	simm.s32 $0x10  }
0x92: {  	[smem:s4], [sflag:s15] =	dma.local [hbm:s2], $0x1  }
0x93: {  	_ =	swait.eq [sflag:s15], $0x1  }
0x94: {  	[sflag:s15] =	ssyncset.done $0x0  }
0x95: {  	[sflag:s15] =	ssyncadd.s32 $0xFFFFFFFF  }
0x96: {  	s16 =	sld [smem:$0x11];
	(tm) =	ssettm $0x1  }
0x97: {  	s17 =	sld [smem:$0x3FFB];
	_ =	sdelay $0x3  }
0x98: {  	_ =	strace s17  }
0x99: {  	s3 =	sld [smem:$0x3FFC];
	_ =	sdelay $0x3  }
0x9a: {  	_ =	strace s3  }
0x9b: {  	s3 =	sld [smem:$0x3FFD];
	_ =	sdelay $0x3  }
0x9c: {  	_ =	strace s3  }
0x9d: {  	_ =	strace $0x8FFFFFFF  }
0x9e: {  	s18 =	sld [smem:$0x3FDB];
	_ =	sdelay $0x1  }
0x9f: {  	s19 =	simm.s32 $_scs_section_size  }
0xa0: {  	s5 =	simm.s32 $_size__tile_overlayer_lowered;
	s6 =	simm.s32 $_tile_overlayer_lowered  }
0xa1: {  	s22 =	simm.s32 $0x1BFF;
	s21 =	sshll.u32 s6, $0x1;
	s3 =	sadd.s32 s19, s18  }
0xa2: {  	s7 =	simm.s32 $0x0;
	s20 =	sshll.u32 s5, $0x1;
	s5 =	sadd.s32 s21, s3  }
0xa3: {  	[timem:s7], [sflag:s22] =	dma.local [hbm:s5], s20  }
0xa4: {  	_ =	swait.ge [sflag:s22], s20  }
0xa5: {  	s4 =	ssub.s32 $0x0, s20;
	[sflag:s22] =	ssyncset.done $0x0  }
0xa6: {  	[sflag:s22] =	ssyncadd.s32 s4;
	_ =	sdelay $0x1  }
0xa7: {  	s23 =	simm.s32 $0x1B8B  }
0xa8: {  	_ =	swait.ge [sflag:s23], $0x1  }
0xa9: {  	[sflag:s23] =	ssyncset.done $0x0  }
0xaa: {  	s25 =	simm.s32 $0x1B8E;
	s24 =	sld [smem:$0x3FFE];
	[sflag:s23] =	ssyncadd.s32 $0xFFFFFFFF  }
0xab: {  	s26 =	simm.s32 $execute0_lowered;
	[smem:$0x3FD2] =	sst s25  }
0xac: {  	s5 =	sshll.u32 s26, $0x1;
	_ =	strace $0x8000004C;
	[dreg:$0x1] =	wrdreg $0xFFFFFFFF  }
0xad: {  	s28 =	simm.s32 $_size_execute0_lowered;
	s3 =	sadd.s32 s3, s5;
	[dreg:$0x0] =	wrdreg $0x0  }
0xae: {  	s5 =	sshll.u32 s28, $0x1;
	[dreg:$0x2] =	wrdreg s3  }
0xaf: {  	[dreg:$0x3] =	wrdreg s5  }
0xb0: {  	[dreg:$0x4] =	wrdreg $0xC0  }
0xb1: {  	_ =	task [dreg:s7], $0x5FFFF  }
0xb2: {  	[dreg:$0x1] =	wrdreg $0xFFFFFFFF  }
0xb3: {  	[dreg:$0x0] =	wrdreg $0x60  }
0xb4: {  	[dreg:$0x2] =	wrdreg s16  }
0xb5: {  	[dreg:$0x3] =	wrdreg s24  }
0xb6: {  	[dreg:$0x4] =	wrdreg $0x9  }
0xb7: {  	_ =	task.clear_ibuf [dreg:s7], $0x5FFFF;
	_ =	strace $0x9000004C  }
0xb8: {  	s29 =	simm.s32 $0x9;
	_ =	strace $0x8000004E  }
0xb9: {  	_ =	swait.ge [sflag:s29], $0x1  }
0xba: {  	[sflag:s29] =	ssyncadd.s32 $0xFFFFFFFF  }
0xbb: {  	_ =	strace $0x9000004E  }
0xbc: {  	_ =	sfence  }
0xbd: {  	s30 =	sld [smem:$0x0];
	_ =	sdelay $0x2  }
0xbe: {  	s31 =	sshll.u32 s1, $0xD;
	s1 =	sshrl.u32 s1, $0x2  }
0xbf: {  	s3 =	sand.u32 $0x4000, s31;
	s1 =	sadd.s32 s1, s30  }
0xc0: {  	s0 =	sor.u32 s3, s0;
	s1 =	sshll.u32 s1, $0x11  }
0xc1: {  	s0 =	sor.u32 s1, s0  }
0xc2: {  	s0 =	sadd.s32 $0x8F2B, s0  }
0xc3: {  	[sflag:s0] =	ssyncadd.remote.s32 $0x1  }
0xc4: {  	_ =	sfence.sel $0xFFFF  }
0xc5: {  	[dreg:$0x0] =	wrdreg $0xFFFFFFFF;
	(pc) =	sbr.abs _section_cstart, $3  }
0xc6: {  	[dreg:$0x1] =	wrdreg $0xFFFFFFFF  }
0xc7: {  	_ =	task.clear_ibuf [dreg:s7], $0x2FFFF;
	_ =	strace $0x9FFFFFFF  }
0xc8: {  	(tm) =	ssettm $0x7FFFFFFF  }
0xc9: {  	_ =	shalt  }
tec
execute0_lowered:
.L_overlay_start_1:
0x0: {  	(tag) =	ssettag $0x1  }
0x1: {  	s2 =	rddreg [dreg:$0x0];
	s1 =	srdreg.scid  }
0x2: {  	s0 =	stileid.u32;
	s4 =	rddreg [dreg:$0x1]  }
0x3: {  	s8 =	simm.s32 $0x4000;
	s5 =	sand.u32 $0x1, s1;
	s3 =	sshll.u32 s0, $0x1  }
0x4: {  	s9 =	simm.s32 $0x8000;
	s1 =	rddreg [dreg:$0x2];
	s6 =	sor.u32 s5, s3  }
0x5: {  	s3 =	simm.s32 $0x0;
	s5 =	ssub.s32 $0x2, s5;
	s6 =	smul.u32 $0xC00, s6  }
0x6: {  	s10 =	simm.s32 $0x0;
	[smem:$0x7FF] =	sst s3;
	s7 =	sshrl.u32 s5, $0x1  }
0x7: {  	_ =	strace $0x8000004D;
	s7 =	ssub.s32 s5, s7;
	s4 =	sadd.s32 s4, s6  }
0x8: {  	v0 =	vlaneseq.u32;
	s6 =	smax.u32 s7, $0x1;
	s7 =	simm.s32 $0x1;
	s5 =	sadd.s32 $0x18000, s4  }
.LBB2_1:
0x9: {  	[tilespmem:s3], [sflag:$0x1] =	stream.linear.gather [hbm4b:s2+s3], $0x4000, $0x38;
	[tilespmem:$0xE000] =	vst v63  }
0xa: {  	_ =	swait.ge [sflag:s7], $0x4000  }
0xb: {  	[sflag:s7] =	ssyncset.done $0x0  }
0xc: {  	[sflag:s7] =	ssyncadd.s32 $0xFFFFC000  }
0xd: {  	s11 =	simm.s32 $0x10;
	s12 =	simm.s32 $0x0;
	s13 =	simm.s32 $0x0;
	v1 =	vld [tilespmem:s3+$0x0]  }
.LBB2_2:
0xe: {  	p0 =	sne.s32 s11, $0x3FF0;
	_ =	sdelay $0x3  }
.Ltmp0:
0xf: {  	(pc) =	sbr.rel @p0 .LBB2_2-.Ltmp0, $4  }
0x10: {  	_ = 	snop  }
0x11: {  	v2 =	vor.u32 s12, v0;
	s12 =	smov.u32 s11  }
0x12: {  	s13 =	sadd.s32 $0x10, s13;
	[tilespmem:v1+s8+$0x0] =	vst.idx.msk $0xffff, v2  }
0x13: {  	s11 =	sadd.s32 $0x10, s11;
	v1 =	vld [tilespmem:s13+$0x0]  }
0x14: {  	_ =	sdelay $0x6  }
0x15: {  	v2 =	vor.u32 s12, v0  }
0x16: {  	s11 =	simm.s32 $0x0;
	[tilespmem:v1+s8+$0x0] =	vst.idx.msk $0xffff, v2  }
0x17: {  	[tilespmem:s9], [sflag:$0x1] =	stream.linear.gather [hbm4b:s4+s11], $0x6000, $0x38;
	[tilespmem:$0xE000] =	vst v63  }
0x18: {  	_ =	swait.ge [sflag:s7], $0x6000  }
0x19: {  	[sflag:s7] =	ssyncset.done $0x0  }
0x1a: {  	s12 =	simm.s32 $0x40;
	s11 =	simm.s32 $0x0;
	[sflag:s7] =	ssyncadd.s32 $0xFFFFA000  }
.LBB2_4:
0x1b: {  	p0 =	sne.s32 s12, $0x17FC0;
	v1 =	vld [tilespmem:s11+$0x8000];
	_ =	sdelay $0x7  }
0x1c: {  	v1 =	vld.idx.msk [tilespmem:v1+s8+$0x0], $0xffff;
	_ =	sdelay $0x1  }
.Ltmp1:
0x1d: {  	(pc) =	sbr.rel @p0 .LBB2_4-.Ltmp1, $2  }
0x1e: {  	_ =	sdelay $0x2  }
0x1f: {  	[tilespmem:s11+$0x8000] =	vst v1;
	s11 =	sshra.s32 s12, $0x2;
	s12 =	sadd.s32 $0x40, s12  }
0x20: {  	v1 =	vld [tilespmem:s11+$0x8000];
	_ =	sdelay $0x7  }
0x21: {  	v1 =	vld.idx.msk [tilespmem:v1+s8+$0x0], $0xffff;
	_ =	sdelay $0x2  }
0x22: {  	s10 =	sadd.s32 $0x1, s10  }
0x23: {  	p0 =	sne.s32 s10, s6  }
.Ltmp2:
0x24: {  	[tilespmem:s11+$0x8000] =	vst v1;
	(pc) =	sbr.rel @p0 .LBB2_1-.Ltmp2, $4  }
0x25: {  	[hbm4b:s5+s3] =	stream.linear.scatter [tilespmem:s9], [sflag:$0x1], $0x6000, $0x38;
	[tilespmem:$0xE000] =	vst v63  }
0x26: {  	_ =	swait.ge [sflag:s7], $0x6000  }
0x27: {  	[sflag:s7] =	ssyncset.done $0x0  }
0x28: {  	[sflag:s7] =	ssyncadd.s32 $0xFFFFA000  }
0x29: {  	_ =	sfence.sel $0x180000  }
0x2a: {  	[bflag:$0x0] =	sbarrier.arrive $0xFFFF  }
0x2b: {  	p0 =	sne.s32 s0, $0x0;
	_ =	strace $0x9000004D  }
0x2c: {  	s0 =	sadd.s32 @!p0 $0x100000, s1;
	[bflag:$0x2] =	sbarrier.arrive $0xFFFF  }
0x2d: {  	[sflag:s0] =	ssyncadd.tile.s32 @!p0 $0x1;
	_ =	shalt  }
.Lfunc_end2:
_tile_overlayer_lowered:
.L_overlay_start_2:
0x2e: {  	(tag) =	ssettag $0x2  }
0x2f: {  	s0 =	rddreg [dreg:$0x0];
	s2 =	stileid.u32  }
0x30: {  	s1 =	rddreg [dreg:$0x1];
	p0 =	sne.s32 s2, $0x0  }
0x31: {  	s3 =	rddreg [dreg:$0x2];
	[bflag:$0x3] =	sbarrier.arrive $0xFFFF;
	s2 =	simm.s32 @!p0 $0x1C01  }
0x32: {  	[timem:s3], [sflag:s2] =	dma.local @!p0 [hbm:s0], s1  }
0x33: {  	s0 =	simm.s32 @!p0 $0x1  }
0x34: {  	_ =	swait.ge @!p0 [sflag:s0], s1  }
0x35: {  	s1 =	ssub.s32 @!p0 $0x0, s1;
	[sflag:s0] =	ssyncset.done @!p0 $0x0  }
0x36: {  	[sflag:s0] =	ssyncadd.s32 @!p0 s1  }
0x37: {  	[bflag:$0x3] =	sbarrier.arrive $0xFFFF  }
0x38: {  	_ =	shalt  }

// kernel: sparse-core-data-format-call.cloned.1.call-start
scs
called_computation_lowered:
.L_overlay_start_0:
0x0: {  	s1 =	sld [smem:$0x3FD9]  }
0x1: {  	s2 =	sld [smem:$0x3FFE];
	_ =	sdelay $0x1  }
0x2: {  	s3 =	srdreg.scid  }
0x3: {  	s0 =	sand.u32 $0x1, s3  }
0x4: {  	s17 =	sshll.u32 s0, $0xA;
	s1 =	sadd.s32 s2, s1  }
0x5: {  	s1 =	sadd.s32 s1, s17  }
0x6: {  	[smem:$0x3FC7] =	sst s1  }
0x7: {  	_ = 	snop  }
0x8: {  	(tm) =	ssettm $0x1  }
0x9: {  	s18 =	sld [smem:$0x3FFB];
	_ =	sdelay $0x3  }
0xa: {  	_ =	strace s18  }
0xb: {  	s1 =	sld [smem:$0x3FFC];
	_ =	sdelay $0x3  }
0xc: {  	_ =	strace s1  }
0xd: {  	s1 =	sld [smem:$0x3FFD];
	_ =	sdelay $0x3  }
0xe: {  	_ =	strace s1  }
0xf: {  	_ =	strace $0x8FFFFFFF  }
0x10: {  	s19 =	sld [smem:$0x3FDB];
	_ =	sdelay $0x1  }
0x11: {  	s20 =	simm.s32 $_scs_section_size  }
0x12: {  	s4 =	simm.s32 $_size__tile_overlayer_lowered;
	s5 =	simm.s32 $_tile_overlayer_lowered  }
0x13: {  	s23 =	simm.s32 $0x1BFF;
	s22 =	sshll.u32 s5, $0x1;
	s1 =	sadd.s32 s20, s19  }
0x14: {  	s6 =	simm.s32 $0x0;
	s21 =	sshll.u32 s4, $0x1;
	s4 =	sadd.s32 s22, s1  }
0x15: {  	[timem:s6], [sflag:s23] =	dma.local [hbm:s4], s21  }
0x16: {  	_ =	swait.ge [sflag:s23], s21  }
0x17: {  	s2 =	ssub.s32 $0x0, s21;
	[sflag:s23] =	ssyncset.done $0x0  }
0x18: {  	[sflag:s23] =	ssyncadd.s32 s2;
	_ =	sdelay $0x1  }
0x19: {  	s24 =	simm.s32 $0x1B8B  }
0x1a: {  	_ =	swait.ge [sflag:s24], $0x1  }
0x1b: {  	[sflag:s24] =	ssyncset.done $0x0  }
0x1c: {  	s26 =	simm.s32 $0x1B8E;
	s25 =	sld [smem:$0x3FFE];
	[sflag:s24] =	ssyncadd.s32 $0xFFFFFFFF  }
0x1d: {  	s27 =	simm.s32 $execute0_lowered;
	[smem:$0x3FD2] =	sst s26  }
0x1e: {  	s4 =	sshll.u32 s27, $0x1;
	_ =	strace $0x80000046;
	[dreg:$0x1] =	wrdreg $0xFFFFFFFF  }
0x1f: {  	s28 =	simm.s32 $_size_execute0_lowered;
	s1 =	sadd.s32 s1, s4;
	[dreg:$0x0] =	wrdreg $0x0  }
0x20: {  	s4 =	sshll.u32 s28, $0x1;
	[dreg:$0x2] =	wrdreg s1  }
0x21: {  	[dreg:$0x3] =	wrdreg s4  }
0x22: {  	[dreg:$0x4] =	wrdreg $0xC0  }
0x23: {  	_ =	task [dreg:s6], $0x5FFFF  }
0x24: {  	[dreg:$0x1] =	wrdreg $0xFFFFFFFF  }
0x25: {  	[dreg:$0x0] =	wrdreg $0x60  }
0x26: {  	[dreg:$0x2] =	wrdreg s25  }
0x27: {  	[dreg:$0x3] =	wrdreg $0x9  }
0x28: {  	_ =	task.clear_ibuf [dreg:s6], $0x4FFFF;
	_ =	strace $0x90000046  }
0x29: {  	s29 =	simm.s32 $0x9;
	_ =	strace $0x80000048  }
0x2a: {  	_ =	swait.ge [sflag:s29], $0x1  }
0x2b: {  	[sflag:s29] =	ssyncadd.s32 $0xFFFFFFFF  }
0x2c: {  	_ =	strace $0x90000048  }
0x2d: {  	_ =	sfence  }
0x2e: {  	s30 =	sld [smem:$0x0];
	_ =	sdelay $0x2  }
0x2f: {  	s31 =	sshll.u32 s3, $0xD;
	s3 =	sshrl.u32 s3, $0x2  }
0x30: {  	s2 =	sand.u32 $0x4000, s31;
	s1 =	sadd.s32 s3, s30  }
0x31: {  	s0 =	sor.u32 s2, s0;
	s1 =	sshll.u32 s1, $0x11  }
0x32: {  	s0 =	sor.u32 s1, s0  }
0x33: {  	s0 =	sadd.s32 $0x8F2B, s0  }
0x34: {  	[sflag:s0] =	ssyncadd.remote.s32 $0x1  }
0x35: {  	_ =	sfence.sel $0xFFFF  }
0x36: {  	[dreg:$0x0] =	wrdreg $0xFFFFFFFF;
	(pc) =	sbr.abs _section_cstart, $3  }
0x37: {  	[dreg:$0x1] =	wrdreg $0xFFFFFFFF  }
0x38: {  	_ =	task.clear_ibuf [dreg:s6], $0x2FFFF;
	_ =	strace $0x9FFFFFFF  }
0x39: {  	(tm) =	ssettm $0x7FFFFFFF  }
tec
execute0_lowered:
.L_overlay_start_1:
0x0: {  	(tag) =	ssettag $0x1  }
0x1: {  	s2 =	rddreg [dreg:$0x0]  }
0x2: {  	s0 =	rddreg [dreg:$0x1];
	_ =	strace $0x80000047;
	s4 =	srdreg.scid  }
0x3: {  	s1 =	stileid.u32;
	s6 =	simm.s32 $0x2;
	s11 =	simm.s32 $0x0  }
.Ltmp0:
0x4: {  	p0 =	por $0x0, $0x0;
	s7 =	simm.s32 $0x4000;
	(pc) =	sbr.rel .LBB1_1-.Ltmp0, $4  }
0x5: {  	s12 =	simm.s32 $0x0;
	s9 =	simm.s32 $0x0;
	s5 =	sshll.u32 s4, $0x4  }
0x6: {  	s8 =	simm.s32 $0x0;
	s4 =	simm.s32 $0x1;
	s5 =	sand.u32 $0x10, s5  }
0x7: {  	s3 =	sadd.s32 $0x2040000, s2;
	[sflag:s4] =	ssyncpa.u1 $0x0;
	s5 =	sor.u32 s1, s5  }
0x8: {  	[sflag:s6] =	ssyncpa.u1 $0x0;
	s6 =	simm.s32 $0x800;
	s10 =	smov.u32 s5  }
.LBB1_7:
0x9: {  	s13 =	sadd.s32 $0x10, s9  }
0xa: {  	s11 =	sadd.s32 $0x20, s10;
	s15 =	smov.u32 s10;
	p2 =	sgt.s32 s13, $0x7F  }
0xb: {  	p1 =	slt.u32 s8, $0x2;
	s15 =	smov.u32 @p2 s11  }
0xc: {  	s8 =	sadd.s32 $0x1, s8;
	s13 =	simm.s32 @p2 $0x0;
	p2 =	sgt.s32 s15, $0x7FF  }
0xd: {  	s15 =	smov.u32 @p2 s5;
	p2 =	sne.s32 s8, $0x202  }
.Ltmp1:
0xe: {  	_ = 	snop;
	(pc) =	sbr.rel @!p2 .LBB1_8-.Ltmp1, $4  }
0xf: {  	s14 =	simm.s32 @!p1 $0x2  }
0x10: {  	s12 =	smov.u32 s10;
	_ =	swait.ge @!p1 [sflag:s14], $0x4000  }
0x11: {  	p0 =	por !p0, !p0;
	s11 =	smov.u32 s9;
	[sflag:s14] =	ssyncset.done @!p1 $0x0  }
0x12: {  	s9 =	smov.u32 s13;
	[sflag:s14] =	ssyncadd.s32 @!p1 $0xFFFFC000;
	s10 =	smov.u32 s15  }
.LBB1_1:
0x13: {  	p1 =	sgt.u32 s8, $0x1FF  }
0x14: {  	s13 =	sxor.u32 @!p1 $0xFFFFFFFF, s8;
	s14 =	sshll.u32 @!p1 s10, $0xE  }
0x15: {  	s15 =	sshll.u32 @!p1 s9, $0x7;
	s13 =	sshll.u32 @!p1 s13, $0xE;
	s14 =	sadd.s32 @!p1 s2, s14  }
0x16: {  	s13 =	sand.u32 @!p1 $0x4000, s13;
	s14 =	sadd.s32 @!p1 s15, s14;
	s15 =	simm.s32 @!p1 $0x0  }
0x17: {  	[tilespmem:s13], [sflag:$0x1] =	stream.linear.gather @!p1 [hbm4b:s14+s15], $0x4000, $0x38;
	[tilespmem:$0x10000] =	vst v63  }
0x18: {  	p1 =	seq.s32 s8, $0x0  }
0x19: {  	p2 =	seq.s32 @!p1 s8, $0x201  }
0x1a: {  	p1 =	por p1, p2  }
.Ltmp2:
0x1b: {  	_ = 	snop;
	(pc) =	sbr.rel @p1 .LBB1_7-.Ltmp2, $1  }
0x1c: {  	_ =	sdelay $0x3  }
0x1d: {  	s13 =	simm.s32 $0x1;
	_ =	swait.ge [sflag:s4], $0x4000;
	s16 =	sshll.u32 s8, $0xE  }
0x1e: {  	s13 =	simm.s32 @!p0 $0x0;
	[sflag:s4] =	ssyncset.done $0x0;
	s31 =	sand.u32 $0x4000, s16  }
0x1f: {  	s16 =	simm.s32 $0x0;
	s14 =	sshll.u32 s13, $0xE;
	[sflag:s4] =	ssyncadd.s32 $0xFFFFC000  }
0x20: {  	s13 =	sor.u32 $0x8040, s14;
	s15 =	sor.u32 $0x40, s14;
	s14 =	sor.u32 $0x8000, s31  }
.LBB1_3:
0x21: {  	v0 =	vmov s15;
	_ =	sdelay $0x3  }
0x22: {  	s18 =	simm.s32 $0x0  }
0x23: {  	v6 =	vld.idx.msk [tilespmem:v0+s18+$0x30 ss:$0x1], $0xffff  }
0x24: {  	v7 =	vld.idx.msk [tilespmem:v0+s18+$0xFFFFFFC0 ss:$0x1], $0xffff  }
0x25: {  	v5 =	vld.idx.msk [tilespmem:v0+s18+$0xFFFFFFD0 ss:$0x1], $0xffff  }
0x26: {  	v4 =	vld.idx.msk [tilespmem:v0+s18+$0xFFFFFFE0 ss:$0x1], $0xffff  }
0x27: {  	v3 =	vld.idx.msk [tilespmem:v0+s18+$0xFFFFFFF0 ss:$0x1], $0xffff  }
0x28: {  	v1 =	vld.idx.msk [tilespmem:v0+s18+$0x0 ss:$0x1], $0xffff  }
0x29: {  	v2 =	vld.idx.msk [tilespmem:v0+s18+$0x10 ss:$0x1], $0xffff;
	[tilespmem:s13+$0x30] =	vst v6  }
0x2a: {  	s17 =	simm.s32 $0x80;
	s19 =	simm.s32 $0x400;
	[tilespmem:s13+$0xFFFFFFC0] =	vst v7;
	v6 =	vld.idx.msk [tilespmem:v0+s18+$0x20 ss:$0x1], $0xffff;
	s18 =	smov.u32 s13  }
.LBB1_4:
0x2b: {  	p1 =	sne.s32 s19, $0xE00;
	v7 =	vld.idx.msk [tilespmem:v0+s17+$0x30 ss:$0x1], $0xffff;
	[tilespmem:s18+$0xFFFFFFD0] =	vst v5  }
0x2c: {  	v8 =	vld.idx.msk [tilespmem:v0+s17+$0xFFFFFFC0 ss:$0x1], $0xffff;
	[tilespmem:s18+$0xFFFFFFE0] =	vst v4  }
0x2d: {  	v5 =	vld.idx.msk [tilespmem:v0+s17+$0xFFFFFFD0 ss:$0x1], $0xffff;
	[tilespmem:s18+$0xFFFFFFF0] =	vst v3  }
.Ltmp3:
0x2e: {  	v4 =	vld.idx.msk [tilespmem:v0+s17+$0xFFFFFFE0 ss:$0x1], $0xffff;
	[tilespmem:s18+$0x0] =	vst v1;
	(pc) =	sbr.rel @p1 .LBB1_4-.Ltmp3, $4  }
0x2f: {  	v3 =	vld.idx.msk [tilespmem:v0+s17+$0xFFFFFFF0 ss:$0x1], $0xffff;
	[tilespmem:s18+$0x10] =	vst v2  }
0x30: {  	v1 =	vld.idx.msk [tilespmem:v0+s17+$0x0 ss:$0x1], $0xffff;
	[tilespmem:s18+$0x20] =	vst v6;
	s18 =	sadd.s32 $0x800, s18  }
0x31: {  	v2 =	vld.idx.msk [tilespmem:v0+s17+$0x10 ss:$0x1], $0xffff;
	[tilespmem:s18+$0x30] =	vst v7  }
0x32: {  	[tilespmem:s18+$0xFFFFFFC0] =	vst v8;
	v6 =	vld.idx.msk [tilespmem:v0+s17+$0x20 ss:$0x1], $0xffff;
	s17 =	sshra.s32 s19, $0x2;
	s19 =	sadd.s32 $0x200, s19  }
0x33: {  	_ =	sdelay $0x2  }
0x34: {  	[tilespmem:s18+$0xFFFFFFD0] =	vst v5  }
0x35: {  	v56 =	vld.idx.msk [tilespmem:v0+s17+$0x30 ss:$0x1], $0xffff;
	[tilespmem:s18+$0xFFFFFFE0] =	vst v4  }
0x36: {  	v57 =	vld.idx.msk [tilespmem:v0+s17+$0xFFFFFFC0 ss:$0x1], $0xffff;
	[tilespmem:s18+$0xFFFFFFF0] =	vst v3  }
0x37: {  	v58 =	vld.idx.msk [tilespmem:v0+s17+$0xFFFFFFD0 ss:$0x1], $0xffff;
	[tilespmem:s18+$0x0] =	vst v1  }
0x38: {  	v59 =	vld.idx.msk [tilespmem:v0+s17+$0xFFFFFFE0 ss:$0x1], $0xffff;
	[tilespmem:s18+$0x10] =	vst v2  }
0x39: {  	v60 =	vld.idx.msk [tilespmem:v0+s17+$0xFFFFFFF0 ss:$0x1], $0xffff;
	s31 =	sadd.s32 $0x800, s18;
	[tilespmem:s18+$0x20] =	vst v6  }
0x3a: {  	v61 =	vld.idx.msk [tilespmem:v0+s17+$0x0 ss:$0x1], $0xffff;
	[tilespmem:s31+$0x30] =	vst v56  }
0x3b: {  	v62 =	vld.idx.msk [tilespmem:v0+s17+$0x10 ss:$0x1], $0xffff;
	s16 =	sadd.s32 $0x1, s16;
	[tilespmem:s31+$0xFFFFFFC0] =	vst v57  }
0x3c: {  	v63 =	vld.idx.msk [tilespmem:v0+s17+$0x20 ss:$0x1], $0xffff;
	p1 =	sne.s32 s16, $0x10;
	[tilespmem:s31+$0xFFFFFFD0] =	vst v58  }
.Ltmp4:
0x3d: {  	[tilespmem:s31+$0xFFFFFFE0] =	vst v59;
	(pc) =	sbr.rel @p1 .LBB1_3-.Ltmp4, $4  }
0x3e: {  	[tilespmem:s31+$0xFFFFFFF0] =	vst v60  }
0x3f: {  	[tilespmem:s31+$0x0] =	vst v61  }
0x40: {  	[tilespmem:s31+$0x10] =	vst v62  }
0x41: {  	s13 =	sadd.s32 $0x80, s13;
	s15 =	sadd.s32 $0x400, s15;
	[tilespmem:s31+$0x20] =	vst v63  }
.Ltmp5:
0x42: {  	(pc) =	sbr.rel .LBB1_7-.Ltmp5, $4  }
0x43: {  	s12 =	sshll.u32 s12, $0xE;
	s11 =	sshll.u32 s11, $0x4  }
0x44: {  	s11 =	sand.u32 $0x7F0, s11;
	s12 =	sadd.s32 s3, s12  }
0x45: {  	s11 =	sadd.s32 s11, s12  }
0x46: {  	[hbm4b:s11+s6] =	stream.strided.scatter [tilespmem:s14], [sflag:$0x2], $0x4000, s7, s6, $0x38;
	[tilespmem:$0x10000] =	vst v63  }
.LBB1_8:
0x47: {  	_ =	sfence.sel $0x180000  }
0x48: {  	s2 =	simm.s32 $0x1;
	[bflag:$0x0] =	sbarrier.arrive $0xFFFF  }
0x49: {  	s31 =	simm.s32 $0x2;
	[sflag:s2] =	ssyncpa.u1 $0x1  }
0x4a: {  	[sflag:s31] =	ssyncpa.u1 $0x1  }
0x4b: {  	p0 =	sne.s32 s1, $0x0;
	_ =	strace $0x90000047  }
0x4c: {  	s0 =	sadd.s32 @!p0 $0x100000, s0;
	[bflag:$0x2] =	sbarrier.arrive $0xFFFF  }
0x4d: {  	[sflag:s0] =	ssyncadd.tile.s32 @!p0 $0x1;
	_ =	shalt  }
.Lfunc_end1:
_tile_overlayer_lowered:
.L_overlay_start_2:
0x4e: {  	(tag) =	ssettag $0x2  }
0x4f: {  	s0 =	rddreg [dreg:$0x0];
	s2 =	stileid.u32  }
0x50: {  	s1 =	rddreg [dreg:$0x1];
	p0 =	sne.s32 s2, $0x0  }
0x51: {  	s3 =	rddreg [dreg:$0x2];
	[bflag:$0x3] =	sbarrier.arrive $0xFFFF;
	s2 =	simm.s32 @!p0 $0x1C01  }
0x52: {  	[timem:s3], [sflag:s2] =	dma.local @!p0 [hbm:s0], s1  }
0x53: {  	s0 =	simm.s32 @!p0 $0x1  }
0x54: {  	_ =	swait.ge @!p0 [sflag:s0], s1  }
0x55: {  	s1 =	ssub.s32 @!p0 $0x0, s1;
	[sflag:s0] =	ssyncset.done @!p0 $0x0  }
0x56: {  	[sflag:s0] =	ssyncadd.s32 @!p0 s1  }
0x57: {  	[bflag:$0x3] =	sbarrier.arrive $0xFFFF  }
0x58: {  	_ =	shalt  }

</sc_bundles>
